<compile_context>
chip_gen: v7x
topology: tpu7x:2x2x1
jax: 0.10.2.dev20260603
libtpu: 0.0.44.dev20260713+nightly
codegen_flags: <defaults>
</compile_context>

<pallas_src>
import dataclasses
import functools

import jax
import jax.numpy as jnp
from jax import lax
from jax.experimental import pallas as pl
from jax.experimental.pallas import tpu as pltpu
from jax.experimental.pallas import tpu_sc as plsc

_BATCH, _SEQ = 4, 8192
_NV = _SEQ // 16
_MAXM = 1229
_TCH = 77

_sc_params = pltpu.CompilerParams()
if "needs_layout_passes" in pltpu.CompilerParams.__dataclass_fields__:
    _sc_params = dataclasses.replace(_sc_params, needs_layout_passes=False)

_mesh = plsc.VectorSubcoreMesh(core_axis_name="c", subcore_axis_name="s",
                               num_cores=1)


def _ffs(mask):
    return jnp.max(plsc.all_reduce_ffs(mask))


def _ext(vec, lane_s, iota):
    return jnp.sum(jnp.where(iota == lane_s, vec, 0))


def _scan32_desc(c_ref, r_s, iota):
    cv1 = c_ref[pl.ds(16, 16)]
    rv1 = lax.rev(cv1, (0,))
    s1 = lax.cumsum(rv1, axis=0)
    l1 = _ffs(s1 >= r_s)
    cv0 = c_ref[pl.ds(0, 16)]
    rv0 = lax.rev(cv0, (0,))
    s0 = lax.cumsum(rv0, axis=0) + jnp.sum(cv1)
    l0 = _ffs(s0 >= r_s)
    in1 = l1 < 16
    cb_s = jnp.where(in1, 31 - l1, 15 - l0)
    sfx_l = jnp.where(in1, _ext(s1, l1, iota), _ext(s0, l0, iota))
    cnt_l = jnp.where(in1, _ext(rv1, l1, iota), _ext(rv0, l0, iota))
    return cb_s, sfx_l - cnt_l


def _fine_desc(f_ref, vreg_s, r_s, G_s, iota):
    fv = f_ref[pl.ds(vreg_s * 16, 16)]
    rvf = lax.rev(fv, (0,))
    sf = lax.cumsum(rvf, axis=0) + G_s
    lf = _ffs(sf >= r_s)
    b_s = vreg_s * 16 + 15 - lf
    return b_s, _ext(sf, lf, iota) - _ext(rvf, lf, iota)


def _chain_scan_desc(c_ref, r_s, iota):
    def body(i, carry):
        acc_s, found_s, vb_s, G_s = carry
        vidx = 31 - i
        cv = c_ref[pl.ds(vidx * 16, 16)]
        rv = lax.rev(cv, (0,))
        sfx = lax.cumsum(rv, axis=0)
        lane = _ffs((sfx + acc_s) >= r_s)
        hit = jnp.logical_and(found_s == 0, lane < 16)
        vb_s = jnp.where(hit, vidx * 16 + 15 - lane, vb_s)
        G_s = jnp.where(hit, acc_s + _ext(sfx, lane, iota) - _ext(rv, lane, iota),
                        G_s)
        found_s = jnp.where(hit, jnp.int32(1), found_s)
        acc_s = acc_s + jnp.sum(cv)
        return acc_s, found_s, vb_s, G_s

    init = (jnp.int32(0), jnp.int32(0), jnp.int32(0), jnp.int32(0))
    _, _, vb_s, G_s = lax.fori_loop(0, 32, body, init)
    return vb_s, G_s


def _sc_body(inp_hbm, rand_hbm, out_hbm, inp_v, rand_v, u_v,
             h1_v, c1_v, h2_v, c2_v, pc_v, res_v, dma_sem1, dma_sem2):
    wid = lax.axis_index("s")

    @pl.when(wid < _BATCH)
    def _():
        cp1 = pltpu.async_copy(inp_hbm.at[wid], inp_v, dma_sem1)
        cp2 = pltpu.async_copy(rand_hbm.at[wid], rand_v, dma_sem2)
        cp1.wait()
        cp2.wait()
        zeros = jnp.zeros((16,), jnp.int32)
        ones = jnp.ones((16,), jnp.int32)
        iota = lax.iota(jnp.int32, 16)

        @pl.loop(0, _NV // 8)
        def _(i):
            for k in range(8):
                h1_v[pl.ds(i * 128 + k * 16, 16)] = zeros

        @pl.loop(0, 4)
        def _(i):
            for k in range(8):
                c1_v[pl.ds(i * 128 + k * 16, 16)] = zeros
                h2_v[pl.ds(i * 128 + k * 16, 16)] = zeros

        c2_v[pl.ds(0, 16)] = zeros
        c2_v[pl.ds(16, 16)] = zeros
        for j in range(5):
            pc_v[pl.ds(j * 16, 16)] = zeros

        def pass_a(i, acc):
            base = i * 128
            for k in range(8):
                off = base + k * 16
                t = inp_v[pl.ds(off, 16)]
                rn = rand_v[pl.ds(off, 16)]
                ign = (t == 0) | (t == 101) | (t == 102)
                bits = lax.bitcast_convert_type(rn, jnp.int32)
                u = jnp.where(ign, jnp.int32(0), bits + jnp.int32(1 << 30))
                u_v[pl.ds(off, 16)] = u
                acc = acc + jnp.where(ign, jnp.int32(0), jnp.int32(1))
                plsc.addupdate_scatter(h1_v, [lax.shift_right_logical(u, 18)], ones)
                plsc.addupdate_scatter(c1_v, [lax.shift_right_logical(u, 22)], ones)
            return acc

        acc = lax.fori_loop(0, _NV // 8, pass_a, zeros)
        num_s = jnp.sum(acc)
        tq = num_s.astype(jnp.float32) * jnp.float32(0.15)
        ti = tq.astype(jnp.int32)
        kq_s = jnp.where(ti.astype(jnp.float32) < tq, ti + 1, ti).astype(jnp.float32)

        @pl.loop(0, 11)
        def _(i):
            for k in range(7):
                w = i * 7 + k
                uu = u_v[pl.ds(w * 16, 16)]
                cnd = (uu >= jnp.int32(1 << 30)) & \
                      ((iota + w * 16) <= jnp.int32(_MAXM - 1))
                plsc.addupdate_scatter(pc_v, [jnp.broadcast_to(w, (16,))], ones,
                                       mask=cnd)

        acc_s = jnp.int32(0)
        w_s = jnp.int32(512)
        accb_s = jnp.int32(0)
        for j in range(5):
            pcv = pc_v[pl.ds(j * 16, 16)]
            cum = lax.cumsum(pcv, axis=0) + acc_s
            lane = _ffs(cum.astype(jnp.float32) > kq_s)
            hit = jnp.logical_and(w_s == 512, lane < 16)
            w_s = jnp.where(hit, j * 16 + lane, w_s)
            accb_s = jnp.where(hit, _ext(cum, lane, iota) - _ext(pcv, lane, iota),
                               accb_s)
            acc_s = acc_s + jnp.sum(pcv)
        wc_s = jnp.minimum(w_s, jnp.int32(_TCH - 1))
        uu = u_v[pl.ds(wc_s * 16, 16)]
        cf = jnp.where(uu >= jnp.int32(1 << 30), jnp.int32(1), jnp.int32(0))
        incl = lax.cumsum(cf, axis=0) + accb_s
        cross = (incl.astype(jnp.float32) > kq_s) & \
                ((iota + wc_s * 16) <= jnp.int32(_MAXM - 1))
        lane = _ffs(cross)
        p_s = jnp.where(jnp.logical_and(w_s < 512, lane < 16),
                        wc_s * 16 + lane, jnp.int32(_SEQ))
        t_b = jnp.minimum(p_s, jnp.int32(_MAXM))

        c1b_s, Gc1_s = _chain_scan_desc(c1_v, t_b, iota)
        b1star_s, G1_s = _fine_desc(h1_v, c1b_s, t_b, Gc1_s, iota)
        r2_s = t_b - G1_s

        @pl.loop(0, _NV // 8)
        def _(i):
            base = i * 128
            for k in range(8):
                off = base + k * 16
                uu = u_v[pl.ds(off, 16)]
                m = lax.shift_right_logical(uu, 18) == b1star_s
                m2 = lax.shift_right_logical(uu, 9) & jnp.int32(511)
                plsc.addupdate_scatter(h2_v, [m2], ones, mask=m)
                plsc.addupdate_scatter(c2_v, [lax.shift_right_logical(m2, 4)],
                                       ones, mask=m)

        cc2_s, Gc2_s = _scan32_desc(c2_v, r2_s, iota)
        m2star_s, G2_s = _fine_desc(h2_v, cc2_s, r2_s, Gc2_s, iota)
        r3_s = r2_s - G2_s
        hi2_s = b1star_s * 512 + m2star_s

        res_v[...] = jnp.where(iota == 0, hi2_s, jnp.int32(0)) + \
                     jnp.where(iota == 1, r3_s, jnp.int32(0))
        pltpu.sync_copy(res_v, out_hbm.at[wid])


_sc_select = functools.partial(
    pl.kernel,
    out_type=jax.ShapeDtypeStruct((_BATCH, 16), jnp.int32),
    mesh=_mesh,
    compiler_params=_sc_params,
    scratch_types=[
        pltpu.VMEM((_SEQ,), jnp.int32),
        pltpu.VMEM((_SEQ,), jnp.float32),
        pltpu.VMEM((_SEQ,), jnp.int32),
        pltpu.VMEM((_SEQ,), jnp.int32),
        pltpu.VMEM((512,), jnp.int32),
        pltpu.VMEM((512,), jnp.int32),
        pltpu.VMEM((32,), jnp.int32),
        pltpu.VMEM((80,), jnp.int32),
        pltpu.VMEM((16,), jnp.int32),
        pltpu.SemaphoreType.DMA,
        pltpu.SemaphoreType.DMA,
    ])(_sc_body)


def _tc_body(inp_ref, rand_ref, rep_ref, thr_ref, out_masked_ref, out_labels_ref):
    inp = inp_ref[...]
    rand = rand_ref[...]
    cand = jnp.logical_not((inp == 0) | (inp == 101) | (inp == 102))
    bits = lax.bitcast_convert_type(rand, jnp.int32)
    u = jnp.where(cand, bits + jnp.int32(1 << 30), jnp.int32(0))
    hi2 = thr_ref[:, 0:1]
    r3 = thr_ref[:, 1:2]
    idx = lax.broadcasted_iota(jnp.int32, (_BATCH, _SEQ), 1)

    cls = lax.shift_right_logical(u, 9) == hi2
    val = u & jnp.int32(511)

    def w_cnt(v):
        return jnp.sum(jnp.where(cls & (val >= v), jnp.int32(1), jnp.int32(0)),
                       axis=1, keepdims=True)

    def w_step(i, lo):
        q = jnp.int32(1024) >> (2 * i + 2)
        p1 = (w_cnt(lo + q) >= r3).astype(jnp.int32)
        p2 = (w_cnt(lo + 2 * q) >= r3).astype(jnp.int32)
        p3 = (w_cnt(lo + 3 * q) >= r3).astype(jnp.int32)
        return lo + q * (p1 + p2 + p3)

    wlo = jax.lax.fori_loop(0, 5, w_step, jnp.zeros((_BATCH, 1), jnp.int32))
    v_star = hi2 * 512 + wlo

    n_gt = jnp.sum(jnp.where(cls & (val > wlo), jnp.int32(1), jnp.int32(0)),
                   axis=1, keepdims=True)
    n_tie = r3 - n_gt
    match = u == v_star

    def c_cnt(v):
        return jnp.sum(jnp.where(match & (idx <= v), jnp.int32(1),
                                 jnp.int32(0)), axis=1, keepdims=True)

    def c_step(i, lo):
        q = jnp.int32(16384) >> (2 * i + 2)
        f1 = (c_cnt(lo + q) < n_tie).astype(jnp.int32)
        f2 = (c_cnt(lo + 2 * q) < n_tie).astype(jnp.int32)
        f3 = (c_cnt(lo + 3 * q) < n_tie).astype(jnp.int32)
        return lo + q * (f1 + f2 + f3)

    clo = jax.lax.fori_loop(0, 7, c_step,
                            jnp.full((_BATCH, 1), -1, jnp.int32))
    c_star = clo + 1

    sel = (u > v_star) | (match & (idx <= c_star))
    rep = rep_ref[...] < jnp.float32(0.9)
    out_masked_ref[...] = jnp.where(sel & rep, jnp.int32(103), inp)
    out_labels_ref[...] = jnp.where(sel, inp, jnp.int32(0))


_tc_mask = pl.pallas_call(
    _tc_body,
    out_shape=(
        jax.ShapeDtypeStruct((_BATCH, _SEQ), jnp.int32),
        jax.ShapeDtypeStruct((_BATCH, _SEQ), jnp.int32),
    ),
)


@jax.jit
def kernel(input, rand_noise, replace_noise):
    thr = _sc_select(input, rand_noise)
    return _tc_mask(input, rand_noise, replace_noise, thr)

# --- scband reference (transcript-rebuilt; emitter-appended) ---
"""Pipeline reference for scband-auto-mask-46480136077756 (READ-ONLY COPY).

The authoritative reference and input builder live on the scoring server;
editing this copy changes nothing except your own understanding.
"""

import math
import jax, jax.numpy as jnp
import numpy as np

MASK_PROB = 0.15
REPLACE_PROB = 0.9
MASK_TOKEN_ID = 103
PAD_TOKEN_ID = 0
IGNORE_IDS = (101, 102, 0)  # mask_ignore_token_ids + pad_token_id
BATCH, SEQ = 4, 8192
VOCAB = 21128


def mask_with_tokens(t, token_ids):
    m = jnp.zeros(t.shape, dtype=bool)
    for tid in token_ids:
        m = m | (t == tid)
    return m


def get_mask_subset_with_prob(mask, prob, rand_noise):
    batch, seq_len = mask.shape
    max_masked = math.ceil(prob * seq_len)
    num_tokens = jnp.sum(mask.astype(jnp.float32), axis=-1, keepdims=True)
    mask_excess = jnp.cumsum(mask.astype(jnp.int32), axis=-1) > jnp.ceil(num_tokens * prob)
    mask_excess = mask_excess[:, :max_masked]
    rand = jnp.where(~mask, jnp.float32(-1e9), rand_noise)
    _, sampled_indices = jax.lax.top_k(rand, max_masked)
    sampled_indices = jnp.where(mask_excess, 0, sampled_indices + 1)
    new_mask = jnp.zeros((batch, seq_len + 1), dtype=jnp.float32)
    new_mask = new_mask.at[jnp.arange(batch)[:, None], sampled_indices].set(1.0)
    return new_mask[:, 1:].astype(bool)


def setup_inputs(seed: int = 0) -> dict:
    key = jax.random.key(seed)
    k1, k2, k3 = jax.random.split(key, 3)
    inp = jax.random.randint(k1, (BATCH, SEQ), 0, VOCAB, dtype=jnp.int32)
    # internal random draws of the torch module, materialized explicitly
    rand_noise = jax.random.uniform(k2, (BATCH, SEQ), dtype=jnp.float32)
    replace_noise = jax.random.uniform(k3, (BATCH, SEQ), dtype=jnp.float32)
    return {"input": inp, "rand_noise": rand_noise, "replace_noise": replace_noise}


def reference(input, rand_noise, replace_noise):
    # probabilitis=[1.0, 0.0, 0.0] => np.random.choice always picks branch 0
    no_mask = mask_with_tokens(input, IGNORE_IDS)
    mask = get_mask_subset_with_prob(~no_mask, MASK_PROB, rand_noise)
    replace_prob = replace_noise < REPLACE_PROB
    masked_input = jnp.where(mask & replace_prob, jnp.int32(MASK_TOKEN_ID), input)
    labels = jnp.where(~mask, jnp.int32(PAD_TOKEN_ID), input)
    return (masked_input, labels)

if __name__ == "__main__":
    import jax
    _d = setup_inputs()
    print(jax.jit(kernel)(*tuple(_d.values())))

</pallas_src>

<mosaic_0001>
#map = affine_map<(d0, d1) -> (0, 0)>
module attributes {stable_mosaic.version = 14 : i64} {
  func.func @_sc_body(%arg0: i32, %arg1: i32, %arg2: memref<4x8192xi32, #tpu.memory_space<hbm>>, %arg3: memref<4x8192xf32, #tpu.memory_space<hbm>>, %arg4: memref<4x16xi32, #tpu.memory_space<hbm>>, %arg5: memref<8192xi32, #tpu.memory_space<vmem>>, %arg6: memref<8192xf32, #tpu.memory_space<vmem>>, %arg7: memref<8192xi32, #tpu.memory_space<vmem>>, %arg8: memref<8192xi32, #tpu.memory_space<vmem>>, %arg9: memref<512xi32, #tpu.memory_space<vmem>>, %arg10: memref<512xi32, #tpu.memory_space<vmem>>, %arg11: memref<32xi32, #tpu.memory_space<vmem>>, %arg12: memref<80xi32, #tpu.memory_space<vmem>>, %arg13: memref<16xi32, #tpu.memory_space<vmem>>, %arg14: memref<!tpu.dma_semaphore, #tpu.memory_space<semaphore_mem>>, %arg15: memref<!tpu.dma_semaphore, #tpu.memory_space<semaphore_mem>>) attributes {dimension_semantics = [#tpu.dimension_semantics<core_parallel>, #tpu.dimension_semantics<subcore_parallel>], iteration_bounds = array<i64: 1, 16>, scalar_prefetch = 0 : i64, scratch_operands = 11 : i64, tpu.core_type = #tpu.core_type<sc_vector_subcore>, window_params = [{transform_indices = #map}, {transform_indices = #map}, {transform_indices = #map}]} {
    %lt3A = arith.constant 4 : i32
    %lt3A_0 = arith.cmpi slt, %arg1, %lt3A : i32
    %convert_element_type3A = arith.extui %lt3A_0 : i1 to i32
    %cond3A = arith.constant 0 : i32
    %cond3A_1 = arith.cmpi ne, %convert_element_type3A, %cond3A : i32
    scf.if %cond3A_1 {
      %dma_start3A = arith.constant 0 : i32
      %dma_start3A_2 = tpu.memref_slice %arg2[%arg1, %dma_start3A] : memref<4x8192xi32, #tpu.memory_space<hbm>> -> memref<1x8192xi32, #tpu.memory_space<hbm>>
      %dma_start3A_3 = tpu.memref_squeeze %dma_start3A_2 : memref<1x8192xi32, #tpu.memory_space<hbm>> -> memref<8192xi32, #tpu.memory_space<hbm>>
      %dma_start3A_4 = arith.constant 0 : i32
      %dma_start3A_5 = tpu.memref_slice %arg2[%arg1, %dma_start3A_4] : memref<4x8192xi32, #tpu.memory_space<hbm>> -> memref<1x8192xi32, #tpu.memory_space<hbm>>
      %dma_start3A_6 = tpu.memref_squeeze %dma_start3A_5 : memref<1x8192xi32, #tpu.memory_space<hbm>> -> memref<8192xi32, #tpu.memory_space<hbm>>
      tpu.enqueue_dma source(%dma_start3A_6 : memref<8192xi32, #tpu.memory_space<hbm>>) target(%arg5 : memref<8192xi32, #tpu.memory_space<vmem>>) target_semaphore(%arg14 : memref<!tpu.dma_semaphore, #tpu.memory_space<semaphore_mem>>)
      %dma_start3A_7 = arith.constant 0 : i32
      %dma_start3A_8 = tpu.memref_slice %arg3[%arg1, %dma_start3A_7] : memref<4x8192xf32, #tpu.memory_space<hbm>> -> memref<1x8192xf32, #tpu.memory_space<hbm>>
      %dma_start3A_9 = tpu.memref_squeeze %dma_start3A_8 : memref<1x8192xf32, #tpu.memory_space<hbm>> -> memref<8192xf32, #tpu.memory_space<hbm>>
      %dma_start3A_10 = arith.constant 0 : i32
      %dma_start3A_11 = tpu.memref_slice %arg3[%arg1, %dma_start3A_10] : memref<4x8192xf32, #tpu.memory_space<hbm>> -> memref<1x8192xf32, #tpu.memory_space<hbm>>
      %dma_start3A_12 = tpu.memref_squeeze %dma_start3A_11 : memref<1x8192xf32, #tpu.memory_space<hbm>> -> memref<8192xf32, #tpu.memory_space<hbm>>
      tpu.enqueue_dma source(%dma_start3A_12 : memref<8192xf32, #tpu.memory_space<hbm>>) target(%arg6 : memref<8192xf32, #tpu.memory_space<vmem>>) target_semaphore(%arg15 : memref<!tpu.dma_semaphore, #tpu.memory_space<semaphore_mem>>)
      %dma_wait3A = arith.constant 0 : i32
      %dma_wait3A_13 = tpu.memref_slice %arg2[%arg1, %dma_wait3A] : memref<4x8192xi32, #tpu.memory_space<hbm>> -> memref<1x8192xi32, #tpu.memory_space<hbm>>
      %dma_wait3A_14 = tpu.memref_squeeze %dma_wait3A_13 : memref<1x8192xi32, #tpu.memory_space<hbm>> -> memref<8192xi32, #tpu.memory_space<hbm>>
      %dma_wait3A_15 = arith.constant 0 : i32
      %dma_wait3A_16 = tpu.memref_slice %arg2[%arg1, %dma_wait3A_15] : memref<4x8192xi32, #tpu.memory_space<hbm>> -> memref<1x8192xi32, #tpu.memory_space<hbm>>
      %dma_wait3A_17 = tpu.memref_squeeze %dma_wait3A_16 : memref<1x8192xi32, #tpu.memory_space<hbm>> -> memref<8192xi32, #tpu.memory_space<hbm>>
      tpu.wait_dma2 semaphore(%arg14 : memref<!tpu.dma_semaphore, #tpu.memory_space<semaphore_mem>>) src(%dma_wait3A_17 : memref<8192xi32, #tpu.memory_space<hbm>>) dst(%arg5 : memref<8192xi32, #tpu.memory_space<vmem>>)
      %dma_wait3A_18 = arith.constant 0 : i32
      %dma_wait3A_19 = tpu.memref_slice %arg3[%arg1, %dma_wait3A_18] : memref<4x8192xf32, #tpu.memory_space<hbm>> -> memref<1x8192xf32, #tpu.memory_space<hbm>>
      %dma_wait3A_20 = tpu.memref_squeeze %dma_wait3A_19 : memref<1x8192xf32, #tpu.memory_space<hbm>> -> memref<8192xf32, #tpu.memory_space<hbm>>
      %dma_wait3A_21 = arith.constant 0 : i32
      %dma_wait3A_22 = tpu.memref_slice %arg3[%arg1, %dma_wait3A_21] : memref<4x8192xf32, #tpu.memory_space<hbm>> -> memref<1x8192xf32, #tpu.memory_space<hbm>>
      %dma_wait3A_23 = tpu.memref_squeeze %dma_wait3A_22 : memref<1x8192xf32, #tpu.memory_space<hbm>> -> memref<8192xf32, #tpu.memory_space<hbm>>
      tpu.wait_dma2 semaphore(%arg15 : memref<!tpu.dma_semaphore, #tpu.memory_space<semaphore_mem>>) src(%dma_wait3A_23 : memref<8192xf32, #tpu.memory_space<hbm>>) dst(%arg6 : memref<8192xf32, #tpu.memory_space<vmem>>)
      %broadcast_in_dim3A = arith.constant 0 : i32
      %broadcast_in_dim3A_24 = vector.broadcast %broadcast_in_dim3A : i32 to vector<16xi32>
      %broadcast_in_dim3A_25 = arith.constant 1 : i32
      %broadcast_in_dim3A_26 = vector.broadcast %broadcast_in_dim3A_25 : i32 to vector<16xi32>
      %iota3A = tpu.iota {dimensions = array<i32: 0>} : vector<16xi32>
      %scan3A = arith.constant 0 : i32
      %scan3A_27 = arith.constant 64 : i32
      %scan3A_28 = arith.addi %scan3A, %scan3A_27 : i32
      %scan3A_29 = arith.constant 1 : i32
      scf.for %scan3A_602 = %scan3A to %scan3A_28 step %scan3A_29  : i32 {
        %mul3A_603 = arith.constant 1 : i32
        %mul3A_604 = arith.muli %scan3A_602, %mul3A_603 : i32
        %add3A_605 = arith.constant 0 : i32
        %add3A_606 = arith.addi %add3A_605, %mul3A_604 : i32
        %mul3A_607 = arith.constant 128 : i32
        %mul3A_608 = arith.muli %add3A_606, %mul3A_607 : i32
        %add3A_609 = arith.constant 0 : i32
        %add3A_610 = arith.addi %mul3A_608, %add3A_609 : i32
        %swap3A_611 = arith.index_cast %add3A_610 : i32 to index
        %swap3A_612 = tpu.vector_load %arg8[%swap3A_611] {strides = array<i32>} : memref<8192xi32, #tpu.memory_space<vmem>>, vector<16xi32>,
        tpu.vector_store %arg8[%swap3A_611], %broadcast_in_dim3A_24 {strides = array<i32>} : memref<8192xi32, #tpu.memory_space<vmem>>, vector<16xi32>,
        %mul3A_613 = arith.constant 128 : i32
        %mul3A_614 = arith.muli %add3A_606, %mul3A_613 : i32
        %add3A_615 = arith.constant 16 : i32
        %add3A_616 = arith.addi %mul3A_614, %add3A_615 : i32
        %swap3A_617 = arith.index_cast %add3A_616 : i32 to index
        %swap3A_618 = tpu.vector_load %arg8[%swap3A_617] {strides = array<i32>} : memref<8192xi32, #tpu.memory_space<vmem>>, vector<16xi32>,
        tpu.vector_store %arg8[%swap3A_617], %broadcast_in_dim3A_24 {strides = array<i32>} : memref<8192xi32, #tpu.memory_space<vmem>>, vector<16xi32>,
        %mul3A_619 = arith.constant 128 : i32
        %mul3A_620 = arith.muli %add3A_606, %mul3A_619 : i32
        %add3A_621 = arith.constant 32 : i32
        %add3A_622 = arith.addi %mul3A_620, %add3A_621 : i32
        %swap3A_623 = arith.index_cast %add3A_622 : i32 to index
        %swap3A_624 = tpu.vector_load %arg8[%swap3A_623] {strides = array<i32>} : memref<8192xi32, #tpu.memory_space<vmem>>, vector<16xi32>,
        tpu.vector_store %arg8[%swap3A_623], %broadcast_in_dim3A_24 {strides = array<i32>} : memref<8192xi32, #tpu.memory_space<vmem>>, vector<16xi32>,
        %mul3A_625 = arith.constant 128 : i32
        %mul3A_626 = arith.muli %add3A_606, %mul3A_625 : i32
        %add3A_627 = arith.constant 48 : i32
        %add3A_628 = arith.addi %mul3A_626, %add3A_627 : i32
        %swap3A_629 = arith.index_cast %add3A_628 : i32 to index
        %swap3A_630 = tpu.vector_load %arg8[%swap3A_629] {strides = array<i32>} : memref<8192xi32, #tpu.memory_space<vmem>>, vector<16xi32>,
        tpu.vector_store %arg8[%swap3A_629], %broadcast_in_dim3A_24 {strides = array<i32>} : memref<8192xi32, #tpu.memory_space<vmem>>, vector<16xi32>,
        %mul3A_631 = arith.constant 128 : i32
        %mul3A_632 = arith.muli %add3A_606, %mul3A_631 : i32
        %add3A_633 = arith.constant 64 : i32
        %add3A_634 = arith.addi %mul3A_632, %add3A_633 : i32
        %swap3A_635 = arith.index_cast %add3A_634 : i32 to index
        %swap3A_636 = tpu.vector_load %arg8[%swap3A_635] {strides = array<i32>} : memref<8192xi32, #tpu.memory_space<vmem>>, vector<16xi32>,
        tpu.vector_store %arg8[%swap3A_635], %broadcast_in_dim3A_24 {strides = array<i32>} : memref<8192xi32, #tpu.memory_space<vmem>>, vector<16xi32>,
        %mul3A_637 = arith.constant 128 : i32
        %mul3A_638 = arith.muli %add3A_606, %mul3A_637 : i32
        %add3A_639 = arith.constant 80 : i32
        %add3A_640 = arith.addi %mul3A_638, %add3A_639 : i32
        %swap3A_641 = arith.index_cast %add3A_640 : i32 to index
        %swap3A_642 = tpu.vector_load %arg8[%swap3A_641] {strides = array<i32>} : memref<8192xi32, #tpu.memory_space<vmem>>, vector<16xi32>,
        tpu.vector_store %arg8[%swap3A_641], %broadcast_in_dim3A_24 {strides = array<i32>} : memref<8192xi32, #tpu.memory_space<vmem>>, vector<16xi32>,
        %mul3A_643 = arith.constant 128 : i32
        %mul3A_644 = arith.muli %add3A_606, %mul3A_643 : i32
        %add3A_645 = arith.constant 96 : i32
        %add3A_646 = arith.addi %mul3A_644, %add3A_645 : i32
        %swap3A_647 = arith.index_cast %add3A_646 : i32 to index
        %swap3A_648 = tpu.vector_load %arg8[%swap3A_647] {strides = array<i32>} : memref<8192xi32, #tpu.memory_space<vmem>>, vector<16xi32>,
        tpu.vector_store %arg8[%swap3A_647], %broadcast_in_dim3A_24 {strides = array<i32>} : memref<8192xi32, #tpu.memory_space<vmem>>, vector<16xi32>,
        %mul3A_649 = arith.constant 128 : i32
        %mul3A_650 = arith.muli %add3A_606, %mul3A_649 : i32
        %add3A_651 = arith.constant 112 : i32
        %add3A_652 = arith.addi %mul3A_650, %add3A_651 : i32
        %swap3A_653 = arith.index_cast %add3A_652 : i32 to index
        %swap3A_654 = tpu.vector_load %arg8[%swap3A_653] {strides = array<i32>} : memref<8192xi32, #tpu.memory_space<vmem>>, vector<16xi32>,
        tpu.vector_store %arg8[%swap3A_653], %broadcast_in_dim3A_24 {strides = array<i32>} : memref<8192xi32, #tpu.memory_space<vmem>>, vector<16xi32>,
      }
      %scan3A_30 = arith.constant 64 : i32
      %scan3A_31 = arith.constant 0 : i32
      %scan3A_32 = arith.constant 4 : i32
      %scan3A_33 = arith.addi %scan3A_31, %scan3A_32 : i32
      %scan3A_34 = arith.constant 1 : i32
      scf.for %scan3A_602 = %scan3A_31 to %scan3A_33 step %scan3A_34  : i32 {
        %mul3A_603 = arith.constant 1 : i32
        %mul3A_604 = arith.muli %scan3A_602, %mul3A_603 : i32
        %add3A_605 = arith.constant 0 : i32
        %add3A_606 = arith.addi %add3A_605, %mul3A_604 : i32
        %mul3A_607 = arith.constant 128 : i32
        %mul3A_608 = arith.muli %add3A_606, %mul3A_607 : i32
        %add3A_609 = arith.constant 0 : i32
        %add3A_610 = arith.addi %mul3A_608, %add3A_609 : i32
        %swap3A_611 = arith.index_cast %add3A_610 : i32 to index
        %swap3A_612 = tpu.vector_load %arg9[%swap3A_611] {strides = array<i32>} : memref<512xi32, #tpu.memory_space<vmem>>, vector<16xi32>,
        tpu.vector_store %arg9[%swap3A_611], %broadcast_in_dim3A_24 {strides = array<i32>} : memref<512xi32, #tpu.memory_space<vmem>>, vector<16xi32>,
        %mul3A_613 = arith.constant 128 : i32
        %mul3A_614 = arith.muli %add3A_606, %mul3A_613 : i32
        %add3A_615 = arith.constant 0 : i32
        %add3A_616 = arith.addi %mul3A_614, %add3A_615 : i32
        %swap3A_617 = arith.index_cast %add3A_616 : i32 to index
        %swap3A_618 = tpu.vector_load %arg10[%swap3A_617] {strides = array<i32>} : memref<512xi32, #tpu.memory_space<vmem>>, vector<16xi32>,
        tpu.vector_store %arg10[%swap3A_617], %broadcast_in_dim3A_24 {strides = array<i32>} : memref<512xi32, #tpu.memory_space<vmem>>, vector<16xi32>,
        %mul3A_619 = arith.constant 128 : i32
        %mul3A_620 = arith.muli %add3A_606, %mul3A_619 : i32
        %add3A_621 = arith.constant 16 : i32
        %add3A_622 = arith.addi %mul3A_620, %add3A_621 : i32
        %swap3A_623 = arith.index_cast %add3A_622 : i32 to index
        %swap3A_624 = tpu.vector_load %arg9[%swap3A_623] {strides = array<i32>} : memref<512xi32, #tpu.memory_space<vmem>>, vector<16xi32>,
        tpu.vector_store %arg9[%swap3A_623], %broadcast_in_dim3A_24 {strides = array<i32>} : memref<512xi32, #tpu.memory_space<vmem>>, vector<16xi32>,
        %mul3A_625 = arith.constant 128 : i32
        %mul3A_626 = arith.muli %add3A_606, %mul3A_625 : i32
        %add3A_627 = arith.constant 16 : i32
        %add3A_628 = arith.addi %mul3A_626, %add3A_627 : i32
        %swap3A_629 = arith.index_cast %add3A_628 : i32 to index
        %swap3A_630 = tpu.vector_load %arg10[%swap3A_629] {strides = array<i32>} : memref<512xi32, #tpu.memory_space<vmem>>, vector<16xi32>,
        tpu.vector_store %arg10[%swap3A_629], %broadcast_in_dim3A_24 {strides = array<i32>} : memref<512xi32, #tpu.memory_space<vmem>>, vector<16xi32>,
        %mul3A_631 = arith.constant 128 : i32
        %mul3A_632 = arith.muli %add3A_606, %mul3A_631 : i32
        %add3A_633 = arith.constant 32 : i32
        %add3A_634 = arith.addi %mul3A_632, %add3A_633 : i32
        %swap3A_635 = arith.index_cast %add3A_634 : i32 to index
        %swap3A_636 = tpu.vector_load %arg9[%swap3A_635] {strides = array<i32>} : memref<512xi32, #tpu.memory_space<vmem>>, vector<16xi32>,
        tpu.vector_store %arg9[%swap3A_635], %broadcast_in_dim3A_24 {strides = array<i32>} : memref<512xi32, #tpu.memory_space<vmem>>, vector<16xi32>,
        %mul3A_637 = arith.constant 128 : i32
        %mul3A_638 = arith.muli %add3A_606, %mul3A_637 : i32
        %add3A_639 = arith.constant 32 : i32
        %add3A_640 = arith.addi %mul3A_638, %add3A_639 : i32
        %swap3A_641 = arith.index_cast %add3A_640 : i32 to index
        %swap3A_642 = tpu.vector_load %arg10[%swap3A_641] {strides = array<i32>} : memref<512xi32, #tpu.memory_space<vmem>>, vector<16xi32>,
        tpu.vector_store %arg10[%swap3A_641], %broadcast_in_dim3A_24 {strides = array<i32>} : memref<512xi32, #tpu.memory_space<vmem>>, vector<16xi32>,
        %mul3A_643 = arith.constant 128 : i32
        %mul3A_644 = arith.muli %add3A_606, %mul3A_643 : i32
        %add3A_645 = arith.constant 48 : i32
        %add3A_646 = arith.addi %mul3A_644, %add3A_645 : i32
        %swap3A_647 = arith.index_cast %add3A_646 : i32 to index
        %swap3A_648 = tpu.vector_load %arg9[%swap3A_647] {strides = array<i32>} : memref<512xi32, #tpu.memory_space<vmem>>, vector<16xi32>,
        tpu.vector_store %arg9[%swap3A_647], %broadcast_in_dim3A_24 {strides = array<i32>} : memref<512xi32, #tpu.memory_space<vmem>>, vector<16xi32>,
        %mul3A_649 = arith.constant 128 : i32
        %mul3A_650 = arith.muli %add3A_606, %mul3A_649 : i32
        %add3A_651 = arith.constant 48 : i32
        %add3A_652 = arith.addi %mul3A_650, %add3A_651 : i32
        %swap3A_653 = arith.index_cast %add3A_652 : i32 to index
        %swap3A_654 = tpu.vector_load %arg10[%swap3A_653] {strides = array<i32>} : memref<512xi32, #tpu.memory_space<vmem>>, vector<16xi32>,
        tpu.vector_store %arg10[%swap3A_653], %broadcast_in_dim3A_24 {strides = array<i32>} : memref<512xi32, #tpu.memory_space<vmem>>, vector<16xi32>,
        %mul3A_655 = arith.constant 128 : i32
        %mul3A_656 = arith.muli %add3A_606, %mul3A_655 : i32
        %add3A_657 = arith.constant 64 : i32
        %add3A_658 = arith.addi %mul3A_656, %add3A_657 : i32
        %swap3A_659 = arith.index_cast %add3A_658 : i32 to index
        %swap3A_660 = tpu.vector_load %arg9[%swap3A_659] {strides = array<i32>} : memref<512xi32, #tpu.memory_space<vmem>>, vector<16xi32>,
        tpu.vector_store %arg9[%swap3A_659], %broadcast_in_dim3A_24 {strides = array<i32>} : memref<512xi32, #tpu.memory_space<vmem>>, vector<16xi32>,
        %mul3A_661 = arith.constant 128 : i32
        %mul3A_662 = arith.muli %add3A_606, %mul3A_661 : i32
        %add3A_663 = arith.constant 64 : i32
        %add3A_664 = arith.addi %mul3A_662, %add3A_663 : i32
        %swap3A_665 = arith.index_cast %add3A_664 : i32 to index
        %swap3A_666 = tpu.vector_load %arg10[%swap3A_665] {strides = array<i32>} : memref<512xi32, #tpu.memory_space<vmem>>, vector<16xi32>,
        tpu.vector_store %arg10[%swap3A_665], %broadcast_in_dim3A_24 {strides = array<i32>} : memref<512xi32, #tpu.memory_space<vmem>>, vector<16xi32>,
        %mul3A_667 = arith.constant 128 : i32
        %mul3A_668 = arith.muli %add3A_606, %mul3A_667 : i32
        %add3A_669 = arith.constant 80 : i32
        %add3A_670 = arith.addi %mul3A_668, %add3A_669 : i32
        %swap3A_671 = arith.index_cast %add3A_670 : i32 to index
        %swap3A_672 = tpu.vector_load %arg9[%swap3A_671] {strides = array<i32>} : memref<512xi32, #tpu.memory_space<vmem>>, vector<16xi32>,
        tpu.vector_store %arg9[%swap3A_671], %broadcast_in_dim3A_24 {strides = array<i32>} : memref<512xi32, #tpu.memory_space<vmem>>, vector<16xi32>,
        %mul3A_673 = arith.constant 128 : i32
        %mul3A_674 = arith.muli %add3A_606, %mul3A_673 : i32
        %add3A_675 = arith.constant 80 : i32
        %add3A_676 = arith.addi %mul3A_674, %add3A_675 : i32
        %swap3A_677 = arith.index_cast %add3A_676 : i32 to index
        %swap3A_678 = tpu.vector_load %arg10[%swap3A_677] {strides = array<i32>} : memref<512xi32, #tpu.memory_space<vmem>>, vector<16xi32>,
        tpu.vector_store %arg10[%swap3A_677], %broadcast_in_dim3A_24 {strides = array<i32>} : memref<512xi32, #tpu.memory_space<vmem>>, vector<16xi32>,
        %mul3A_679 = arith.constant 128 : i32
        %mul3A_680 = arith.muli %add3A_606, %mul3A_679 : i32
        %add3A_681 = arith.constant 96 : i32
        %add3A_682 = arith.addi %mul3A_680, %add3A_681 : i32
        %swap3A_683 = arith.index_cast %add3A_682 : i32 to index
        %swap3A_684 = tpu.vector_load %arg9[%swap3A_683] {strides = array<i32>} : memref<512xi32, #tpu.memory_space<vmem>>, vector<16xi32>,
        tpu.vector_store %arg9[%swap3A_683], %broadcast_in_dim3A_24 {strides = array<i32>} : memref<512xi32, #tpu.memory_space<vmem>>, vector<16xi32>,
        %mul3A_685 = arith.constant 128 : i32
        %mul3A_686 = arith.muli %add3A_606, %mul3A_685 : i32
        %add3A_687 = arith.constant 96 : i32
        %add3A_688 = arith.addi %mul3A_686, %add3A_687 : i32
        %swap3A_689 = arith.index_cast %add3A_688 : i32 to index
        %swap3A_690 = tpu.vector_load %arg10[%swap3A_689] {strides = array<i32>} : memref<512xi32, #tpu.memory_space<vmem>>, vector<16xi32>,
        tpu.vector_store %arg10[%swap3A_689], %broadcast_in_dim3A_24 {strides = array<i32>} : memref<512xi32, #tpu.memory_space<vmem>>, vector<16xi32>,
        %mul3A_691 = arith.constant 128 : i32
        %mul3A_692 = arith.muli %add3A_606, %mul3A_691 : i32
        %add3A_693 = arith.constant 112 : i32
        %add3A_694 = arith.addi %mul3A_692, %add3A_693 : i32
        %swap3A_695 = arith.index_cast %add3A_694 : i32 to index
        %swap3A_696 = tpu.vector_load %arg9[%swap3A_695] {strides = array<i32>} : memref<512xi32, #tpu.memory_space<vmem>>, vector<16xi32>,
        tpu.vector_store %arg9[%swap3A_695], %broadcast_in_dim3A_24 {strides = array<i32>} : memref<512xi32, #tpu.memory_space<vmem>>, vector<16xi32>,
        %mul3A_697 = arith.constant 128 : i32
        %mul3A_698 = arith.muli %add3A_606, %mul3A_697 : i32
        %add3A_699 = arith.constant 112 : i32
        %add3A_700 = arith.addi %mul3A_698, %add3A_699 : i32
        %swap3A_701 = arith.index_cast %add3A_700 : i32 to index
        %swap3A_702 = tpu.vector_load %arg10[%swap3A_701] {strides = array<i32>} : memref<512xi32, #tpu.memory_space<vmem>>, vector<16xi32>,
        tpu.vector_store %arg10[%swap3A_701], %broadcast_in_dim3A_24 {strides = array<i32>} : memref<512xi32, #tpu.memory_space<vmem>>, vector<16xi32>,
      }
      %scan3A_35 = arith.constant 4 : i32
      %swap3A = arith.constant 0 : index
      %swap3A_36 = tpu.vector_load %arg11[%swap3A] {strides = array<i32>} : memref<32xi32, #tpu.memory_space<vmem>>, vector<16xi32>,
      tpu.vector_store %arg11[%swap3A], %broadcast_in_dim3A_24 {strides = array<i32>} : memref<32xi32, #tpu.memory_space<vmem>>, vector<16xi32>,
      %swap3A_37 = arith.constant 16 : index
      %swap3A_38 = tpu.vector_load %arg11[%swap3A_37] {strides = array<i32>} : memref<32xi32, #tpu.memory_space<vmem>>, vector<16xi32>,
      tpu.vector_store %arg11[%swap3A_37], %broadcast_in_dim3A_24 {strides = array<i32>} : memref<32xi32, #tpu.memory_space<vmem>>, vector<16xi32>,
      %swap3A_39 = arith.constant 0 : index
      %swap3A_40 = tpu.vector_load %arg12[%swap3A_39] {strides = array<i32>} : memref<80xi32, #tpu.memory_space<vmem>>, vector<16xi32>,
      tpu.vector_store %arg12[%swap3A_39], %broadcast_in_dim3A_24 {strides = array<i32>} : memref<80xi32, #tpu.memory_space<vmem>>, vector<16xi32>,
      %swap3A_41 = arith.constant 16 : index
      %swap3A_42 = tpu.vector_load %arg12[%swap3A_41] {strides = array<i32>} : memref<80xi32, #tpu.memory_space<vmem>>, vector<16xi32>,
      tpu.vector_store %arg12[%swap3A_41], %broadcast_in_dim3A_24 {strides = array<i32>} : memref<80xi32, #tpu.memory_space<vmem>>, vector<16xi32>,
      %swap3A_43 = arith.constant 32 : index
      %swap3A_44 = tpu.vector_load %arg12[%swap3A_43] {strides = array<i32>} : memref<80xi32, #tpu.memory_space<vmem>>, vector<16xi32>,
      tpu.vector_store %arg12[%swap3A_43], %broadcast_in_dim3A_24 {strides = array<i32>} : memref<80xi32, #tpu.memory_space<vmem>>, vector<16xi32>,
      %swap3A_45 = arith.constant 48 : index
      %swap3A_46 = tpu.vector_load %arg12[%swap3A_45] {strides = array<i32>} : memref<80xi32, #tpu.memory_space<vmem>>, vector<16xi32>,
      tpu.vector_store %arg12[%swap3A_45], %broadcast_in_dim3A_24 {strides = array<i32>} : memref<80xi32, #tpu.memory_space<vmem>>, vector<16xi32>,
      %swap3A_47 = arith.constant 64 : index
      %swap3A_48 = tpu.vector_load %arg12[%swap3A_47] {strides = array<i32>} : memref<80xi32, #tpu.memory_space<vmem>>, vector<16xi32>,
      tpu.vector_store %arg12[%swap3A_47], %broadcast_in_dim3A_24 {strides = array<i32>} : memref<80xi32, #tpu.memory_space<vmem>>, vector<16xi32>,
      %scan3A_49 = arith.constant 0 : i32
      %scan3A_50 = arith.constant 64 : i32
      %scan3A_51 = arith.addi %scan3A_49, %scan3A_50 : i32
      %scan3A_52 = arith.constant 1 : i32
      %scan3A_53 = scf.for %scan3A_602 = %scan3A_49 to %scan3A_51 step %scan3A_52 iter_args(%scan3A_603 = %broadcast_in_dim3A_24) -> (vector<16xi32>)  : i32 {
        %mul3A_604 = arith.constant 128 : i32
        %mul3A_605 = arith.muli %scan3A_602, %mul3A_604 : i32
        %add3A_606 = arith.constant 0 : i32
        %add3A_607 = arith.addi %mul3A_605, %add3A_606 : i32
        %get3A_608 = arith.index_cast %add3A_607 : i32 to index
        %get3A_609 = tpu.vector_load %arg5[%get3A_608] {strides = array<i32>} : memref<8192xi32, #tpu.memory_space<vmem>>, vector<16xi32>,
        %get3A_610 = arith.index_cast %add3A_607 : i32 to index
        %get3A_611 = tpu.vector_load %arg6[%get3A_610] {strides = array<i32>} : memref<8192xf32, #tpu.memory_space<vmem>>, vector<16xf32>,
        %eq3A_612 = arith.constant 0 : i32
        %eq3A_613 = vector.broadcast %eq3A_612 : i32 to vector<16xi32>
        %eq3A_614 = arith.cmpi eq, %get3A_609, %eq3A_613 : vector<16xi32>
        %eq3A_615 = arith.constant 101 : i32
        %eq3A_616 = vector.broadcast %eq3A_615 : i32 to vector<16xi32>
        %eq3A_617 = arith.cmpi eq, %get3A_609, %eq3A_616 : vector<16xi32>
        %or3A = arith.ori %eq3A_614, %eq3A_617 : vector<16xi1>
        %eq3A_618 = arith.constant 102 : i32
        %eq3A_619 = vector.broadcast %eq3A_618 : i32 to vector<16xi32>
        %eq3A_620 = arith.cmpi eq, %get3A_609, %eq3A_619 : vector<16xi32>
        %or3A_621 = arith.ori %or3A, %eq3A_620 : vector<16xi1>
        %bitcast_convert_type3A = tpu.bitcast %get3A_611 : vector<16xf32> -> vector<16xi32>
        %add3A_622 = arith.constant 1073741824 : i32
        %add3A_623 = vector.broadcast %add3A_622 : i32 to vector<16xi32>
        %add3A_624 = arith.addi %bitcast_convert_type3A, %add3A_623 : vector<16xi32>
        %jit3A_625 = arith.constant 0 : i32
        %broadcast_in_dim3A_626 = vector.broadcast %jit3A_625 : i32 to vector<16xi32>
        %select_n3A_627 = arith.select %or3A_621, %broadcast_in_dim3A_626, %add3A_624 : vector<16xi1>, vector<16xi32>
        %swap3A_628 = arith.index_cast %add3A_607 : i32 to index
        %swap3A_629 = tpu.vector_load %arg7[%swap3A_628] {strides = array<i32>} : memref<8192xi32, #tpu.memory_space<vmem>>, vector<16xi32>,
        tpu.vector_store %arg7[%swap3A_628], %select_n3A_627 {strides = array<i32>} : memref<8192xi32, #tpu.memory_space<vmem>>, vector<16xi32>,
        %jit3A_630 = arith.constant 0 : i32
        %jit3A_631 = arith.constant 1 : i32
        %broadcast_in_dim3A_632 = vector.broadcast %jit3A_630 : i32 to vector<16xi32>
        %broadcast_in_dim3A_633 = vector.broadcast %jit3A_631 : i32 to vector<16xi32>
        %select_n3A_634 = arith.select %or3A_621, %broadcast_in_dim3A_632, %broadcast_in_dim3A_633 : vector<16xi1>, vector<16xi32>
        %add3A_635 = arith.addi %scan3A_603, %select_n3A_634 : vector<16xi32>
        %shift_right_logical3A = arith.constant 18 : i32
        %shift_right_logical3A_636 = vector.broadcast %shift_right_logical3A : i32 to vector<16xi32>
        %shift_right_logical3A_637 = arith.shrui %select_n3A_627, %shift_right_logical3A_636 : vector<16xi32>
        tpu.vector_store_idx %arg8[%shift_right_logical3A_637], %broadcast_in_dim3A_26 {add = true} : memref<8192xi32, #tpu.memory_space<vmem>>[vector<16xi32>], vector<16xi32>,
        %shift_right_logical3A_638 = arith.constant 22 : i32
        %shift_right_logical3A_639 = vector.broadcast %shift_right_logical3A_638 : i32 to vector<16xi32>
        %shift_right_logical3A_640 = arith.shrui %select_n3A_627, %shift_right_logical3A_639 : vector<16xi32>
        tpu.vector_store_idx %arg9[%shift_right_logical3A_640], %broadcast_in_dim3A_26 {add = true} : memref<512xi32, #tpu.memory_space<vmem>>[vector<16xi32>], vector<16xi32>,
        %add3A_641 = arith.constant 16 : i32
        %add3A_642 = arith.addi %mul3A_605, %add3A_641 : i32
        %get3A_643 = arith.index_cast %add3A_642 : i32 to index
        %get3A_644 = tpu.vector_load %arg5[%get3A_643] {strides = array<i32>} : memref<8192xi32, #tpu.memory_space<vmem>>, vector<16xi32>,
        %get3A_645 = arith.index_cast %add3A_642 : i32 to index
        %get3A_646 = tpu.vector_load %arg6[%get3A_645] {strides = array<i32>} : memref<8192xf32, #tpu.memory_space<vmem>>, vector<16xf32>,
        %eq3A_647 = arith.constant 0 : i32
        %eq3A_648 = vector.broadcast %eq3A_647 : i32 to vector<16xi32>
        %eq3A_649 = arith.cmpi eq, %get3A_644, %eq3A_648 : vector<16xi32>
        %eq3A_650 = arith.constant 101 : i32
        %eq3A_651 = vector.broadcast %eq3A_650 : i32 to vector<16xi32>
        %eq3A_652 = arith.cmpi eq, %get3A_644, %eq3A_651 : vector<16xi32>
        %or3A_653 = arith.ori %eq3A_649, %eq3A_652 : vector<16xi1>
        %eq3A_654 = arith.constant 102 : i32
        %eq3A_655 = vector.broadcast %eq3A_654 : i32 to vector<16xi32>
        %eq3A_656 = arith.cmpi eq, %get3A_644, %eq3A_655 : vector<16xi32>
        %or3A_657 = arith.ori %or3A_653, %eq3A_656 : vector<16xi1>
        %bitcast_convert_type3A_658 = tpu.bitcast %get3A_646 : vector<16xf32> -> vector<16xi32>
        %add3A_659 = arith.constant 1073741824 : i32
        %add3A_660 = vector.broadcast %add3A_659 : i32 to vector<16xi32>
        %add3A_661 = arith.addi %bitcast_convert_type3A_658, %add3A_660 : vector<16xi32>
        %jit3A_662 = arith.constant 0 : i32
        %broadcast_in_dim3A_663 = vector.broadcast %jit3A_662 : i32 to vector<16xi32>
        %select_n3A_664 = arith.select %or3A_657, %broadcast_in_dim3A_663, %add3A_661 : vector<16xi1>, vector<16xi32>
        %swap3A_665 = arith.index_cast %add3A_642 : i32 to index
        %swap3A_666 = tpu.vector_load %arg7[%swap3A_665] {strides = array<i32>} : memref<8192xi32, #tpu.memory_space<vmem>>, vector<16xi32>,
        tpu.vector_store %arg7[%swap3A_665], %select_n3A_664 {strides = array<i32>} : memref<8192xi32, #tpu.memory_space<vmem>>, vector<16xi32>,
        %jit3A_667 = arith.constant 0 : i32
        %jit3A_668 = arith.constant 1 : i32
        %broadcast_in_dim3A_669 = vector.broadcast %jit3A_667 : i32 to vector<16xi32>
        %broadcast_in_dim3A_670 = vector.broadcast %jit3A_668 : i32 to vector<16xi32>
        %select_n3A_671 = arith.select %or3A_657, %broadcast_in_dim3A_669, %broadcast_in_dim3A_670 : vector<16xi1>, vector<16xi32>
        %add3A_672 = arith.addi %add3A_635, %select_n3A_671 : vector<16xi32>
        %shift_right_logical3A_673 = arith.constant 18 : i32
        %shift_right_logical3A_674 = vector.broadcast %shift_right_logical3A_673 : i32 to vector<16xi32>
        %shift_right_logical3A_675 = arith.shrui %select_n3A_664, %shift_right_logical3A_674 : vector<16xi32>
        tpu.vector_store_idx %arg8[%shift_right_logical3A_675], %broadcast_in_dim3A_26 {add = true} : memref<8192xi32, #tpu.memory_space<vmem>>[vector<16xi32>], vector<16xi32>,
        %shift_right_logical3A_676 = arith.constant 22 : i32
        %shift_right_logical3A_677 = vector.broadcast %shift_right_logical3A_676 : i32 to vector<16xi32>
        %shift_right_logical3A_678 = arith.shrui %select_n3A_664, %shift_right_logical3A_677 : vector<16xi32>
        tpu.vector_store_idx %arg9[%shift_right_logical3A_678], %broadcast_in_dim3A_26 {add = true} : memref<512xi32, #tpu.memory_space<vmem>>[vector<16xi32>], vector<16xi32>,
        %add3A_679 = arith.constant 32 : i32
        %add3A_680 = arith.addi %mul3A_605, %add3A_679 : i32
        %get3A_681 = arith.index_cast %add3A_680 : i32 to index
        %get3A_682 = tpu.vector_load %arg5[%get3A_681] {strides = array<i32>} : memref<8192xi32, #tpu.memory_space<vmem>>, vector<16xi32>,
        %get3A_683 = arith.index_cast %add3A_680 : i32 to index
        %get3A_684 = tpu.vector_load %arg6[%get3A_683] {strides = array<i32>} : memref<8192xf32, #tpu.memory_space<vmem>>, vector<16xf32>,
        %eq3A_685 = arith.constant 0 : i32
        %eq3A_686 = vector.broadcast %eq3A_685 : i32 to vector<16xi32>
        %eq3A_687 = arith.cmpi eq, %get3A_682, %eq3A_686 : vector<16xi32>
        %eq3A_688 = arith.constant 101 : i32
        %eq3A_689 = vector.broadcast %eq3A_688 : i32 to vector<16xi32>
        %eq3A_690 = arith.cmpi eq, %get3A_682, %eq3A_689 : vector<16xi32>
        %or3A_691 = arith.ori %eq3A_687, %eq3A_690 : vector<16xi1>
        %eq3A_692 = arith.constant 102 : i32
        %eq3A_693 = vector.broadcast %eq3A_692 : i32 to vector<16xi32>
        %eq3A_694 = arith.cmpi eq, %get3A_682, %eq3A_693 : vector<16xi32>
        %or3A_695 = arith.ori %or3A_691, %eq3A_694 : vector<16xi1>
        %bitcast_convert_type3A_696 = tpu.bitcast %get3A_684 : vector<16xf32> -> vector<16xi32>
        %add3A_697 = arith.constant 1073741824 : i32
        %add3A_698 = vector.broadcast %add3A_697 : i32 to vector<16xi32>
        %add3A_699 = arith.addi %bitcast_convert_type3A_696, %add3A_698 : vector<16xi32>
        %jit3A_700 = arith.constant 0 : i32
        %broadcast_in_dim3A_701 = vector.broadcast %jit3A_700 : i32 to vector<16xi32>
        %select_n3A_702 = arith.select %or3A_695, %broadcast_in_dim3A_701, %add3A_699 : vector<16xi1>, vector<16xi32>
        %swap3A_703 = arith.index_cast %add3A_680 : i32 to index
        %swap3A_704 = tpu.vector_load %arg7[%swap3A_703] {strides = array<i32>} : memref<8192xi32, #tpu.memory_space<vmem>>, vector<16xi32>,
        tpu.vector_store %arg7[%swap3A_703], %select_n3A_702 {strides = array<i32>} : memref<8192xi32, #tpu.memory_space<vmem>>, vector<16xi32>,
        %jit3A_705 = arith.constant 0 : i32
        %jit3A_706 = arith.constant 1 : i32
        %broadcast_in_dim3A_707 = vector.broadcast %jit3A_705 : i32 to vector<16xi32>
        %broadcast_in_dim3A_708 = vector.broadcast %jit3A_706 : i32 to vector<16xi32>
        %select_n3A_709 = arith.select %or3A_695, %broadcast_in_dim3A_707, %broadcast_in_dim3A_708 : vector<16xi1>, vector<16xi32>
        %add3A_710 = arith.addi %add3A_672, %select_n3A_709 : vector<16xi32>
        %shift_right_logical3A_711 = arith.constant 18 : i32
        %shift_right_logical3A_712 = vector.broadcast %shift_right_logical3A_711 : i32 to vector<16xi32>
        %shift_right_logical3A_713 = arith.shrui %select_n3A_702, %shift_right_logical3A_712 : vector<16xi32>
        tpu.vector_store_idx %arg8[%shift_right_logical3A_713], %broadcast_in_dim3A_26 {add = true} : memref<8192xi32, #tpu.memory_space<vmem>>[vector<16xi32>], vector<16xi32>,
        %shift_right_logical3A_714 = arith.constant 22 : i32
        %shift_right_logical3A_715 = vector.broadcast %shift_right_logical3A_714 : i32 to vector<16xi32>
        %shift_right_logical3A_716 = arith.shrui %select_n3A_702, %shift_right_logical3A_715 : vector<16xi32>
        tpu.vector_store_idx %arg9[%shift_right_logical3A_716], %broadcast_in_dim3A_26 {add = true} : memref<512xi32, #tpu.memory_space<vmem>>[vector<16xi32>], vector<16xi32>,
        %add3A_717 = arith.constant 48 : i32
        %add3A_718 = arith.addi %mul3A_605, %add3A_717 : i32
        %get3A_719 = arith.index_cast %add3A_718 : i32 to index
        %get3A_720 = tpu.vector_load %arg5[%get3A_719] {strides = array<i32>} : memref<8192xi32, #tpu.memory_space<vmem>>, vector<16xi32>,
        %get3A_721 = arith.index_cast %add3A_718 : i32 to index
        %get3A_722 = tpu.vector_load %arg6[%get3A_721] {strides = array<i32>} : memref<8192xf32, #tpu.memory_space<vmem>>, vector<16xf32>,
        %eq3A_723 = arith.constant 0 : i32
        %eq3A_724 = vector.broadcast %eq3A_723 : i32 to vector<16xi32>
        %eq3A_725 = arith.cmpi eq, %get3A_720, %eq3A_724 : vector<16xi32>
        %eq3A_726 = arith.constant 101 : i32
        %eq3A_727 = vector.broadcast %eq3A_726 : i32 to vector<16xi32>
        %eq3A_728 = arith.cmpi eq, %get3A_720, %eq3A_727 : vector<16xi32>
        %or3A_729 = arith.ori %eq3A_725, %eq3A_728 : vector<16xi1>
        %eq3A_730 = arith.constant 102 : i32
        %eq3A_731 = vector.broadcast %eq3A_730 : i32 to vector<16xi32>
        %eq3A_732 = arith.cmpi eq, %get3A_720, %eq3A_731 : vector<16xi32>
        %or3A_733 = arith.ori %or3A_729, %eq3A_732 : vector<16xi1>
        %bitcast_convert_type3A_734 = tpu.bitcast %get3A_722 : vector<16xf32> -> vector<16xi32>
        %add3A_735 = arith.constant 1073741824 : i32
        %add3A_736 = vector.broadcast %add3A_735 : i32 to vector<16xi32>
        %add3A_737 = arith.addi %bitcast_convert_type3A_734, %add3A_736 : vector<16xi32>
        %jit3A_738 = arith.constant 0 : i32
        %broadcast_in_dim3A_739 = vector.broadcast %jit3A_738 : i32 to vector<16xi32>
        %select_n3A_740 = arith.select %or3A_733, %broadcast_in_dim3A_739, %add3A_737 : vector<16xi1>, vector<16xi32>
        %swap3A_741 = arith.index_cast %add3A_718 : i32 to index
        %swap3A_742 = tpu.vector_load %arg7[%swap3A_741] {strides = array<i32>} : memref<8192xi32, #tpu.memory_space<vmem>>, vector<16xi32>,
        tpu.vector_store %arg7[%swap3A_741], %select_n3A_740 {strides = array<i32>} : memref<8192xi32, #tpu.memory_space<vmem>>, vector<16xi32>,
        %jit3A_743 = arith.constant 0 : i32
        %jit3A_744 = arith.constant 1 : i32
        %broadcast_in_dim3A_745 = vector.broadcast %jit3A_743 : i32 to vector<16xi32>
        %broadcast_in_dim3A_746 = vector.broadcast %jit3A_744 : i32 to vector<16xi32>
        %select_n3A_747 = arith.select %or3A_733, %broadcast_in_dim3A_745, %broadcast_in_dim3A_746 : vector<16xi1>, vector<16xi32>
        %add3A_748 = arith.addi %add3A_710, %select_n3A_747 : vector<16xi32>
        %shift_right_logical3A_749 = arith.constant 18 : i32
        %shift_right_logical3A_750 = vector.broadcast %shift_right_logical3A_749 : i32 to vector<16xi32>
        %shift_right_logical3A_751 = arith.shrui %select_n3A_740, %shift_right_logical3A_750 : vector<16xi32>
        tpu.vector_store_idx %arg8[%shift_right_logical3A_751], %broadcast_in_dim3A_26 {add = true} : memref<8192xi32, #tpu.memory_space<vmem>>[vector<16xi32>], vector<16xi32>,
        %shift_right_logical3A_752 = arith.constant 22 : i32
        %shift_right_logical3A_753 = vector.broadcast %shift_right_logical3A_752 : i32 to vector<16xi32>
        %shift_right_logical3A_754 = arith.shrui %select_n3A_740, %shift_right_logical3A_753 : vector<16xi32>
        tpu.vector_store_idx %arg9[%shift_right_logical3A_754], %broadcast_in_dim3A_26 {add = true} : memref<512xi32, #tpu.memory_space<vmem>>[vector<16xi32>], vector<16xi32>,
        %add3A_755 = arith.constant 64 : i32
        %add3A_756 = arith.addi %mul3A_605, %add3A_755 : i32
        %get3A_757 = arith.index_cast %add3A_756 : i32 to index
        %get3A_758 = tpu.vector_load %arg5[%get3A_757] {strides = array<i32>} : memref<8192xi32, #tpu.memory_space<vmem>>, vector<16xi32>,
        %get3A_759 = arith.index_cast %add3A_756 : i32 to index
        %get3A_760 = tpu.vector_load %arg6[%get3A_759] {strides = array<i32>} : memref<8192xf32, #tpu.memory_space<vmem>>, vector<16xf32>,
        %eq3A_761 = arith.constant 0 : i32
        %eq3A_762 = vector.broadcast %eq3A_761 : i32 to vector<16xi32>
        %eq3A_763 = arith.cmpi eq, %get3A_758, %eq3A_762 : vector<16xi32>
        %eq3A_764 = arith.constant 101 : i32
        %eq3A_765 = vector.broadcast %eq3A_764 : i32 to vector<16xi32>
        %eq3A_766 = arith.cmpi eq, %get3A_758, %eq3A_765 : vector<16xi32>
        %or3A_767 = arith.ori %eq3A_763, %eq3A_766 : vector<16xi1>
        %eq3A_768 = arith.constant 102 : i32
        %eq3A_769 = vector.broadcast %eq3A_768 : i32 to vector<16xi32>
        %eq3A_770 = arith.cmpi eq, %get3A_758, %eq3A_769 : vector<16xi32>
        %or3A_771 = arith.ori %or3A_767, %eq3A_770 : vector<16xi1>
        %bitcast_convert_type3A_772 = tpu.bitcast %get3A_760 : vector<16xf32> -> vector<16xi32>
        %add3A_773 = arith.constant 1073741824 : i32
        %add3A_774 = vector.broadcast %add3A_773 : i32 to vector<16xi32>
        %add3A_775 = arith.addi %bitcast_convert_type3A_772, %add3A_774 : vector<16xi32>
        %jit3A_776 = arith.constant 0 : i32
        %broadcast_in_dim3A_777 = vector.broadcast %jit3A_776 : i32 to vector<16xi32>
        %select_n3A_778 = arith.select %or3A_771, %broadcast_in_dim3A_777, %add3A_775 : vector<16xi1>, vector<16xi32>
        %swap3A_779 = arith.index_cast %add3A_756 : i32 to index
        %swap3A_780 = tpu.vector_load %arg7[%swap3A_779] {strides = array<i32>} : memref<8192xi32, #tpu.memory_space<vmem>>, vector<16xi32>,
        tpu.vector_store %arg7[%swap3A_779], %select_n3A_778 {strides = array<i32>} : memref<8192xi32, #tpu.memory_space<vmem>>, vector<16xi32>,
        %jit3A_781 = arith.constant 0 : i32
        %jit3A_782 = arith.constant 1 : i32
        %broadcast_in_dim3A_783 = vector.broadcast %jit3A_781 : i32 to vector<16xi32>
        %broadcast_in_dim3A_784 = vector.broadcast %jit3A_782 : i32 to vector<16xi32>
        %select_n3A_785 = arith.select %or3A_771, %broadcast_in_dim3A_783, %broadcast_in_dim3A_784 : vector<16xi1>, vector<16xi32>
        %add3A_786 = arith.addi %add3A_748, %select_n3A_785 : vector<16xi32>
        %shift_right_logical3A_787 = arith.constant 18 : i32
        %shift_right_logical3A_788 = vector.broadcast %shift_right_logical3A_787 : i32 to vector<16xi32>
        %shift_right_logical3A_789 = arith.shrui %select_n3A_778, %shift_right_logical3A_788 : vector<16xi32>
        tpu.vector_store_idx %arg8[%shift_right_logical3A_789], %broadcast_in_dim3A_26 {add = true} : memref<8192xi32, #tpu.memory_space<vmem>>[vector<16xi32>], vector<16xi32>,
        %shift_right_logical3A_790 = arith.constant 22 : i32
        %shift_right_logical3A_791 = vector.broadcast %shift_right_logical3A_790 : i32 to vector<16xi32>
        %shift_right_logical3A_792 = arith.shrui %select_n3A_778, %shift_right_logical3A_791 : vector<16xi32>
        tpu.vector_store_idx %arg9[%shift_right_logical3A_792], %broadcast_in_dim3A_26 {add = true} : memref<512xi32, #tpu.memory_space<vmem>>[vector<16xi32>], vector<16xi32>,
        %add3A_793 = arith.constant 80 : i32
        %add3A_794 = arith.addi %mul3A_605, %add3A_793 : i32
        %get3A_795 = arith.index_cast %add3A_794 : i32 to index
        %get3A_796 = tpu.vector_load %arg5[%get3A_795] {strides = array<i32>} : memref<8192xi32, #tpu.memory_space<vmem>>, vector<16xi32>,
        %get3A_797 = arith.index_cast %add3A_794 : i32 to index
        %get3A_798 = tpu.vector_load %arg6[%get3A_797] {strides = array<i32>} : memref<8192xf32, #tpu.memory_space<vmem>>, vector<16xf32>,
        %eq3A_799 = arith.constant 0 : i32
        %eq3A_800 = vector.broadcast %eq3A_799 : i32 to vector<16xi32>
        %eq3A_801 = arith.cmpi eq, %get3A_796, %eq3A_800 : vector<16xi32>
        %eq3A_802 = arith.constant 101 : i32
        %eq3A_803 = vector.broadcast %eq3A_802 : i32 to vector<16xi32>
        %eq3A_804 = arith.cmpi eq, %get3A_796, %eq3A_803 : vector<16xi32>
        %or3A_805 = arith.ori %eq3A_801, %eq3A_804 : vector<16xi1>
        %eq3A_806 = arith.constant 102 : i32
        %eq3A_807 = vector.broadcast %eq3A_806 : i32 to vector<16xi32>
        %eq3A_808 = arith.cmpi eq, %get3A_796, %eq3A_807 : vector<16xi32>
        %or3A_809 = arith.ori %or3A_805, %eq3A_808 : vector<16xi1>
        %bitcast_convert_type3A_810 = tpu.bitcast %get3A_798 : vector<16xf32> -> vector<16xi32>
        %add3A_811 = arith.constant 1073741824 : i32
        %add3A_812 = vector.broadcast %add3A_811 : i32 to vector<16xi32>
        %add3A_813 = arith.addi %bitcast_convert_type3A_810, %add3A_812 : vector<16xi32>
        %jit3A_814 = arith.constant 0 : i32
        %broadcast_in_dim3A_815 = vector.broadcast %jit3A_814 : i32 to vector<16xi32>
        %select_n3A_816 = arith.select %or3A_809, %broadcast_in_dim3A_815, %add3A_813 : vector<16xi1>, vector<16xi32>
        %swap3A_817 = arith.index_cast %add3A_794 : i32 to index
        %swap3A_818 = tpu.vector_load %arg7[%swap3A_817] {strides = array<i32>} : memref<8192xi32, #tpu.memory_space<vmem>>, vector<16xi32>,
        tpu.vector_store %arg7[%swap3A_817], %select_n3A_816 {strides = array<i32>} : memref<8192xi32, #tpu.memory_space<vmem>>, vector<16xi32>,
        %jit3A_819 = arith.constant 0 : i32
        %jit3A_820 = arith.constant 1 : i32
        %broadcast_in_dim3A_821 = vector.broadcast %jit3A_819 : i32 to vector<16xi32>
        %broadcast_in_dim3A_822 = vector.broadcast %jit3A_820 : i32 to vector<16xi32>
        %select_n3A_823 = arith.select %or3A_809, %broadcast_in_dim3A_821, %broadcast_in_dim3A_822 : vector<16xi1>, vector<16xi32>
        %add3A_824 = arith.addi %add3A_786, %select_n3A_823 : vector<16xi32>
        %shift_right_logical3A_825 = arith.constant 18 : i32
        %shift_right_logical3A_826 = vector.broadcast %shift_right_logical3A_825 : i32 to vector<16xi32>
        %shift_right_logical3A_827 = arith.shrui %select_n3A_816, %shift_right_logical3A_826 : vector<16xi32>
        tpu.vector_store_idx %arg8[%shift_right_logical3A_827], %broadcast_in_dim3A_26 {add = true} : memref<8192xi32, #tpu.memory_space<vmem>>[vector<16xi32>], vector<16xi32>,
        %shift_right_logical3A_828 = arith.constant 22 : i32
        %shift_right_logical3A_829 = vector.broadcast %shift_right_logical3A_828 : i32 to vector<16xi32>
        %shift_right_logical3A_830 = arith.shrui %select_n3A_816, %shift_right_logical3A_829 : vector<16xi32>
        tpu.vector_store_idx %arg9[%shift_right_logical3A_830], %broadcast_in_dim3A_26 {add = true} : memref<512xi32, #tpu.memory_space<vmem>>[vector<16xi32>], vector<16xi32>,
        %add3A_831 = arith.constant 96 : i32
        %add3A_832 = arith.addi %mul3A_605, %add3A_831 : i32
        %get3A_833 = arith.index_cast %add3A_832 : i32 to index
        %get3A_834 = tpu.vector_load %arg5[%get3A_833] {strides = array<i32>} : memref<8192xi32, #tpu.memory_space<vmem>>, vector<16xi32>,
        %get3A_835 = arith.index_cast %add3A_832 : i32 to index
        %get3A_836 = tpu.vector_load %arg6[%get3A_835] {strides = array<i32>} : memref<8192xf32, #tpu.memory_space<vmem>>, vector<16xf32>,
        %eq3A_837 = arith.constant 0 : i32
        %eq3A_838 = vector.broadcast %eq3A_837 : i32 to vector<16xi32>
        %eq3A_839 = arith.cmpi eq, %get3A_834, %eq3A_838 : vector<16xi32>
        %eq3A_840 = arith.constant 101 : i32
        %eq3A_841 = vector.broadcast %eq3A_840 : i32 to vector<16xi32>
        %eq3A_842 = arith.cmpi eq, %get3A_834, %eq3A_841 : vector<16xi32>
        %or3A_843 = arith.ori %eq3A_839, %eq3A_842 : vector<16xi1>
        %eq3A_844 = arith.constant 102 : i32
        %eq3A_845 = vector.broadcast %eq3A_844 : i32 to vector<16xi32>
        %eq3A_846 = arith.cmpi eq, %get3A_834, %eq3A_845 : vector<16xi32>
        %or3A_847 = arith.ori %or3A_843, %eq3A_846 : vector<16xi1>
        %bitcast_convert_type3A_848 = tpu.bitcast %get3A_836 : vector<16xf32> -> vector<16xi32>
        %add3A_849 = arith.constant 1073741824 : i32
        %add3A_850 = vector.broadcast %add3A_849 : i32 to vector<16xi32>
        %add3A_851 = arith.addi %bitcast_convert_type3A_848, %add3A_850 : vector<16xi32>
        %jit3A_852 = arith.constant 0 : i32
        %broadcast_in_dim3A_853 = vector.broadcast %jit3A_852 : i32 to vector<16xi32>
        %select_n3A_854 = arith.select %or3A_847, %broadcast_in_dim3A_853, %add3A_851 : vector<16xi1>, vector<16xi32>
        %swap3A_855 = arith.index_cast %add3A_832 : i32 to index
        %swap3A_856 = tpu.vector_load %arg7[%swap3A_855] {strides = array<i32>} : memref<8192xi32, #tpu.memory_space<vmem>>, vector<16xi32>,
        tpu.vector_store %arg7[%swap3A_855], %select_n3A_854 {strides = array<i32>} : memref<8192xi32, #tpu.memory_space<vmem>>, vector<16xi32>,
        %jit3A_857 = arith.constant 0 : i32
        %jit3A_858 = arith.constant 1 : i32
        %broadcast_in_dim3A_859 = vector.broadcast %jit3A_857 : i32 to vector<16xi32>
        %broadcast_in_dim3A_860 = vector.broadcast %jit3A_858 : i32 to vector<16xi32>
        %select_n3A_861 = arith.select %or3A_847, %broadcast_in_dim3A_859, %broadcast_in_dim3A_860 : vector<16xi1>, vector<16xi32>
        %add3A_862 = arith.addi %add3A_824, %select_n3A_861 : vector<16xi32>
        %shift_right_logical3A_863 = arith.constant 18 : i32
        %shift_right_logical3A_864 = vector.broadcast %shift_right_logical3A_863 : i32 to vector<16xi32>
        %shift_right_logical3A_865 = arith.shrui %select_n3A_854, %shift_right_logical3A_864 : vector<16xi32>
        tpu.vector_store_idx %arg8[%shift_right_logical3A_865], %broadcast_in_dim3A_26 {add = true} : memref<8192xi32, #tpu.memory_space<vmem>>[vector<16xi32>], vector<16xi32>,
        %shift_right_logical3A_866 = arith.constant 22 : i32
        %shift_right_logical3A_867 = vector.broadcast %shift_right_logical3A_866 : i32 to vector<16xi32>
        %shift_right_logical3A_868 = arith.shrui %select_n3A_854, %shift_right_logical3A_867 : vector<16xi32>
        tpu.vector_store_idx %arg9[%shift_right_logical3A_868], %broadcast_in_dim3A_26 {add = true} : memref<512xi32, #tpu.memory_space<vmem>>[vector<16xi32>], vector<16xi32>,
        %add3A_869 = arith.constant 112 : i32
        %add3A_870 = arith.addi %mul3A_605, %add3A_869 : i32
        %get3A_871 = arith.index_cast %add3A_870 : i32 to index
        %get3A_872 = tpu.vector_load %arg5[%get3A_871] {strides = array<i32>} : memref<8192xi32, #tpu.memory_space<vmem>>, vector<16xi32>,
        %get3A_873 = arith.index_cast %add3A_870 : i32 to index
        %get3A_874 = tpu.vector_load %arg6[%get3A_873] {strides = array<i32>} : memref<8192xf32, #tpu.memory_space<vmem>>, vector<16xf32>,
        %eq3A_875 = arith.constant 0 : i32
        %eq3A_876 = vector.broadcast %eq3A_875 : i32 to vector<16xi32>
        %eq3A_877 = arith.cmpi eq, %get3A_872, %eq3A_876 : vector<16xi32>
        %eq3A_878 = arith.constant 101 : i32
        %eq3A_879 = vector.broadcast %eq3A_878 : i32 to vector<16xi32>
        %eq3A_880 = arith.cmpi eq, %get3A_872, %eq3A_879 : vector<16xi32>
        %or3A_881 = arith.ori %eq3A_877, %eq3A_880 : vector<16xi1>
        %eq3A_882 = arith.constant 102 : i32
        %eq3A_883 = vector.broadcast %eq3A_882 : i32 to vector<16xi32>
        %eq3A_884 = arith.cmpi eq, %get3A_872, %eq3A_883 : vector<16xi32>
        %or3A_885 = arith.ori %or3A_881, %eq3A_884 : vector<16xi1>
        %bitcast_convert_type3A_886 = tpu.bitcast %get3A_874 : vector<16xf32> -> vector<16xi32>
        %add3A_887 = arith.constant 1073741824 : i32
        %add3A_888 = vector.broadcast %add3A_887 : i32 to vector<16xi32>
        %add3A_889 = arith.addi %bitcast_convert_type3A_886, %add3A_888 : vector<16xi32>
        %jit3A_890 = arith.constant 0 : i32
        %broadcast_in_dim3A_891 = vector.broadcast %jit3A_890 : i32 to vector<16xi32>
        %select_n3A_892 = arith.select %or3A_885, %broadcast_in_dim3A_891, %add3A_889 : vector<16xi1>, vector<16xi32>
        %swap3A_893 = arith.index_cast %add3A_870 : i32 to index
        %swap3A_894 = tpu.vector_load %arg7[%swap3A_893] {strides = array<i32>} : memref<8192xi32, #tpu.memory_space<vmem>>, vector<16xi32>,
        tpu.vector_store %arg7[%swap3A_893], %select_n3A_892 {strides = array<i32>} : memref<8192xi32, #tpu.memory_space<vmem>>, vector<16xi32>,
        %jit3A_895 = arith.constant 0 : i32
        %jit3A_896 = arith.constant 1 : i32
        %broadcast_in_dim3A_897 = vector.broadcast %jit3A_895 : i32 to vector<16xi32>
        %broadcast_in_dim3A_898 = vector.broadcast %jit3A_896 : i32 to vector<16xi32>
        %select_n3A_899 = arith.select %or3A_885, %broadcast_in_dim3A_897, %broadcast_in_dim3A_898 : vector<16xi1>, vector<16xi32>
        %add3A_900 = arith.addi %add3A_862, %select_n3A_899 : vector<16xi32>
        %shift_right_logical3A_901 = arith.constant 18 : i32
        %shift_right_logical3A_902 = vector.broadcast %shift_right_logical3A_901 : i32 to vector<16xi32>
        %shift_right_logical3A_903 = arith.shrui %select_n3A_892, %shift_right_logical3A_902 : vector<16xi32>
        tpu.vector_store_idx %arg8[%shift_right_logical3A_903], %broadcast_in_dim3A_26 {add = true} : memref<8192xi32, #tpu.memory_space<vmem>>[vector<16xi32>], vector<16xi32>,
        %shift_right_logical3A_904 = arith.constant 22 : i32
        %shift_right_logical3A_905 = vector.broadcast %shift_right_logical3A_904 : i32 to vector<16xi32>
        %shift_right_logical3A_906 = arith.shrui %select_n3A_892, %shift_right_logical3A_905 : vector<16xi32>
        tpu.vector_store_idx %arg9[%shift_right_logical3A_906], %broadcast_in_dim3A_26 {add = true} : memref<512xi32, #tpu.memory_space<vmem>>[vector<16xi32>], vector<16xi32>,
        scf.yield %add3A_900 : vector<16xi32>
      }
      %scan3A_54 = arith.constant 64 : i32
      %reduce_sum3A = arith.constant true
      %reduce_sum3A_55 = vector.broadcast %reduce_sum3A : i1 to vector<16xi1>
      %reduce_sum3A_56 = tpu.scan <sum>, %scan3A_53 masked %reduce_sum3A_55 : vector<16xi32>, vector<16xi1> -> vector<16xi32>
      %reduce_sum3A_57 = vector.extract %reduce_sum3A_56[15] : i32 from vector<16xi32>
      %convert_element_type3A_58 = arith.sitofp %reduce_sum3A_57 : i32 to f32
      %mul3A = arith.constant 1.500000e-01 : f32
      %mul3A_59 = arith.mulf %convert_element_type3A_58, %mul3A : f32
      %convert_element_type3A_60 = arith.fptosi %mul3A_59 : f32 to i32
      %convert_element_type3A_61 = arith.sitofp %convert_element_type3A_60 : i32 to f32
      %lt3A_62 = arith.cmpf olt, %convert_element_type3A_61, %mul3A_59 : f32
      %add3A = arith.constant 1 : i32
      %add3A_63 = arith.addi %convert_element_type3A_60, %add3A : i32
      %select_n3A = arith.select %lt3A_62, %add3A_63, %convert_element_type3A_60 : i32
      %convert_element_type3A_64 = arith.sitofp %select_n3A : i32 to f32
      %scan3A_65 = arith.constant 0 : i32
      %scan3A_66 = arith.constant 11 : i32
      %scan3A_67 = arith.addi %scan3A_65, %scan3A_66 : i32
      %scan3A_68 = arith.constant 1 : i32
      scf.for %scan3A_602 = %scan3A_65 to %scan3A_67 step %scan3A_68  : i32 {
        %mul3A_603 = arith.constant 1 : i32
        %mul3A_604 = arith.muli %scan3A_602, %mul3A_603 : i32
        %add3A_605 = arith.constant 0 : i32
        %add3A_606 = arith.addi %add3A_605, %mul3A_604 : i32
        %mul3A_607 = arith.constant 7 : i32
        %mul3A_608 = arith.muli %add3A_606, %mul3A_607 : i32
        %add3A_609 = arith.constant 0 : i32
        %add3A_610 = arith.addi %mul3A_608, %add3A_609 : i32
        %mul3A_611 = arith.constant 16 : i32
        %mul3A_612 = arith.muli %add3A_610, %mul3A_611 : i32
        %get3A_613 = arith.index_cast %mul3A_612 : i32 to index
        %get3A_614 = tpu.vector_load %arg7[%get3A_613] {strides = array<i32>} : memref<8192xi32, #tpu.memory_space<vmem>>, vector<16xi32>,
        %ge3A_615 = arith.constant 1073741824 : i32
        %ge3A_616 = vector.broadcast %ge3A_615 : i32 to vector<16xi32>
        %ge3A_617 = arith.cmpi sge, %get3A_614, %ge3A_616 : vector<16xi32>
        %mul3A_618 = arith.constant 16 : i32
        %mul3A_619 = arith.muli %add3A_610, %mul3A_618 : i32
        %add3A_620 = vector.broadcast %mul3A_619 : i32 to vector<16xi32>
        %add3A_621 = arith.addi %iota3A, %add3A_620 : vector<16xi32>
        %le3A_622 = arith.constant 1228 : i32
        %le3A_623 = vector.broadcast %le3A_622 : i32 to vector<16xi32>
        %le3A_624 = arith.cmpi sle, %add3A_621, %le3A_623 : vector<16xi32>
        %and3A_625 = arith.andi %ge3A_617, %le3A_624 : vector<16xi1>
        %broadcast_in_dim3A_626 = vector.broadcast %add3A_610 : i32 to vector<16xi32>
        tpu.vector_store_idx %arg12[%broadcast_in_dim3A_626], %broadcast_in_dim3A_26 masked %and3A_625 {add = true} : memref<80xi32, #tpu.memory_space<vmem>>[vector<16xi32>], vector<16xi32>, vector<16xi1>
        %mul3A_627 = arith.constant 7 : i32
        %mul3A_628 = arith.muli %add3A_606, %mul3A_627 : i32
        %add3A_629 = arith.constant 1 : i32
        %add3A_630 = arith.addi %mul3A_628, %add3A_629 : i32
        %mul3A_631 = arith.constant 16 : i32
        %mul3A_632 = arith.muli %add3A_630, %mul3A_631 : i32
        %get3A_633 = arith.index_cast %mul3A_632 : i32 to index
        %get3A_634 = tpu.vector_load %arg7[%get3A_633] {strides = array<i32>} : memref<8192xi32, #tpu.memory_space<vmem>>, vector<16xi32>,
        %ge3A_635 = arith.constant 1073741824 : i32
        %ge3A_636 = vector.broadcast %ge3A_635 : i32 to vector<16xi32>
        %ge3A_637 = arith.cmpi sge, %get3A_634, %ge3A_636 : vector<16xi32>
        %mul3A_638 = arith.constant 16 : i32
        %mul3A_639 = arith.muli %add3A_630, %mul3A_638 : i32
        %add3A_640 = vector.broadcast %mul3A_639 : i32 to vector<16xi32>
        %add3A_641 = arith.addi %iota3A, %add3A_640 : vector<16xi32>
        %le3A_642 = arith.constant 1228 : i32
        %le3A_643 = vector.broadcast %le3A_642 : i32 to vector<16xi32>
        %le3A_644 = arith.cmpi sle, %add3A_641, %le3A_643 : vector<16xi32>
        %and3A_645 = arith.andi %ge3A_637, %le3A_644 : vector<16xi1>
        %broadcast_in_dim3A_646 = vector.broadcast %add3A_630 : i32 to vector<16xi32>
        tpu.vector_store_idx %arg12[%broadcast_in_dim3A_646], %broadcast_in_dim3A_26 masked %and3A_645 {add = true} : memref<80xi32, #tpu.memory_space<vmem>>[vector<16xi32>], vector<16xi32>, vector<16xi1>
        %mul3A_647 = arith.constant 7 : i32
        %mul3A_648 = arith.muli %add3A_606, %mul3A_647 : i32
        %add3A_649 = arith.constant 2 : i32
        %add3A_650 = arith.addi %mul3A_648, %add3A_649 : i32
        %mul3A_651 = arith.constant 16 : i32
        %mul3A_652 = arith.muli %add3A_650, %mul3A_651 : i32
        %get3A_653 = arith.index_cast %mul3A_652 : i32 to index
        %get3A_654 = tpu.vector_load %arg7[%get3A_653] {strides = array<i32>} : memref<8192xi32, #tpu.memory_space<vmem>>, vector<16xi32>,
        %ge3A_655 = arith.constant 1073741824 : i32
        %ge3A_656 = vector.broadcast %ge3A_655 : i32 to vector<16xi32>
        %ge3A_657 = arith.cmpi sge, %get3A_654, %ge3A_656 : vector<16xi32>
        %mul3A_658 = arith.constant 16 : i32
        %mul3A_659 = arith.muli %add3A_650, %mul3A_658 : i32
        %add3A_660 = vector.broadcast %mul3A_659 : i32 to vector<16xi32>
        %add3A_661 = arith.addi %iota3A, %add3A_660 : vector<16xi32>
        %le3A_662 = arith.constant 1228 : i32
        %le3A_663 = vector.broadcast %le3A_662 : i32 to vector<16xi32>
        %le3A_664 = arith.cmpi sle, %add3A_661, %le3A_663 : vector<16xi32>
        %and3A_665 = arith.andi %ge3A_657, %le3A_664 : vector<16xi1>
        %broadcast_in_dim3A_666 = vector.broadcast %add3A_650 : i32 to vector<16xi32>
        tpu.vector_store_idx %arg12[%broadcast_in_dim3A_666], %broadcast_in_dim3A_26 masked %and3A_665 {add = true} : memref<80xi32, #tpu.memory_space<vmem>>[vector<16xi32>], vector<16xi32>, vector<16xi1>
        %mul3A_667 = arith.constant 7 : i32
        %mul3A_668 = arith.muli %add3A_606, %mul3A_667 : i32
        %add3A_669 = arith.constant 3 : i32
        %add3A_670 = arith.addi %mul3A_668, %add3A_669 : i32
        %mul3A_671 = arith.constant 16 : i32
        %mul3A_672 = arith.muli %add3A_670, %mul3A_671 : i32
        %get3A_673 = arith.index_cast %mul3A_672 : i32 to index
        %get3A_674 = tpu.vector_load %arg7[%get3A_673] {strides = array<i32>} : memref<8192xi32, #tpu.memory_space<vmem>>, vector<16xi32>,
        %ge3A_675 = arith.constant 1073741824 : i32
        %ge3A_676 = vector.broadcast %ge3A_675 : i32 to vector<16xi32>
        %ge3A_677 = arith.cmpi sge, %get3A_674, %ge3A_676 : vector<16xi32>
        %mul3A_678 = arith.constant 16 : i32
        %mul3A_679 = arith.muli %add3A_670, %mul3A_678 : i32
        %add3A_680 = vector.broadcast %mul3A_679 : i32 to vector<16xi32>
        %add3A_681 = arith.addi %iota3A, %add3A_680 : vector<16xi32>
        %le3A_682 = arith.constant 1228 : i32
        %le3A_683 = vector.broadcast %le3A_682 : i32 to vector<16xi32>
        %le3A_684 = arith.cmpi sle, %add3A_681, %le3A_683 : vector<16xi32>
        %and3A_685 = arith.andi %ge3A_677, %le3A_684 : vector<16xi1>
        %broadcast_in_dim3A_686 = vector.broadcast %add3A_670 : i32 to vector<16xi32>
        tpu.vector_store_idx %arg12[%broadcast_in_dim3A_686], %broadcast_in_dim3A_26 masked %and3A_685 {add = true} : memref<80xi32, #tpu.memory_space<vmem>>[vector<16xi32>], vector<16xi32>, vector<16xi1>
        %mul3A_687 = arith.constant 7 : i32
        %mul3A_688 = arith.muli %add3A_606, %mul3A_687 : i32
        %add3A_689 = arith.constant 4 : i32
        %add3A_690 = arith.addi %mul3A_688, %add3A_689 : i32
        %mul3A_691 = arith.constant 16 : i32
        %mul3A_692 = arith.muli %add3A_690, %mul3A_691 : i32
        %get3A_693 = arith.index_cast %mul3A_692 : i32 to index
        %get3A_694 = tpu.vector_load %arg7[%get3A_693] {strides = array<i32>} : memref<8192xi32, #tpu.memory_space<vmem>>, vector<16xi32>,
        %ge3A_695 = arith.constant 1073741824 : i32
        %ge3A_696 = vector.broadcast %ge3A_695 : i32 to vector<16xi32>
        %ge3A_697 = arith.cmpi sge, %get3A_694, %ge3A_696 : vector<16xi32>
        %mul3A_698 = arith.constant 16 : i32
        %mul3A_699 = arith.muli %add3A_690, %mul3A_698 : i32
        %add3A_700 = vector.broadcast %mul3A_699 : i32 to vector<16xi32>
        %add3A_701 = arith.addi %iota3A, %add3A_700 : vector<16xi32>
        %le3A_702 = arith.constant 1228 : i32
        %le3A_703 = vector.broadcast %le3A_702 : i32 to vector<16xi32>
        %le3A_704 = arith.cmpi sle, %add3A_701, %le3A_703 : vector<16xi32>
        %and3A_705 = arith.andi %ge3A_697, %le3A_704 : vector<16xi1>
        %broadcast_in_dim3A_706 = vector.broadcast %add3A_690 : i32 to vector<16xi32>
        tpu.vector_store_idx %arg12[%broadcast_in_dim3A_706], %broadcast_in_dim3A_26 masked %and3A_705 {add = true} : memref<80xi32, #tpu.memory_space<vmem>>[vector<16xi32>], vector<16xi32>, vector<16xi1>
        %mul3A_707 = arith.constant 7 : i32
        %mul3A_708 = arith.muli %add3A_606, %mul3A_707 : i32
        %add3A_709 = arith.constant 5 : i32
        %add3A_710 = arith.addi %mul3A_708, %add3A_709 : i32
        %mul3A_711 = arith.constant 16 : i32
        %mul3A_712 = arith.muli %add3A_710, %mul3A_711 : i32
        %get3A_713 = arith.index_cast %mul3A_712 : i32 to index
        %get3A_714 = tpu.vector_load %arg7[%get3A_713] {strides = array<i32>} : memref<8192xi32, #tpu.memory_space<vmem>>, vector<16xi32>,
        %ge3A_715 = arith.constant 1073741824 : i32
        %ge3A_716 = vector.broadcast %ge3A_715 : i32 to vector<16xi32>
        %ge3A_717 = arith.cmpi sge, %get3A_714, %ge3A_716 : vector<16xi32>
        %mul3A_718 = arith.constant 16 : i32
        %mul3A_719 = arith.muli %add3A_710, %mul3A_718 : i32
        %add3A_720 = vector.broadcast %mul3A_719 : i32 to vector<16xi32>
        %add3A_721 = arith.addi %iota3A, %add3A_720 : vector<16xi32>
        %le3A_722 = arith.constant 1228 : i32
        %le3A_723 = vector.broadcast %le3A_722 : i32 to vector<16xi32>
        %le3A_724 = arith.cmpi sle, %add3A_721, %le3A_723 : vector<16xi32>
        %and3A_725 = arith.andi %ge3A_717, %le3A_724 : vector<16xi1>
        %broadcast_in_dim3A_726 = vector.broadcast %add3A_710 : i32 to vector<16xi32>
        tpu.vector_store_idx %arg12[%broadcast_in_dim3A_726], %broadcast_in_dim3A_26 masked %and3A_725 {add = true} : memref<80xi32, #tpu.memory_space<vmem>>[vector<16xi32>], vector<16xi32>, vector<16xi1>
        %mul3A_727 = arith.constant 7 : i32
        %mul3A_728 = arith.muli %add3A_606, %mul3A_727 : i32
        %add3A_729 = arith.constant 6 : i32
        %add3A_730 = arith.addi %mul3A_728, %add3A_729 : i32
        %mul3A_731 = arith.constant 16 : i32
        %mul3A_732 = arith.muli %add3A_730, %mul3A_731 : i32
        %get3A_733 = arith.index_cast %mul3A_732 : i32 to index
        %get3A_734 = tpu.vector_load %arg7[%get3A_733] {strides = array<i32>} : memref<8192xi32, #tpu.memory_space<vmem>>, vector<16xi32>,
        %ge3A_735 = arith.constant 1073741824 : i32
        %ge3A_736 = vector.broadcast %ge3A_735 : i32 to vector<16xi32>
        %ge3A_737 = arith.cmpi sge, %get3A_734, %ge3A_736 : vector<16xi32>
        %mul3A_738 = arith.constant 16 : i32
        %mul3A_739 = arith.muli %add3A_730, %mul3A_738 : i32
        %add3A_740 = vector.broadcast %mul3A_739 : i32 to vector<16xi32>
        %add3A_741 = arith.addi %iota3A, %add3A_740 : vector<16xi32>
        %le3A_742 = arith.constant 1228 : i32
        %le3A_743 = vector.broadcast %le3A_742 : i32 to vector<16xi32>
        %le3A_744 = arith.cmpi sle, %add3A_741, %le3A_743 : vector<16xi32>
        %and3A_745 = arith.andi %ge3A_737, %le3A_744 : vector<16xi1>
        %broadcast_in_dim3A_746 = vector.broadcast %add3A_730 : i32 to vector<16xi32>
        tpu.vector_store_idx %arg12[%broadcast_in_dim3A_746], %broadcast_in_dim3A_26 masked %and3A_745 {add = true} : memref<80xi32, #tpu.memory_space<vmem>>[vector<16xi32>], vector<16xi32>, vector<16xi1>
      }
      %scan3A_69 = arith.constant 11 : i32
      %get3A = arith.constant 0 : index
      %get3A_70 = tpu.vector_load %arg12[%get3A] {strides = array<i32>} : memref<80xi32, #tpu.memory_space<vmem>>, vector<16xi32>,
      %cumsum3A = arith.constant true
      %cumsum3A_71 = vector.broadcast %cumsum3A : i1 to vector<16xi1>
      %cumsum3A_72 = tpu.scan <sum>, %get3A_70 masked %cumsum3A_71 : vector<16xi32>, vector<16xi1> -> vector<16xi32>
      %add3A_73 = arith.constant 0 : i32
      %add3A_74 = vector.broadcast %add3A_73 : i32 to vector<16xi32>
      %add3A_75 = arith.addi %cumsum3A_72, %add3A_74 : vector<16xi32>
      %convert_element_type3A_76 = arith.sitofp %add3A_75 : vector<16xi32> to vector<16xf32>
      %gt3A = vector.broadcast %convert_element_type3A_64 : f32 to vector<16xf32>
      %gt3A_77 = arith.cmpf ogt, %convert_element_type3A_76, %gt3A : vector<16xf32>
      %all_reduce_ffs3A = tpu.all_reduce %gt3A_77 {dim = 0 : i64, kind = #tpu.reduction_kind<find_first_set>} : vector<16xi1> -> vector<16xi32>
      %reduce_max3A = arith.constant true
      %reduce_max3A_78 = vector.broadcast %reduce_max3A : i1 to vector<16xi1>
      %reduce_max3A_79 = arith.constant -2147483648 : i32
      %reduce_max3A_80 = vector.broadcast %reduce_max3A_79 : i32 to vector<16xi32>
      %reduce_max3A_81 = arith.xori %all_reduce_ffs3A, %reduce_max3A_80 : vector<16xi32>
      %reduce_max3A_82 = tpu.scan <max>, %reduce_max3A_81 masked %reduce_max3A_78 : vector<16xi32>, vector<16xi1> -> vector<16xi32>
      %reduce_max3A_83 = arith.xori %reduce_max3A_82, %reduce_max3A_80 : vector<16xi32>
      %reduce_max3A_84 = vector.extract %reduce_max3A_83[15] : i32 from vector<16xi32>
      %eq3A = arith.constant 512 : i32
      %eq3A_85 = arith.constant 512 : i32
      %eq3A_86 = arith.cmpi eq, %eq3A, %eq3A_85 : i32
      %lt3A_87 = arith.constant 16 : i32
      %lt3A_88 = arith.cmpi slt, %reduce_max3A_84, %lt3A_87 : i32
      %and3A = arith.andi %eq3A_86, %lt3A_88 : i1
      %add3A_89 = arith.constant 0 : i32
      %add3A_90 = arith.addi %add3A_89, %reduce_max3A_84 : i32
      %jit3A = arith.constant 512 : i32
      %select_n3A_91 = arith.select %and3A, %add3A_90, %jit3A : i32
      %eq3A_92 = vector.broadcast %reduce_max3A_84 : i32 to vector<16xi32>
      %eq3A_93 = arith.cmpi eq, %iota3A, %eq3A_92 : vector<16xi32>
      %jit3A_94 = arith.constant 0 : i32
      %broadcast_in_dim3A_95 = vector.broadcast %jit3A_94 : i32 to vector<16xi32>
      %select_n3A_96 = arith.select %eq3A_93, %add3A_75, %broadcast_in_dim3A_95 : vector<16xi1>, vector<16xi32>
      %reduce_sum3A_97 = arith.constant true
      %reduce_sum3A_98 = vector.broadcast %reduce_sum3A_97 : i1 to vector<16xi1>
      %reduce_sum3A_99 = tpu.scan <sum>, %select_n3A_96 masked %reduce_sum3A_98 : vector<16xi32>, vector<16xi1> -> vector<16xi32>
      %reduce_sum3A_100 = vector.extract %reduce_sum3A_99[15] : i32 from vector<16xi32>
      %eq3A_101 = vector.broadcast %reduce_max3A_84 : i32 to vector<16xi32>
      %eq3A_102 = arith.cmpi eq, %iota3A, %eq3A_101 : vector<16xi32>
      %jit3A_103 = arith.constant 0 : i32
      %broadcast_in_dim3A_104 = vector.broadcast %jit3A_103 : i32 to vector<16xi32>
      %select_n3A_105 = arith.select %eq3A_102, %get3A_70, %broadcast_in_dim3A_104 : vector<16xi1>, vector<16xi32>
      %reduce_sum3A_106 = arith.constant true
      %reduce_sum3A_107 = vector.broadcast %reduce_sum3A_106 : i1 to vector<16xi1>
      %reduce_sum3A_108 = tpu.scan <sum>, %select_n3A_105 masked %reduce_sum3A_107 : vector<16xi32>, vector<16xi1> -> vector<16xi32>
      %reduce_sum3A_109 = vector.extract %reduce_sum3A_108[15] : i32 from vector<16xi32>
      %sub3A = arith.subi %reduce_sum3A_100, %reduce_sum3A_109 : i32
      %jit3A_110 = arith.constant 0 : i32
      %select_n3A_111 = arith.select %and3A, %sub3A, %jit3A_110 : i32
      %reduce_sum3A_112 = arith.constant true
      %reduce_sum3A_113 = vector.broadcast %reduce_sum3A_112 : i1 to vector<16xi1>
      %reduce_sum3A_114 = tpu.scan <sum>, %get3A_70 masked %reduce_sum3A_113 : vector<16xi32>, vector<16xi1> -> vector<16xi32>
      %reduce_sum3A_115 = vector.extract %reduce_sum3A_114[15] : i32 from vector<16xi32>
      %add3A_116 = arith.constant 0 : i32
      %add3A_117 = arith.addi %add3A_116, %reduce_sum3A_115 : i32
      %get3A_118 = arith.constant 16 : index
      %get3A_119 = tpu.vector_load %arg12[%get3A_118] {strides = array<i32>} : memref<80xi32, #tpu.memory_space<vmem>>, vector<16xi32>,
      %cumsum3A_120 = arith.constant true
      %cumsum3A_121 = vector.broadcast %cumsum3A_120 : i1 to vector<16xi1>
      %cumsum3A_122 = tpu.scan <sum>, %get3A_119 masked %cumsum3A_121 : vector<16xi32>, vector<16xi1> -> vector<16xi32>
      %add3A_123 = vector.broadcast %add3A_117 : i32 to vector<16xi32>
      %add3A_124 = arith.addi %cumsum3A_122, %add3A_123 : vector<16xi32>
      %convert_element_type3A_125 = arith.sitofp %add3A_124 : vector<16xi32> to vector<16xf32>
      %gt3A_126 = vector.broadcast %convert_element_type3A_64 : f32 to vector<16xf32>
      %gt3A_127 = arith.cmpf ogt, %convert_element_type3A_125, %gt3A_126 : vector<16xf32>
      %all_reduce_ffs3A_128 = tpu.all_reduce %gt3A_127 {dim = 0 : i64, kind = #tpu.reduction_kind<find_first_set>} : vector<16xi1> -> vector<16xi32>
      %reduce_max3A_129 = arith.constant true
      %reduce_max3A_130 = vector.broadcast %reduce_max3A_129 : i1 to vector<16xi1>
      %reduce_max3A_131 = arith.constant -2147483648 : i32
      %reduce_max3A_132 = vector.broadcast %reduce_max3A_131 : i32 to vector<16xi32>
      %reduce_max3A_133 = arith.xori %all_reduce_ffs3A_128, %reduce_max3A_132 : vector<16xi32>
      %reduce_max3A_134 = tpu.scan <max>, %reduce_max3A_133 masked %reduce_max3A_130 : vector<16xi32>, vector<16xi1> -> vector<16xi32>
      %reduce_max3A_135 = arith.xori %reduce_max3A_134, %reduce_max3A_132 : vector<16xi32>
      %reduce_max3A_136 = vector.extract %reduce_max3A_135[15] : i32 from vector<16xi32>
      %eq3A_137 = arith.constant 512 : i32
      %eq3A_138 = arith.cmpi eq, %select_n3A_91, %eq3A_137 : i32
      %lt3A_139 = arith.constant 16 : i32
      %lt3A_140 = arith.cmpi slt, %reduce_max3A_136, %lt3A_139 : i32
      %and3A_141 = arith.andi %eq3A_138, %lt3A_140 : i1
      %add3A_142 = arith.constant 16 : i32
      %add3A_143 = arith.addi %add3A_142, %reduce_max3A_136 : i32
      %select_n3A_144 = arith.select %and3A_141, %add3A_143, %select_n3A_91 : i32
      %eq3A_145 = vector.broadcast %reduce_max3A_136 : i32 to vector<16xi32>
      %eq3A_146 = arith.cmpi eq, %iota3A, %eq3A_145 : vector<16xi32>
      %jit3A_147 = arith.constant 0 : i32
      %broadcast_in_dim3A_148 = vector.broadcast %jit3A_147 : i32 to vector<16xi32>
      %select_n3A_149 = arith.select %eq3A_146, %add3A_124, %broadcast_in_dim3A_148 : vector<16xi1>, vector<16xi32>
      %reduce_sum3A_150 = arith.constant true
      %reduce_sum3A_151 = vector.broadcast %reduce_sum3A_150 : i1 to vector<16xi1>
      %reduce_sum3A_152 = tpu.scan <sum>, %select_n3A_149 masked %reduce_sum3A_151 : vector<16xi32>, vector<16xi1> -> vector<16xi32>
      %reduce_sum3A_153 = vector.extract %reduce_sum3A_152[15] : i32 from vector<16xi32>
      %eq3A_154 = vector.broadcast %reduce_max3A_136 : i32 to vector<16xi32>
      %eq3A_155 = arith.cmpi eq, %iota3A, %eq3A_154 : vector<16xi32>
      %jit3A_156 = arith.constant 0 : i32
      %broadcast_in_dim3A_157 = vector.broadcast %jit3A_156 : i32 to vector<16xi32>
      %select_n3A_158 = arith.select %eq3A_155, %get3A_119, %broadcast_in_dim3A_157 : vector<16xi1>, vector<16xi32>
      %reduce_sum3A_159 = arith.constant true
      %reduce_sum3A_160 = vector.broadcast %reduce_sum3A_159 : i1 to vector<16xi1>
      %reduce_sum3A_161 = tpu.scan <sum>, %select_n3A_158 masked %reduce_sum3A_160 : vector<16xi32>, vector<16xi1> -> vector<16xi32>
      %reduce_sum3A_162 = vector.extract %reduce_sum3A_161[15] : i32 from vector<16xi32>
      %sub3A_163 = arith.subi %reduce_sum3A_153, %reduce_sum3A_162 : i32
      %select_n3A_164 = arith.select %and3A_141, %sub3A_163, %select_n3A_111 : i32
      %reduce_sum3A_165 = arith.constant true
      %reduce_sum3A_166 = vector.broadcast %reduce_sum3A_165 : i1 to vector<16xi1>
      %reduce_sum3A_167 = tpu.scan <sum>, %get3A_119 masked %reduce_sum3A_166 : vector<16xi32>, vector<16xi1> -> vector<16xi32>
      %reduce_sum3A_168 = vector.extract %reduce_sum3A_167[15] : i32 from vector<16xi32>
      %add3A_169 = arith.addi %add3A_117, %reduce_sum3A_168 : i32
      %get3A_170 = arith.constant 32 : index
      %get3A_171 = tpu.vector_load %arg12[%get3A_170] {strides = array<i32>} : memref<80xi32, #tpu.memory_space<vmem>>, vector<16xi32>,
      %cumsum3A_172 = arith.constant true
      %cumsum3A_173 = vector.broadcast %cumsum3A_172 : i1 to vector<16xi1>
      %cumsum3A_174 = tpu.scan <sum>, %get3A_171 masked %cumsum3A_173 : vector<16xi32>, vector<16xi1> -> vector<16xi32>
      %add3A_175 = vector.broadcast %add3A_169 : i32 to vector<16xi32>
      %add3A_176 = arith.addi %cumsum3A_174, %add3A_175 : vector<16xi32>
      %convert_element_type3A_177 = arith.sitofp %add3A_176 : vector<16xi32> to vector<16xf32>
      %gt3A_178 = vector.broadcast %convert_element_type3A_64 : f32 to vector<16xf32>
      %gt3A_179 = arith.cmpf ogt, %convert_element_type3A_177, %gt3A_178 : vector<16xf32>
      %all_reduce_ffs3A_180 = tpu.all_reduce %gt3A_179 {dim = 0 : i64, kind = #tpu.reduction_kind<find_first_set>} : vector<16xi1> -> vector<16xi32>
      %reduce_max3A_181 = arith.constant true
      %reduce_max3A_182 = vector.broadcast %reduce_max3A_181 : i1 to vector<16xi1>
      %reduce_max3A_183 = arith.constant -2147483648 : i32
      %reduce_max3A_184 = vector.broadcast %reduce_max3A_183 : i32 to vector<16xi32>
      %reduce_max3A_185 = arith.xori %all_reduce_ffs3A_180, %reduce_max3A_184 : vector<16xi32>
      %reduce_max3A_186 = tpu.scan <max>, %reduce_max3A_185 masked %reduce_max3A_182 : vector<16xi32>, vector<16xi1> -> vector<16xi32>
      %reduce_max3A_187 = arith.xori %reduce_max3A_186, %reduce_max3A_184 : vector<16xi32>
      %reduce_max3A_188 = vector.extract %reduce_max3A_187[15] : i32 from vector<16xi32>
      %eq3A_189 = arith.constant 512 : i32
      %eq3A_190 = arith.cmpi eq, %select_n3A_144, %eq3A_189 : i32
      %lt3A_191 = arith.constant 16 : i32
      %lt3A_192 = arith.cmpi slt, %reduce_max3A_188, %lt3A_191 : i32
      %and3A_193 = arith.andi %eq3A_190, %lt3A_192 : i1
      %add3A_194 = arith.constant 32 : i32
      %add3A_195 = arith.addi %add3A_194, %reduce_max3A_188 : i32
      %select_n3A_196 = arith.select %and3A_193, %add3A_195, %select_n3A_144 : i32
      %eq3A_197 = vector.broadcast %reduce_max3A_188 : i32 to vector<16xi32>
      %eq3A_198 = arith.cmpi eq, %iota3A, %eq3A_197 : vector<16xi32>
      %jit3A_199 = arith.constant 0 : i32
      %broadcast_in_dim3A_200 = vector.broadcast %jit3A_199 : i32 to vector<16xi32>
      %select_n3A_201 = arith.select %eq3A_198, %add3A_176, %broadcast_in_dim3A_200 : vector<16xi1>, vector<16xi32>
      %reduce_sum3A_202 = arith.constant true
      %reduce_sum3A_203 = vector.broadcast %reduce_sum3A_202 : i1 to vector<16xi1>
      %reduce_sum3A_204 = tpu.scan <sum>, %select_n3A_201 masked %reduce_sum3A_203 : vector<16xi32>, vector<16xi1> -> vector<16xi32>
      %reduce_sum3A_205 = vector.extract %reduce_sum3A_204[15] : i32 from vector<16xi32>
      %eq3A_206 = vector.broadcast %reduce_max3A_188 : i32 to vector<16xi32>
      %eq3A_207 = arith.cmpi eq, %iota3A, %eq3A_206 : vector<16xi32>
      %jit3A_208 = arith.constant 0 : i32
      %broadcast_in_dim3A_209 = vector.broadcast %jit3A_208 : i32 to vector<16xi32>
      %select_n3A_210 = arith.select %eq3A_207, %get3A_171, %broadcast_in_dim3A_209 : vector<16xi1>, vector<16xi32>
      %reduce_sum3A_211 = arith.constant true
      %reduce_sum3A_212 = vector.broadcast %reduce_sum3A_211 : i1 to vector<16xi1>
      %reduce_sum3A_213 = tpu.scan <sum>, %select_n3A_210 masked %reduce_sum3A_212 : vector<16xi32>, vector<16xi1> -> vector<16xi32>
      %reduce_sum3A_214 = vector.extract %reduce_sum3A_213[15] : i32 from vector<16xi32>
      %sub3A_215 = arith.subi %reduce_sum3A_205, %reduce_sum3A_214 : i32
      %select_n3A_216 = arith.select %and3A_193, %sub3A_215, %select_n3A_164 : i32
      %reduce_sum3A_217 = arith.constant true
      %reduce_sum3A_218 = vector.broadcast %reduce_sum3A_217 : i1 to vector<16xi1>
      %reduce_sum3A_219 = tpu.scan <sum>, %get3A_171 masked %reduce_sum3A_218 : vector<16xi32>, vector<16xi1> -> vector<16xi32>
      %reduce_sum3A_220 = vector.extract %reduce_sum3A_219[15] : i32 from vector<16xi32>
      %add3A_221 = arith.addi %add3A_169, %reduce_sum3A_220 : i32
      %get3A_222 = arith.constant 48 : index
      %get3A_223 = tpu.vector_load %arg12[%get3A_222] {strides = array<i32>} : memref<80xi32, #tpu.memory_space<vmem>>, vector<16xi32>,
      %cumsum3A_224 = arith.constant true
      %cumsum3A_225 = vector.broadcast %cumsum3A_224 : i1 to vector<16xi1>
      %cumsum3A_226 = tpu.scan <sum>, %get3A_223 masked %cumsum3A_225 : vector<16xi32>, vector<16xi1> -> vector<16xi32>
      %add3A_227 = vector.broadcast %add3A_221 : i32 to vector<16xi32>
      %add3A_228 = arith.addi %cumsum3A_226, %add3A_227 : vector<16xi32>
      %convert_element_type3A_229 = arith.sitofp %add3A_228 : vector<16xi32> to vector<16xf32>
      %gt3A_230 = vector.broadcast %convert_element_type3A_64 : f32 to vector<16xf32>
      %gt3A_231 = arith.cmpf ogt, %convert_element_type3A_229, %gt3A_230 : vector<16xf32>
      %all_reduce_ffs3A_232 = tpu.all_reduce %gt3A_231 {dim = 0 : i64, kind = #tpu.reduction_kind<find_first_set>} : vector<16xi1> -> vector<16xi32>
      %reduce_max3A_233 = arith.constant true
      %reduce_max3A_234 = vector.broadcast %reduce_max3A_233 : i1 to vector<16xi1>
      %reduce_max3A_235 = arith.constant -2147483648 : i32
      %reduce_max3A_236 = vector.broadcast %reduce_max3A_235 : i32 to vector<16xi32>
      %reduce_max3A_237 = arith.xori %all_reduce_ffs3A_232, %reduce_max3A_236 : vector<16xi32>
      %reduce_max3A_238 = tpu.scan <max>, %reduce_max3A_237 masked %reduce_max3A_234 : vector<16xi32>, vector<16xi1> -> vector<16xi32>
      %reduce_max3A_239 = arith.xori %reduce_max3A_238, %reduce_max3A_236 : vector<16xi32>
      %reduce_max3A_240 = vector.extract %reduce_max3A_239[15] : i32 from vector<16xi32>
      %eq3A_241 = arith.constant 512 : i32
      %eq3A_242 = arith.cmpi eq, %select_n3A_196, %eq3A_241 : i32
      %lt3A_243 = arith.constant 16 : i32
      %lt3A_244 = arith.cmpi slt, %reduce_max3A_240, %lt3A_243 : i32
      %and3A_245 = arith.andi %eq3A_242, %lt3A_244 : i1
      %add3A_246 = arith.constant 48 : i32
      %add3A_247 = arith.addi %add3A_246, %reduce_max3A_240 : i32
      %select_n3A_248 = arith.select %and3A_245, %add3A_247, %select_n3A_196 : i32
      %eq3A_249 = vector.broadcast %reduce_max3A_240 : i32 to vector<16xi32>
      %eq3A_250 = arith.cmpi eq, %iota3A, %eq3A_249 : vector<16xi32>
      %jit3A_251 = arith.constant 0 : i32
      %broadcast_in_dim3A_252 = vector.broadcast %jit3A_251 : i32 to vector<16xi32>
      %select_n3A_253 = arith.select %eq3A_250, %add3A_228, %broadcast_in_dim3A_252 : vector<16xi1>, vector<16xi32>
      %reduce_sum3A_254 = arith.constant true
      %reduce_sum3A_255 = vector.broadcast %reduce_sum3A_254 : i1 to vector<16xi1>
      %reduce_sum3A_256 = tpu.scan <sum>, %select_n3A_253 masked %reduce_sum3A_255 : vector<16xi32>, vector<16xi1> -> vector<16xi32>
      %reduce_sum3A_257 = vector.extract %reduce_sum3A_256[15] : i32 from vector<16xi32>
      %eq3A_258 = vector.broadcast %reduce_max3A_240 : i32 to vector<16xi32>
      %eq3A_259 = arith.cmpi eq, %iota3A, %eq3A_258 : vector<16xi32>
      %jit3A_260 = arith.constant 0 : i32
      %broadcast_in_dim3A_261 = vector.broadcast %jit3A_260 : i32 to vector<16xi32>
      %select_n3A_262 = arith.select %eq3A_259, %get3A_223, %broadcast_in_dim3A_261 : vector<16xi1>, vector<16xi32>
      %reduce_sum3A_263 = arith.constant true
      %reduce_sum3A_264 = vector.broadcast %reduce_sum3A_263 : i1 to vector<16xi1>
      %reduce_sum3A_265 = tpu.scan <sum>, %select_n3A_262 masked %reduce_sum3A_264 : vector<16xi32>, vector<16xi1> -> vector<16xi32>
      %reduce_sum3A_266 = vector.extract %reduce_sum3A_265[15] : i32 from vector<16xi32>
      %sub3A_267 = arith.subi %reduce_sum3A_257, %reduce_sum3A_266 : i32
      %select_n3A_268 = arith.select %and3A_245, %sub3A_267, %select_n3A_216 : i32
      %reduce_sum3A_269 = arith.constant true
      %reduce_sum3A_270 = vector.broadcast %reduce_sum3A_269 : i1 to vector<16xi1>
      %reduce_sum3A_271 = tpu.scan <sum>, %get3A_223 masked %reduce_sum3A_270 : vector<16xi32>, vector<16xi1> -> vector<16xi32>
      %reduce_sum3A_272 = vector.extract %reduce_sum3A_271[15] : i32 from vector<16xi32>
      %add3A_273 = arith.addi %add3A_221, %reduce_sum3A_272 : i32
      %get3A_274 = arith.constant 64 : index
      %get3A_275 = tpu.vector_load %arg12[%get3A_274] {strides = array<i32>} : memref<80xi32, #tpu.memory_space<vmem>>, vector<16xi32>,
      %cumsum3A_276 = arith.constant true
      %cumsum3A_277 = vector.broadcast %cumsum3A_276 : i1 to vector<16xi1>
      %cumsum3A_278 = tpu.scan <sum>, %get3A_275 masked %cumsum3A_277 : vector<16xi32>, vector<16xi1> -> vector<16xi32>
      %add3A_279 = vector.broadcast %add3A_273 : i32 to vector<16xi32>
      %add3A_280 = arith.addi %cumsum3A_278, %add3A_279 : vector<16xi32>
      %convert_element_type3A_281 = arith.sitofp %add3A_280 : vector<16xi32> to vector<16xf32>
      %gt3A_282 = vector.broadcast %convert_element_type3A_64 : f32 to vector<16xf32>
      %gt3A_283 = arith.cmpf ogt, %convert_element_type3A_281, %gt3A_282 : vector<16xf32>
      %all_reduce_ffs3A_284 = tpu.all_reduce %gt3A_283 {dim = 0 : i64, kind = #tpu.reduction_kind<find_first_set>} : vector<16xi1> -> vector<16xi32>
      %reduce_max3A_285 = arith.constant true
      %reduce_max3A_286 = vector.broadcast %reduce_max3A_285 : i1 to vector<16xi1>
      %reduce_max3A_287 = arith.constant -2147483648 : i32
      %reduce_max3A_288 = vector.broadcast %reduce_max3A_287 : i32 to vector<16xi32>
      %reduce_max3A_289 = arith.xori %all_reduce_ffs3A_284, %reduce_max3A_288 : vector<16xi32>
      %reduce_max3A_290 = tpu.scan <max>, %reduce_max3A_289 masked %reduce_max3A_286 : vector<16xi32>, vector<16xi1> -> vector<16xi32>
      %reduce_max3A_291 = arith.xori %reduce_max3A_290, %reduce_max3A_288 : vector<16xi32>
      %reduce_max3A_292 = vector.extract %reduce_max3A_291[15] : i32 from vector<16xi32>
      %eq3A_293 = arith.constant 512 : i32
      %eq3A_294 = arith.cmpi eq, %select_n3A_248, %eq3A_293 : i32
      %lt3A_295 = arith.constant 16 : i32
      %lt3A_296 = arith.cmpi slt, %reduce_max3A_292, %lt3A_295 : i32
      %and3A_297 = arith.andi %eq3A_294, %lt3A_296 : i1
      %add3A_298 = arith.constant 64 : i32
      %add3A_299 = arith.addi %add3A_298, %reduce_max3A_292 : i32
      %select_n3A_300 = arith.select %and3A_297, %add3A_299, %select_n3A_248 : i32
      %eq3A_301 = vector.broadcast %reduce_max3A_292 : i32 to vector<16xi32>
      %eq3A_302 = arith.cmpi eq, %iota3A, %eq3A_301 : vector<16xi32>
      %jit3A_303 = arith.constant 0 : i32
      %broadcast_in_dim3A_304 = vector.broadcast %jit3A_303 : i32 to vector<16xi32>
      %select_n3A_305 = arith.select %eq3A_302, %add3A_280, %broadcast_in_dim3A_304 : vector<16xi1>, vector<16xi32>
      %reduce_sum3A_306 = arith.constant true
      %reduce_sum3A_307 = vector.broadcast %reduce_sum3A_306 : i1 to vector<16xi1>
      %reduce_sum3A_308 = tpu.scan <sum>, %select_n3A_305 masked %reduce_sum3A_307 : vector<16xi32>, vector<16xi1> -> vector<16xi32>
      %reduce_sum3A_309 = vector.extract %reduce_sum3A_308[15] : i32 from vector<16xi32>
      %eq3A_310 = vector.broadcast %reduce_max3A_292 : i32 to vector<16xi32>
      %eq3A_311 = arith.cmpi eq, %iota3A, %eq3A_310 : vector<16xi32>
      %jit3A_312 = arith.constant 0 : i32
      %broadcast_in_dim3A_313 = vector.broadcast %jit3A_312 : i32 to vector<16xi32>
      %select_n3A_314 = arith.select %eq3A_311, %get3A_275, %broadcast_in_dim3A_313 : vector<16xi1>, vector<16xi32>
      %reduce_sum3A_315 = arith.constant true
      %reduce_sum3A_316 = vector.broadcast %reduce_sum3A_315 : i1 to vector<16xi1>
      %reduce_sum3A_317 = tpu.scan <sum>, %select_n3A_314 masked %reduce_sum3A_316 : vector<16xi32>, vector<16xi1> -> vector<16xi32>
      %reduce_sum3A_318 = vector.extract %reduce_sum3A_317[15] : i32 from vector<16xi32>
      %sub3A_319 = arith.subi %reduce_sum3A_309, %reduce_sum3A_318 : i32
      %select_n3A_320 = arith.select %and3A_297, %sub3A_319, %select_n3A_268 : i32
      %reduce_sum3A_321 = arith.constant true
      %reduce_sum3A_322 = vector.broadcast %reduce_sum3A_321 : i1 to vector<16xi1>
      %reduce_sum3A_323 = tpu.scan <sum>, %get3A_275 masked %reduce_sum3A_322 : vector<16xi32>, vector<16xi1> -> vector<16xi32>
      %reduce_sum3A_324 = vector.extract %reduce_sum3A_323[15] : i32 from vector<16xi32>
      %add3A_325 = arith.addi %add3A_273, %reduce_sum3A_324 : i32
      %min3A = arith.constant 76 : i32
      %min3A_326 = arith.minsi %select_n3A_300, %min3A : i32
      %mul3A_327 = arith.constant 16 : i32
      %mul3A_328 = arith.muli %min3A_326, %mul3A_327 : i32
      %get3A_329 = arith.index_cast %mul3A_328 : i32 to index
      %get3A_330 = tpu.vector_load %arg7[%get3A_329] {strides = array<i32>} : memref<8192xi32, #tpu.memory_space<vmem>>, vector<16xi32>,
      %ge3A = arith.constant 1073741824 : i32
      %ge3A_331 = vector.broadcast %ge3A : i32 to vector<16xi32>
      %ge3A_332 = arith.cmpi sge, %get3A_330, %ge3A_331 : vector<16xi32>
      %jit3A_333 = arith.constant 1 : i32
      %jit3A_334 = arith.constant 0 : i32
      %broadcast_in_dim3A_335 = vector.broadcast %jit3A_333 : i32 to vector<16xi32>
      %broadcast_in_dim3A_336 = vector.broadcast %jit3A_334 : i32 to vector<16xi32>
      %select_n3A_337 = arith.select %ge3A_332, %broadcast_in_dim3A_335, %broadcast_in_dim3A_336 : vector<16xi1>, vector<16xi32>
      %cumsum3A_338 = arith.constant true
      %cumsum3A_339 = vector.broadcast %cumsum3A_338 : i1 to vector<16xi1>
      %cumsum3A_340 = tpu.scan <sum>, %select_n3A_337 masked %cumsum3A_339 : vector<16xi32>, vector<16xi1> -> vector<16xi32>
      %add3A_341 = vector.broadcast %select_n3A_320 : i32 to vector<16xi32>
      %add3A_342 = arith.addi %cumsum3A_340, %add3A_341 : vector<16xi32>
      %convert_element_type3A_343 = arith.sitofp %add3A_342 : vector<16xi32> to vector<16xf32>
      %gt3A_344 = vector.broadcast %convert_element_type3A_64 : f32 to vector<16xf32>
      %gt3A_345 = arith.cmpf ogt, %convert_element_type3A_343, %gt3A_344 : vector<16xf32>
      %mul3A_346 = arith.constant 16 : i32
      %mul3A_347 = arith.muli %min3A_326, %mul3A_346 : i32
      %add3A_348 = vector.broadcast %mul3A_347 : i32 to vector<16xi32>
      %add3A_349 = arith.addi %iota3A, %add3A_348 : vector<16xi32>
      %le3A = arith.constant 1228 : i32
      %le3A_350 = vector.broadcast %le3A : i32 to vector<16xi32>
      %le3A_351 = arith.cmpi sle, %add3A_349, %le3A_350 : vector<16xi32>
      %and3A_352 = arith.andi %gt3A_345, %le3A_351 : vector<16xi1>
      %all_reduce_ffs3A_353 = tpu.all_reduce %and3A_352 {dim = 0 : i64, kind = #tpu.reduction_kind<find_first_set>} : vector<16xi1> -> vector<16xi32>
      %reduce_max3A_354 = arith.constant true
      %reduce_max3A_355 = vector.broadcast %reduce_max3A_354 : i1 to vector<16xi1>
      %reduce_max3A_356 = arith.constant -2147483648 : i32
      %reduce_max3A_357 = vector.broadcast %reduce_max3A_356 : i32 to vector<16xi32>
      %reduce_max3A_358 = arith.xori %all_reduce_ffs3A_353, %reduce_max3A_357 : vector<16xi32>
      %reduce_max3A_359 = tpu.scan <max>, %reduce_max3A_358 masked %reduce_max3A_355 : vector<16xi32>, vector<16xi1> -> vector<16xi32>
      %reduce_max3A_360 = arith.xori %reduce_max3A_359, %reduce_max3A_357 : vector<16xi32>
      %reduce_max3A_361 = vector.extract %reduce_max3A_360[15] : i32 from vector<16xi32>
      %lt3A_362 = arith.constant 512 : i32
      %lt3A_363 = arith.cmpi slt, %select_n3A_300, %lt3A_362 : i32
      %lt3A_364 = arith.constant 16 : i32
      %lt3A_365 = arith.cmpi slt, %reduce_max3A_361, %lt3A_364 : i32
      %and3A_366 = arith.andi %lt3A_363, %lt3A_365 : i1
      %mul3A_367 = arith.constant 16 : i32
      %mul3A_368 = arith.muli %min3A_326, %mul3A_367 : i32
      %add3A_369 = arith.addi %mul3A_368, %reduce_max3A_361 : i32
      %jit3A_370 = arith.constant 8192 : i32
      %select_n3A_371 = arith.select %and3A_366, %add3A_369, %jit3A_370 : i32
      %min3A_372 = arith.constant 1229 : i32
      %min3A_373 = arith.minsi %select_n3A_371, %min3A_372 : i32
      %scan3A_374 = arith.constant 0 : i32
      %scan3A_375 = arith.constant 0 : i32
      %scan3A_376 = arith.constant 0 : i32
      %scan3A_377 = arith.constant 0 : i32
      %scan3A_378 = arith.constant 0 : i32
      %scan3A_379 = arith.constant 32 : i32
      %scan3A_380 = arith.addi %scan3A_378, %scan3A_379 : i32
      %scan3A_381 = arith.constant 1 : i32
      %scan3A_382:4 = scf.for %scan3A_602 = %scan3A_378 to %scan3A_380 step %scan3A_381 iter_args(%scan3A_603 = %scan3A_374, %scan3A_604 = %scan3A_375, %scan3A_605 = %scan3A_376, %scan3A_606 = %scan3A_377) -> (i32, i32, i32, i32)  : i32 {
        %sub3A_607 = arith.constant 31 : i32
        %sub3A_608 = arith.subi %sub3A_607, %scan3A_602 : i32
        %mul3A_609 = arith.constant 16 : i32
        %mul3A_610 = arith.muli %sub3A_608, %mul3A_609 : i32
        %get3A_611 = arith.index_cast %mul3A_610 : i32 to index
        %get3A_612 = tpu.vector_load %arg9[%get3A_611] {strides = array<i32>} : memref<512xi32, #tpu.memory_space<vmem>>, vector<16xi32>,
        %rev3A_613 = arith.constant 15 : i32
        %rev3A_614 = vector.broadcast %rev3A_613 : i32 to vector<16xi32>
        %rev3A_615 = tpu.iota {dimensions = array<i32: 0>} : vector<16xi32>
        %rev3A_616 = arith.subi %rev3A_614, %rev3A_615 : vector<16xi32>
        %rev3A_617 = tpu.dynamic_gather %get3A_612[%rev3A_616] in [0] : vector<16xi32>, vector<16xi32> -> vector<16xi32>
        %cumsum3A_618 = arith.constant true
        %cumsum3A_619 = vector.broadcast %cumsum3A_618 : i1 to vector<16xi1>
        %cumsum3A_620 = tpu.scan <sum>, %rev3A_617 masked %cumsum3A_619 : vector<16xi32>, vector<16xi1> -> vector<16xi32>
        %add3A_621 = vector.broadcast %scan3A_603 : i32 to vector<16xi32>
        %add3A_622 = arith.addi %cumsum3A_620, %add3A_621 : vector<16xi32>
        %ge3A_623 = vector.broadcast %min3A_373 : i32 to vector<16xi32>
        %ge3A_624 = arith.cmpi sge, %add3A_622, %ge3A_623 : vector<16xi32>
        %all_reduce_ffs3A_625 = tpu.all_reduce %ge3A_624 {dim = 0 : i64, kind = #tpu.reduction_kind<find_first_set>} : vector<16xi1> -> vector<16xi32>
        %reduce_max3A_626 = arith.constant true
        %reduce_max3A_627 = vector.broadcast %reduce_max3A_626 : i1 to vector<16xi1>
        %reduce_max3A_628 = arith.constant -2147483648 : i32
        %reduce_max3A_629 = vector.broadcast %reduce_max3A_628 : i32 to vector<16xi32>
        %reduce_max3A_630 = arith.xori %all_reduce_ffs3A_625, %reduce_max3A_629 : vector<16xi32>
        %reduce_max3A_631 = tpu.scan <max>, %reduce_max3A_630 masked %reduce_max3A_627 : vector<16xi32>, vector<16xi1> -> vector<16xi32>
        %reduce_max3A_632 = arith.xori %reduce_max3A_631, %reduce_max3A_629 : vector<16xi32>
        %reduce_max3A_633 = vector.extract %reduce_max3A_632[15] : i32 from vector<16xi32>
        %eq3A_634 = arith.constant 0 : i32
        %eq3A_635 = arith.cmpi eq, %scan3A_604, %eq3A_634 : i32
        %lt3A_636 = arith.constant 16 : i32
        %lt3A_637 = arith.cmpi slt, %reduce_max3A_633, %lt3A_636 : i32
        %and3A_638 = arith.andi %eq3A_635, %lt3A_637 : i1
        %mul3A_639 = arith.constant 16 : i32
        %mul3A_640 = arith.muli %sub3A_608, %mul3A_639 : i32
        %add3A_641 = arith.constant 15 : i32
        %add3A_642 = arith.addi %mul3A_640, %add3A_641 : i32
        %sub3A_643 = arith.subi %add3A_642, %reduce_max3A_633 : i32
        %select_n3A_644 = arith.select %and3A_638, %sub3A_643, %scan3A_605 : i32
        %eq3A_645 = vector.broadcast %reduce_max3A_633 : i32 to vector<16xi32>
        %eq3A_646 = arith.cmpi eq, %iota3A, %eq3A_645 : vector<16xi32>
        %jit3A_647 = arith.constant 0 : i32
        %broadcast_in_dim3A_648 = vector.broadcast %jit3A_647 : i32 to vector<16xi32>
        %select_n3A_649 = arith.select %eq3A_646, %cumsum3A_620, %broadcast_in_dim3A_648 : vector<16xi1>, vector<16xi32>
        %reduce_sum3A_650 = arith.constant true
        %reduce_sum3A_651 = vector.broadcast %reduce_sum3A_650 : i1 to vector<16xi1>
        %reduce_sum3A_652 = tpu.scan <sum>, %select_n3A_649 masked %reduce_sum3A_651 : vector<16xi32>, vector<16xi1> -> vector<16xi32>
        %reduce_sum3A_653 = vector.extract %reduce_sum3A_652[15] : i32 from vector<16xi32>
        %add3A_654 = arith.addi %scan3A_603, %reduce_sum3A_653 : i32
        %eq3A_655 = vector.broadcast %reduce_max3A_633 : i32 to vector<16xi32>
        %eq3A_656 = arith.cmpi eq, %iota3A, %eq3A_655 : vector<16xi32>
        %jit3A_657 = arith.constant 0 : i32
        %broadcast_in_dim3A_658 = vector.broadcast %jit3A_657 : i32 to vector<16xi32>
        %select_n3A_659 = arith.select %eq3A_656, %rev3A_617, %broadcast_in_dim3A_658 : vector<16xi1>, vector<16xi32>
        %reduce_sum3A_660 = arith.constant true
        %reduce_sum3A_661 = vector.broadcast %reduce_sum3A_660 : i1 to vector<16xi1>
        %reduce_sum3A_662 = tpu.scan <sum>, %select_n3A_659 masked %reduce_sum3A_661 : vector<16xi32>, vector<16xi1> -> vector<16xi32>
        %reduce_sum3A_663 = vector.extract %reduce_sum3A_662[15] : i32 from vector<16xi32>
        %sub3A_664 = arith.subi %add3A_654, %reduce_sum3A_663 : i32
        %select_n3A_665 = arith.select %and3A_638, %sub3A_664, %scan3A_606 : i32
        %jit3A_666 = arith.constant 1 : i32
        %select_n3A_667 = arith.select %and3A_638, %jit3A_666, %scan3A_604 : i32
        %reduce_sum3A_668 = arith.constant true
        %reduce_sum3A_669 = vector.broadcast %reduce_sum3A_668 : i1 to vector<16xi1>
        %reduce_sum3A_670 = tpu.scan <sum>, %get3A_612 masked %reduce_sum3A_669 : vector<16xi32>, vector<16xi1> -> vector<16xi32>
        %reduce_sum3A_671 = vector.extract %reduce_sum3A_670[15] : i32 from vector<16xi32>
        %add3A_672 = arith.addi %scan3A_603, %reduce_sum3A_671 : i32
        scf.yield %add3A_672, %select_n3A_667, %select_n3A_644, %select_n3A_665 : i32, i32, i32, i32
      }
      %scan3A_383 = arith.constant 32 : i32
      %mul3A_384 = arith.constant 16 : i32
      %mul3A_385 = arith.muli %scan3A_382#2, %mul3A_384 : i32
      %get3A_386 = arith.index_cast %mul3A_385 : i32 to index
      %get3A_387 = tpu.vector_load %arg8[%get3A_386] {strides = array<i32>} : memref<8192xi32, #tpu.memory_space<vmem>>, vector<16xi32>,
      %rev3A = arith.constant 15 : i32
      %rev3A_388 = vector.broadcast %rev3A : i32 to vector<16xi32>
      %rev3A_389 = tpu.iota {dimensions = array<i32: 0>} : vector<16xi32>
      %rev3A_390 = arith.subi %rev3A_388, %rev3A_389 : vector<16xi32>
      %rev3A_391 = tpu.dynamic_gather %get3A_387[%rev3A_390] in [0] : vector<16xi32>, vector<16xi32> -> vector<16xi32>
      %cumsum3A_392 = arith.constant true
      %cumsum3A_393 = vector.broadcast %cumsum3A_392 : i1 to vector<16xi1>
      %cumsum3A_394 = tpu.scan <sum>, %rev3A_391 masked %cumsum3A_393 : vector<16xi32>, vector<16xi1> -> vector<16xi32>
      %add3A_395 = vector.broadcast %scan3A_382#3 : i32 to vector<16xi32>
      %add3A_396 = arith.addi %cumsum3A_394, %add3A_395 : vector<16xi32>
      %ge3A_397 = vector.broadcast %min3A_373 : i32 to vector<16xi32>
      %ge3A_398 = arith.cmpi sge, %add3A_396, %ge3A_397 : vector<16xi32>
      %all_reduce_ffs3A_399 = tpu.all_reduce %ge3A_398 {dim = 0 : i64, kind = #tpu.reduction_kind<find_first_set>} : vector<16xi1> -> vector<16xi32>
      %reduce_max3A_400 = arith.constant true
      %reduce_max3A_401 = vector.broadcast %reduce_max3A_400 : i1 to vector<16xi1>
      %reduce_max3A_402 = arith.constant -2147483648 : i32
      %reduce_max3A_403 = vector.broadcast %reduce_max3A_402 : i32 to vector<16xi32>
      %reduce_max3A_404 = arith.xori %all_reduce_ffs3A_399, %reduce_max3A_403 : vector<16xi32>
      %reduce_max3A_405 = tpu.scan <max>, %reduce_max3A_404 masked %reduce_max3A_401 : vector<16xi32>, vector<16xi1> -> vector<16xi32>
      %reduce_max3A_406 = arith.xori %reduce_max3A_405, %reduce_max3A_403 : vector<16xi32>
      %reduce_max3A_407 = vector.extract %reduce_max3A_406[15] : i32 from vector<16xi32>
      %mul3A_408 = arith.constant 16 : i32
      %mul3A_409 = arith.muli %scan3A_382#2, %mul3A_408 : i32
      %add3A_410 = arith.constant 15 : i32
      %add3A_411 = arith.addi %mul3A_409, %add3A_410 : i32
      %sub3A_412 = arith.subi %add3A_411, %reduce_max3A_407 : i32
      %eq3A_413 = vector.broadcast %reduce_max3A_407 : i32 to vector<16xi32>
      %eq3A_414 = arith.cmpi eq, %iota3A, %eq3A_413 : vector<16xi32>
      %jit3A_415 = arith.constant 0 : i32
      %broadcast_in_dim3A_416 = vector.broadcast %jit3A_415 : i32 to vector<16xi32>
      %select_n3A_417 = arith.select %eq3A_414, %add3A_396, %broadcast_in_dim3A_416 : vector<16xi1>, vector<16xi32>
      %reduce_sum3A_418 = arith.constant true
      %reduce_sum3A_419 = vector.broadcast %reduce_sum3A_418 : i1 to vector<16xi1>
      %reduce_sum3A_420 = tpu.scan <sum>, %select_n3A_417 masked %reduce_sum3A_419 : vector<16xi32>, vector<16xi1> -> vector<16xi32>
      %reduce_sum3A_421 = vector.extract %reduce_sum3A_420[15] : i32 from vector<16xi32>
      %eq3A_422 = vector.broadcast %reduce_max3A_407 : i32 to vector<16xi32>
      %eq3A_423 = arith.cmpi eq, %iota3A, %eq3A_422 : vector<16xi32>
      %jit3A_424 = arith.constant 0 : i32
      %broadcast_in_dim3A_425 = vector.broadcast %jit3A_424 : i32 to vector<16xi32>
      %select_n3A_426 = arith.select %eq3A_423, %rev3A_391, %broadcast_in_dim3A_425 : vector<16xi1>, vector<16xi32>
      %reduce_sum3A_427 = arith.constant true
      %reduce_sum3A_428 = vector.broadcast %reduce_sum3A_427 : i1 to vector<16xi1>
      %reduce_sum3A_429 = tpu.scan <sum>, %select_n3A_426 masked %reduce_sum3A_428 : vector<16xi32>, vector<16xi1> -> vector<16xi32>
      %reduce_sum3A_430 = vector.extract %reduce_sum3A_429[15] : i32 from vector<16xi32>
      %sub3A_431 = arith.subi %reduce_sum3A_421, %reduce_sum3A_430 : i32
      %sub3A_432 = arith.subi %min3A_373, %sub3A_431 : i32
      %scan3A_433 = arith.constant 0 : i32
      %scan3A_434 = arith.constant 64 : i32
      %scan3A_435 = arith.addi %scan3A_433, %scan3A_434 : i32
      %scan3A_436 = arith.constant 1 : i32
      scf.for %scan3A_602 = %scan3A_433 to %scan3A_435 step %scan3A_436  : i32 {
        %mul3A_603 = arith.constant 1 : i32
        %mul3A_604 = arith.muli %scan3A_602, %mul3A_603 : i32
        %add3A_605 = arith.constant 0 : i32
        %add3A_606 = arith.addi %add3A_605, %mul3A_604 : i32
        %mul3A_607 = arith.constant 128 : i32
        %mul3A_608 = arith.muli %add3A_606, %mul3A_607 : i32
        %add3A_609 = arith.constant 0 : i32
        %add3A_610 = arith.addi %mul3A_608, %add3A_609 : i32
        %get3A_611 = arith.index_cast %add3A_610 : i32 to index
        %get3A_612 = tpu.vector_load %arg7[%get3A_611] {strides = array<i32>} : memref<8192xi32, #tpu.memory_space<vmem>>, vector<16xi32>,
        %shift_right_logical3A = arith.constant 18 : i32
        %shift_right_logical3A_613 = vector.broadcast %shift_right_logical3A : i32 to vector<16xi32>
        %shift_right_logical3A_614 = arith.shrui %get3A_612, %shift_right_logical3A_613 : vector<16xi32>
        %eq3A_615 = vector.broadcast %sub3A_412 : i32 to vector<16xi32>
        %eq3A_616 = arith.cmpi eq, %shift_right_logical3A_614, %eq3A_615 : vector<16xi32>
        %shift_right_logical3A_617 = arith.constant 9 : i32
        %shift_right_logical3A_618 = vector.broadcast %shift_right_logical3A_617 : i32 to vector<16xi32>
        %shift_right_logical3A_619 = arith.shrui %get3A_612, %shift_right_logical3A_618 : vector<16xi32>
        %and3A_620 = arith.constant 511 : i32
        %and3A_621 = vector.broadcast %and3A_620 : i32 to vector<16xi32>
        %and3A_622 = arith.andi %shift_right_logical3A_619, %and3A_621 : vector<16xi32>
        tpu.vector_store_idx %arg10[%and3A_622], %broadcast_in_dim3A_26 masked %eq3A_616 {add = true} : memref<512xi32, #tpu.memory_space<vmem>>[vector<16xi32>], vector<16xi32>, vector<16xi1>
        %shift_right_logical3A_623 = arith.constant 4 : i32
        %shift_right_logical3A_624 = vector.broadcast %shift_right_logical3A_623 : i32 to vector<16xi32>
        %shift_right_logical3A_625 = arith.shrui %and3A_622, %shift_right_logical3A_624 : vector<16xi32>
        tpu.vector_store_idx %arg11[%shift_right_logical3A_625], %broadcast_in_dim3A_26 masked %eq3A_616 {add = true} : memref<32xi32, #tpu.memory_space<vmem>>[vector<16xi32>], vector<16xi32>, vector<16xi1>
        %add3A_626 = arith.constant 16 : i32
        %add3A_627 = arith.addi %mul3A_608, %add3A_626 : i32
        %get3A_628 = arith.index_cast %add3A_627 : i32 to index
        %get3A_629 = tpu.vector_load %arg7[%get3A_628] {strides = array<i32>} : memref<8192xi32, #tpu.memory_space<vmem>>, vector<16xi32>,
        %shift_right_logical3A_630 = arith.constant 18 : i32
        %shift_right_logical3A_631 = vector.broadcast %shift_right_logical3A_630 : i32 to vector<16xi32>
        %shift_right_logical3A_632 = arith.shrui %get3A_629, %shift_right_logical3A_631 : vector<16xi32>
        %eq3A_633 = vector.broadcast %sub3A_412 : i32 to vector<16xi32>
        %eq3A_634 = arith.cmpi eq, %shift_right_logical3A_632, %eq3A_633 : vector<16xi32>
        %shift_right_logical3A_635 = arith.constant 9 : i32
        %shift_right_logical3A_636 = vector.broadcast %shift_right_logical3A_635 : i32 to vector<16xi32>
        %shift_right_logical3A_637 = arith.shrui %get3A_629, %shift_right_logical3A_636 : vector<16xi32>
        %and3A_638 = arith.constant 511 : i32
        %and3A_639 = vector.broadcast %and3A_638 : i32 to vector<16xi32>
        %and3A_640 = arith.andi %shift_right_logical3A_637, %and3A_639 : vector<16xi32>
        tpu.vector_store_idx %arg10[%and3A_640], %broadcast_in_dim3A_26 masked %eq3A_634 {add = true} : memref<512xi32, #tpu.memory_space<vmem>>[vector<16xi32>], vector<16xi32>, vector<16xi1>
        %shift_right_logical3A_641 = arith.constant 4 : i32
        %shift_right_logical3A_642 = vector.broadcast %shift_right_logical3A_641 : i32 to vector<16xi32>
        %shift_right_logical3A_643 = arith.shrui %and3A_640, %shift_right_logical3A_642 : vector<16xi32>
        tpu.vector_store_idx %arg11[%shift_right_logical3A_643], %broadcast_in_dim3A_26 masked %eq3A_634 {add = true} : memref<32xi32, #tpu.memory_space<vmem>>[vector<16xi32>], vector<16xi32>, vector<16xi1>
        %add3A_644 = arith.constant 32 : i32
        %add3A_645 = arith.addi %mul3A_608, %add3A_644 : i32
        %get3A_646 = arith.index_cast %add3A_645 : i32 to index
        %get3A_647 = tpu.vector_load %arg7[%get3A_646] {strides = array<i32>} : memref<8192xi32, #tpu.memory_space<vmem>>, vector<16xi32>,
        %shift_right_logical3A_648 = arith.constant 18 : i32
        %shift_right_logical3A_649 = vector.broadcast %shift_right_logical3A_648 : i32 to vector<16xi32>
        %shift_right_logical3A_650 = arith.shrui %get3A_647, %shift_right_logical3A_649 : vector<16xi32>
        %eq3A_651 = vector.broadcast %sub3A_412 : i32 to vector<16xi32>
        %eq3A_652 = arith.cmpi eq, %shift_right_logical3A_650, %eq3A_651 : vector<16xi32>
        %shift_right_logical3A_653 = arith.constant 9 : i32
        %shift_right_logical3A_654 = vector.broadcast %shift_right_logical3A_653 : i32 to vector<16xi32>
        %shift_right_logical3A_655 = arith.shrui %get3A_647, %shift_right_logical3A_654 : vector<16xi32>
        %and3A_656 = arith.constant 511 : i32
        %and3A_657 = vector.broadcast %and3A_656 : i32 to vector<16xi32>
        %and3A_658 = arith.andi %shift_right_logical3A_655, %and3A_657 : vector<16xi32>
        tpu.vector_store_idx %arg10[%and3A_658], %broadcast_in_dim3A_26 masked %eq3A_652 {add = true} : memref<512xi32, #tpu.memory_space<vmem>>[vector<16xi32>], vector<16xi32>, vector<16xi1>
        %shift_right_logical3A_659 = arith.constant 4 : i32
        %shift_right_logical3A_660 = vector.broadcast %shift_right_logical3A_659 : i32 to vector<16xi32>
        %shift_right_logical3A_661 = arith.shrui %and3A_658, %shift_right_logical3A_660 : vector<16xi32>
        tpu.vector_store_idx %arg11[%shift_right_logical3A_661], %broadcast_in_dim3A_26 masked %eq3A_652 {add = true} : memref<32xi32, #tpu.memory_space<vmem>>[vector<16xi32>], vector<16xi32>, vector<16xi1>
        %add3A_662 = arith.constant 48 : i32
        %add3A_663 = arith.addi %mul3A_608, %add3A_662 : i32
        %get3A_664 = arith.index_cast %add3A_663 : i32 to index
        %get3A_665 = tpu.vector_load %arg7[%get3A_664] {strides = array<i32>} : memref<8192xi32, #tpu.memory_space<vmem>>, vector<16xi32>,
        %shift_right_logical3A_666 = arith.constant 18 : i32
        %shift_right_logical3A_667 = vector.broadcast %shift_right_logical3A_666 : i32 to vector<16xi32>
        %shift_right_logical3A_668 = arith.shrui %get3A_665, %shift_right_logical3A_667 : vector<16xi32>
        %eq3A_669 = vector.broadcast %sub3A_412 : i32 to vector<16xi32>
        %eq3A_670 = arith.cmpi eq, %shift_right_logical3A_668, %eq3A_669 : vector<16xi32>
        %shift_right_logical3A_671 = arith.constant 9 : i32
        %shift_right_logical3A_672 = vector.broadcast %shift_right_logical3A_671 : i32 to vector<16xi32>
        %shift_right_logical3A_673 = arith.shrui %get3A_665, %shift_right_logical3A_672 : vector<16xi32>
        %and3A_674 = arith.constant 511 : i32
        %and3A_675 = vector.broadcast %and3A_674 : i32 to vector<16xi32>
        %and3A_676 = arith.andi %shift_right_logical3A_673, %and3A_675 : vector<16xi32>
        tpu.vector_store_idx %arg10[%and3A_676], %broadcast_in_dim3A_26 masked %eq3A_670 {add = true} : memref<512xi32, #tpu.memory_space<vmem>>[vector<16xi32>], vector<16xi32>, vector<16xi1>
        %shift_right_logical3A_677 = arith.constant 4 : i32
        %shift_right_logical3A_678 = vector.broadcast %shift_right_logical3A_677 : i32 to vector<16xi32>
        %shift_right_logical3A_679 = arith.shrui %and3A_676, %shift_right_logical3A_678 : vector<16xi32>
        tpu.vector_store_idx %arg11[%shift_right_logical3A_679], %broadcast_in_dim3A_26 masked %eq3A_670 {add = true} : memref<32xi32, #tpu.memory_space<vmem>>[vector<16xi32>], vector<16xi32>, vector<16xi1>
        %add3A_680 = arith.constant 64 : i32
        %add3A_681 = arith.addi %mul3A_608, %add3A_680 : i32
        %get3A_682 = arith.index_cast %add3A_681 : i32 to index
        %get3A_683 = tpu.vector_load %arg7[%get3A_682] {strides = array<i32>} : memref<8192xi32, #tpu.memory_space<vmem>>, vector<16xi32>,
        %shift_right_logical3A_684 = arith.constant 18 : i32
        %shift_right_logical3A_685 = vector.broadcast %shift_right_logical3A_684 : i32 to vector<16xi32>
        %shift_right_logical3A_686 = arith.shrui %get3A_683, %shift_right_logical3A_685 : vector<16xi32>
        %eq3A_687 = vector.broadcast %sub3A_412 : i32 to vector<16xi32>
        %eq3A_688 = arith.cmpi eq, %shift_right_logical3A_686, %eq3A_687 : vector<16xi32>
        %shift_right_logical3A_689 = arith.constant 9 : i32
        %shift_right_logical3A_690 = vector.broadcast %shift_right_logical3A_689 : i32 to vector<16xi32>
        %shift_right_logical3A_691 = arith.shrui %get3A_683, %shift_right_logical3A_690 : vector<16xi32>
        %and3A_692 = arith.constant 511 : i32
        %and3A_693 = vector.broadcast %and3A_692 : i32 to vector<16xi32>
        %and3A_694 = arith.andi %shift_right_logical3A_691, %and3A_693 : vector<16xi32>
        tpu.vector_store_idx %arg10[%and3A_694], %broadcast_in_dim3A_26 masked %eq3A_688 {add = true} : memref<512xi32, #tpu.memory_space<vmem>>[vector<16xi32>], vector<16xi32>, vector<16xi1>
        %shift_right_logical3A_695 = arith.constant 4 : i32
        %shift_right_logical3A_696 = vector.broadcast %shift_right_logical3A_695 : i32 to vector<16xi32>
        %shift_right_logical3A_697 = arith.shrui %and3A_694, %shift_right_logical3A_696 : vector<16xi32>
        tpu.vector_store_idx %arg11[%shift_right_logical3A_697], %broadcast_in_dim3A_26 masked %eq3A_688 {add = true} : memref<32xi32, #tpu.memory_space<vmem>>[vector<16xi32>], vector<16xi32>, vector<16xi1>
        %add3A_698 = arith.constant 80 : i32
        %add3A_699 = arith.addi %mul3A_608, %add3A_698 : i32
        %get3A_700 = arith.index_cast %add3A_699 : i32 to index
        %get3A_701 = tpu.vector_load %arg7[%get3A_700] {strides = array<i32>} : memref<8192xi32, #tpu.memory_space<vmem>>, vector<16xi32>,
        %shift_right_logical3A_702 = arith.constant 18 : i32
        %shift_right_logical3A_703 = vector.broadcast %shift_right_logical3A_702 : i32 to vector<16xi32>
        %shift_right_logical3A_704 = arith.shrui %get3A_701, %shift_right_logical3A_703 : vector<16xi32>
        %eq3A_705 = vector.broadcast %sub3A_412 : i32 to vector<16xi32>
        %eq3A_706 = arith.cmpi eq, %shift_right_logical3A_704, %eq3A_705 : vector<16xi32>
        %shift_right_logical3A_707 = arith.constant 9 : i32
        %shift_right_logical3A_708 = vector.broadcast %shift_right_logical3A_707 : i32 to vector<16xi32>
        %shift_right_logical3A_709 = arith.shrui %get3A_701, %shift_right_logical3A_708 : vector<16xi32>
        %and3A_710 = arith.constant 511 : i32
        %and3A_711 = vector.broadcast %and3A_710 : i32 to vector<16xi32>
        %and3A_712 = arith.andi %shift_right_logical3A_709, %and3A_711 : vector<16xi32>
        tpu.vector_store_idx %arg10[%and3A_712], %broadcast_in_dim3A_26 masked %eq3A_706 {add = true} : memref<512xi32, #tpu.memory_space<vmem>>[vector<16xi32>], vector<16xi32>, vector<16xi1>
        %shift_right_logical3A_713 = arith.constant 4 : i32
        %shift_right_logical3A_714 = vector.broadcast %shift_right_logical3A_713 : i32 to vector<16xi32>
        %shift_right_logical3A_715 = arith.shrui %and3A_712, %shift_right_logical3A_714 : vector<16xi32>
        tpu.vector_store_idx %arg11[%shift_right_logical3A_715], %broadcast_in_dim3A_26 masked %eq3A_706 {add = true} : memref<32xi32, #tpu.memory_space<vmem>>[vector<16xi32>], vector<16xi32>, vector<16xi1>
        %add3A_716 = arith.constant 96 : i32
        %add3A_717 = arith.addi %mul3A_608, %add3A_716 : i32
        %get3A_718 = arith.index_cast %add3A_717 : i32 to index
        %get3A_719 = tpu.vector_load %arg7[%get3A_718] {strides = array<i32>} : memref<8192xi32, #tpu.memory_space<vmem>>, vector<16xi32>,
        %shift_right_logical3A_720 = arith.constant 18 : i32
        %shift_right_logical3A_721 = vector.broadcast %shift_right_logical3A_720 : i32 to vector<16xi32>
        %shift_right_logical3A_722 = arith.shrui %get3A_719, %shift_right_logical3A_721 : vector<16xi32>
        %eq3A_723 = vector.broadcast %sub3A_412 : i32 to vector<16xi32>
        %eq3A_724 = arith.cmpi eq, %shift_right_logical3A_722, %eq3A_723 : vector<16xi32>
        %shift_right_logical3A_725 = arith.constant 9 : i32
        %shift_right_logical3A_726 = vector.broadcast %shift_right_logical3A_725 : i32 to vector<16xi32>
        %shift_right_logical3A_727 = arith.shrui %get3A_719, %shift_right_logical3A_726 : vector<16xi32>
        %and3A_728 = arith.constant 511 : i32
        %and3A_729 = vector.broadcast %and3A_728 : i32 to vector<16xi32>
        %and3A_730 = arith.andi %shift_right_logical3A_727, %and3A_729 : vector<16xi32>
        tpu.vector_store_idx %arg10[%and3A_730], %broadcast_in_dim3A_26 masked %eq3A_724 {add = true} : memref<512xi32, #tpu.memory_space<vmem>>[vector<16xi32>], vector<16xi32>, vector<16xi1>
        %shift_right_logical3A_731 = arith.constant 4 : i32
        %shift_right_logical3A_732 = vector.broadcast %shift_right_logical3A_731 : i32 to vector<16xi32>
        %shift_right_logical3A_733 = arith.shrui %and3A_730, %shift_right_logical3A_732 : vector<16xi32>
        tpu.vector_store_idx %arg11[%shift_right_logical3A_733], %broadcast_in_dim3A_26 masked %eq3A_724 {add = true} : memref<32xi32, #tpu.memory_space<vmem>>[vector<16xi32>], vector<16xi32>, vector<16xi1>
        %add3A_734 = arith.constant 112 : i32
        %add3A_735 = arith.addi %mul3A_608, %add3A_734 : i32
        %get3A_736 = arith.index_cast %add3A_735 : i32 to index
        %get3A_737 = tpu.vector_load %arg7[%get3A_736] {strides = array<i32>} : memref<8192xi32, #tpu.memory_space<vmem>>, vector<16xi32>,
        %shift_right_logical3A_738 = arith.constant 18 : i32
        %shift_right_logical3A_739 = vector.broadcast %shift_right_logical3A_738 : i32 to vector<16xi32>
        %shift_right_logical3A_740 = arith.shrui %get3A_737, %shift_right_logical3A_739 : vector<16xi32>
        %eq3A_741 = vector.broadcast %sub3A_412 : i32 to vector<16xi32>
        %eq3A_742 = arith.cmpi eq, %shift_right_logical3A_740, %eq3A_741 : vector<16xi32>
        %shift_right_logical3A_743 = arith.constant 9 : i32
        %shift_right_logical3A_744 = vector.broadcast %shift_right_logical3A_743 : i32 to vector<16xi32>
        %shift_right_logical3A_745 = arith.shrui %get3A_737, %shift_right_logical3A_744 : vector<16xi32>
        %and3A_746 = arith.constant 511 : i32
        %and3A_747 = vector.broadcast %and3A_746 : i32 to vector<16xi32>
        %and3A_748 = arith.andi %shift_right_logical3A_745, %and3A_747 : vector<16xi32>
        tpu.vector_store_idx %arg10[%and3A_748], %broadcast_in_dim3A_26 masked %eq3A_742 {add = true} : memref<512xi32, #tpu.memory_space<vmem>>[vector<16xi32>], vector<16xi32>, vector<16xi1>
        %shift_right_logical3A_749 = arith.constant 4 : i32
        %shift_right_logical3A_750 = vector.broadcast %shift_right_logical3A_749 : i32 to vector<16xi32>
        %shift_right_logical3A_751 = arith.shrui %and3A_748, %shift_right_logical3A_750 : vector<16xi32>
        tpu.vector_store_idx %arg11[%shift_right_logical3A_751], %broadcast_in_dim3A_26 masked %eq3A_742 {add = true} : memref<32xi32, #tpu.memory_space<vmem>>[vector<16xi32>], vector<16xi32>, vector<16xi1>
      }
      %scan3A_437 = arith.constant 64 : i32
      %get3A_438 = arith.constant 16 : index
      %get3A_439 = tpu.vector_load %arg11[%get3A_438] {strides = array<i32>} : memref<32xi32, #tpu.memory_space<vmem>>, vector<16xi32>,
      %rev3A_440 = arith.constant 15 : i32
      %rev3A_441 = vector.broadcast %rev3A_440 : i32 to vector<16xi32>
      %rev3A_442 = tpu.iota {dimensions = array<i32: 0>} : vector<16xi32>
      %rev3A_443 = arith.subi %rev3A_441, %rev3A_442 : vector<16xi32>
      %rev3A_444 = tpu.dynamic_gather %get3A_439[%rev3A_443] in [0] : vector<16xi32>, vector<16xi32> -> vector<16xi32>
      %cumsum3A_445 = arith.constant true
      %cumsum3A_446 = vector.broadcast %cumsum3A_445 : i1 to vector<16xi1>
      %cumsum3A_447 = tpu.scan <sum>, %rev3A_444 masked %cumsum3A_446 : vector<16xi32>, vector<16xi1> -> vector<16xi32>
      %ge3A_448 = vector.broadcast %sub3A_432 : i32 to vector<16xi32>
      %ge3A_449 = arith.cmpi sge, %cumsum3A_447, %ge3A_448 : vector<16xi32>
      %all_reduce_ffs3A_450 = tpu.all_reduce %ge3A_449 {dim = 0 : i64, kind = #tpu.reduction_kind<find_first_set>} : vector<16xi1> -> vector<16xi32>
      %reduce_max3A_451 = arith.constant true
      %reduce_max3A_452 = vector.broadcast %reduce_max3A_451 : i1 to vector<16xi1>
      %reduce_max3A_453 = arith.constant -2147483648 : i32
      %reduce_max3A_454 = vector.broadcast %reduce_max3A_453 : i32 to vector<16xi32>
      %reduce_max3A_455 = arith.xori %all_reduce_ffs3A_450, %reduce_max3A_454 : vector<16xi32>
      %reduce_max3A_456 = tpu.scan <max>, %reduce_max3A_455 masked %reduce_max3A_452 : vector<16xi32>, vector<16xi1> -> vector<16xi32>
      %reduce_max3A_457 = arith.xori %reduce_max3A_456, %reduce_max3A_454 : vector<16xi32>
      %reduce_max3A_458 = vector.extract %reduce_max3A_457[15] : i32 from vector<16xi32>
      %get3A_459 = arith.constant 0 : index
      %get3A_460 = tpu.vector_load %arg11[%get3A_459] {strides = array<i32>} : memref<32xi32, #tpu.memory_space<vmem>>, vector<16xi32>,
      %rev3A_461 = arith.constant 15 : i32
      %rev3A_462 = vector.broadcast %rev3A_461 : i32 to vector<16xi32>
      %rev3A_463 = tpu.iota {dimensions = array<i32: 0>} : vector<16xi32>
      %rev3A_464 = arith.subi %rev3A_462, %rev3A_463 : vector<16xi32>
      %rev3A_465 = tpu.dynamic_gather %get3A_460[%rev3A_464] in [0] : vector<16xi32>, vector<16xi32> -> vector<16xi32>
      %cumsum3A_466 = arith.constant true
      %cumsum3A_467 = vector.broadcast %cumsum3A_466 : i1 to vector<16xi1>
      %cumsum3A_468 = tpu.scan <sum>, %rev3A_465 masked %cumsum3A_467 : vector<16xi32>, vector<16xi1> -> vector<16xi32>
      %reduce_sum3A_469 = arith.constant true
      %reduce_sum3A_470 = vector.broadcast %reduce_sum3A_469 : i1 to vector<16xi1>
      %reduce_sum3A_471 = tpu.scan <sum>, %get3A_439 masked %reduce_sum3A_470 : vector<16xi32>, vector<16xi1> -> vector<16xi32>
      %reduce_sum3A_472 = vector.extract %reduce_sum3A_471[15] : i32 from vector<16xi32>
      %add3A_473 = vector.broadcast %reduce_sum3A_472 : i32 to vector<16xi32>
      %add3A_474 = arith.addi %cumsum3A_468, %add3A_473 : vector<16xi32>
      %ge3A_475 = vector.broadcast %sub3A_432 : i32 to vector<16xi32>
      %ge3A_476 = arith.cmpi sge, %add3A_474, %ge3A_475 : vector<16xi32>
      %all_reduce_ffs3A_477 = tpu.all_reduce %ge3A_476 {dim = 0 : i64, kind = #tpu.reduction_kind<find_first_set>} : vector<16xi1> -> vector<16xi32>
      %reduce_max3A_478 = arith.constant true
      %reduce_max3A_479 = vector.broadcast %reduce_max3A_478 : i1 to vector<16xi1>
      %reduce_max3A_480 = arith.constant -2147483648 : i32
      %reduce_max3A_481 = vector.broadcast %reduce_max3A_480 : i32 to vector<16xi32>
      %reduce_max3A_482 = arith.xori %all_reduce_ffs3A_477, %reduce_max3A_481 : vector<16xi32>
      %reduce_max3A_483 = tpu.scan <max>, %reduce_max3A_482 masked %reduce_max3A_479 : vector<16xi32>, vector<16xi1> -> vector<16xi32>
      %reduce_max3A_484 = arith.xori %reduce_max3A_483, %reduce_max3A_481 : vector<16xi32>
      %reduce_max3A_485 = vector.extract %reduce_max3A_484[15] : i32 from vector<16xi32>
      %lt3A_486 = arith.constant 16 : i32
      %lt3A_487 = arith.cmpi slt, %reduce_max3A_458, %lt3A_486 : i32
      %sub3A_488 = arith.constant 31 : i32
      %sub3A_489 = arith.subi %sub3A_488, %reduce_max3A_458 : i32
      %sub3A_490 = arith.constant 15 : i32
      %sub3A_491 = arith.subi %sub3A_490, %reduce_max3A_485 : i32
      %select_n3A_492 = arith.select %lt3A_487, %sub3A_489, %sub3A_491 : i32
      %eq3A_493 = vector.broadcast %reduce_max3A_458 : i32 to vector<16xi32>
      %eq3A_494 = arith.cmpi eq, %iota3A, %eq3A_493 : vector<16xi32>
      %jit3A_495 = arith.constant 0 : i32
      %broadcast_in_dim3A_496 = vector.broadcast %jit3A_495 : i32 to vector<16xi32>
      %select_n3A_497 = arith.select %eq3A_494, %cumsum3A_447, %broadcast_in_dim3A_496 : vector<16xi1>, vector<16xi32>
      %reduce_sum3A_498 = arith.constant true
      %reduce_sum3A_499 = vector.broadcast %reduce_sum3A_498 : i1 to vector<16xi1>
      %reduce_sum3A_500 = tpu.scan <sum>, %select_n3A_497 masked %reduce_sum3A_499 : vector<16xi32>, vector<16xi1> -> vector<16xi32>
      %reduce_sum3A_501 = vector.extract %reduce_sum3A_500[15] : i32 from vector<16xi32>
      %eq3A_502 = vector.broadcast %reduce_max3A_485 : i32 to vector<16xi32>
      %eq3A_503 = arith.cmpi eq, %iota3A, %eq3A_502 : vector<16xi32>
      %jit3A_504 = arith.constant 0 : i32
      %broadcast_in_dim3A_505 = vector.broadcast %jit3A_504 : i32 to vector<16xi32>
      %select_n3A_506 = arith.select %eq3A_503, %add3A_474, %broadcast_in_dim3A_505 : vector<16xi1>, vector<16xi32>
      %reduce_sum3A_507 = arith.constant true
      %reduce_sum3A_508 = vector.broadcast %reduce_sum3A_507 : i1 to vector<16xi1>
      %reduce_sum3A_509 = tpu.scan <sum>, %select_n3A_506 masked %reduce_sum3A_508 : vector<16xi32>, vector<16xi1> -> vector<16xi32>
      %reduce_sum3A_510 = vector.extract %reduce_sum3A_509[15] : i32 from vector<16xi32>
      %select_n3A_511 = arith.select %lt3A_487, %reduce_sum3A_501, %reduce_sum3A_510 : i32
      %eq3A_512 = vector.broadcast %reduce_max3A_458 : i32 to vector<16xi32>
      %eq3A_513 = arith.cmpi eq, %iota3A, %eq3A_512 : vector<16xi32>
      %jit3A_514 = arith.constant 0 : i32
      %broadcast_in_dim3A_515 = vector.broadcast %jit3A_514 : i32 to vector<16xi32>
      %select_n3A_516 = arith.select %eq3A_513, %rev3A_444, %broadcast_in_dim3A_515 : vector<16xi1>, vector<16xi32>
      %reduce_sum3A_517 = arith.constant true
      %reduce_sum3A_518 = vector.broadcast %reduce_sum3A_517 : i1 to vector<16xi1>
      %reduce_sum3A_519 = tpu.scan <sum>, %select_n3A_516 masked %reduce_sum3A_518 : vector<16xi32>, vector<16xi1> -> vector<16xi32>
      %reduce_sum3A_520 = vector.extract %reduce_sum3A_519[15] : i32 from vector<16xi32>
      %eq3A_521 = vector.broadcast %reduce_max3A_485 : i32 to vector<16xi32>
      %eq3A_522 = arith.cmpi eq, %iota3A, %eq3A_521 : vector<16xi32>
      %jit3A_523 = arith.constant 0 : i32
      %broadcast_in_dim3A_524 = vector.broadcast %jit3A_523 : i32 to vector<16xi32>
      %select_n3A_525 = arith.select %eq3A_522, %rev3A_465, %broadcast_in_dim3A_524 : vector<16xi1>, vector<16xi32>
      %reduce_sum3A_526 = arith.constant true
      %reduce_sum3A_527 = vector.broadcast %reduce_sum3A_526 : i1 to vector<16xi1>
      %reduce_sum3A_528 = tpu.scan <sum>, %select_n3A_525 masked %reduce_sum3A_527 : vector<16xi32>, vector<16xi1> -> vector<16xi32>
      %reduce_sum3A_529 = vector.extract %reduce_sum3A_528[15] : i32 from vector<16xi32>
      %select_n3A_530 = arith.select %lt3A_487, %reduce_sum3A_520, %reduce_sum3A_529 : i32
      %sub3A_531 = arith.subi %select_n3A_511, %select_n3A_530 : i32
      %mul3A_532 = arith.constant 16 : i32
      %mul3A_533 = arith.muli %select_n3A_492, %mul3A_532 : i32
      %get3A_534 = arith.index_cast %mul3A_533 : i32 to index
      %get3A_535 = tpu.vector_load %arg10[%get3A_534] {strides = array<i32>} : memref<512xi32, #tpu.memory_space<vmem>>, vector<16xi32>,
      %rev3A_536 = arith.constant 15 : i32
      %rev3A_537 = vector.broadcast %rev3A_536 : i32 to vector<16xi32>
      %rev3A_538 = tpu.iota {dimensions = array<i32: 0>} : vector<16xi32>
      %rev3A_539 = arith.subi %rev3A_537, %rev3A_538 : vector<16xi32>
      %rev3A_540 = tpu.dynamic_gather %get3A_535[%rev3A_539] in [0] : vector<16xi32>, vector<16xi32> -> vector<16xi32>
      %cumsum3A_541 = arith.constant true
      %cumsum3A_542 = vector.broadcast %cumsum3A_541 : i1 to vector<16xi1>
      %cumsum3A_543 = tpu.scan <sum>, %rev3A_540 masked %cumsum3A_542 : vector<16xi32>, vector<16xi1> -> vector<16xi32>
      %add3A_544 = vector.broadcast %sub3A_531 : i32 to vector<16xi32>
      %add3A_545 = arith.addi %cumsum3A_543, %add3A_544 : vector<16xi32>
      %ge3A_546 = vector.broadcast %sub3A_432 : i32 to vector<16xi32>
      %ge3A_547 = arith.cmpi sge, %add3A_545, %ge3A_546 : vector<16xi32>
      %all_reduce_ffs3A_548 = tpu.all_reduce %ge3A_547 {dim = 0 : i64, kind = #tpu.reduction_kind<find_first_set>} : vector<16xi1> -> vector<16xi32>
      %reduce_max3A_549 = arith.constant true
      %reduce_max3A_550 = vector.broadcast %reduce_max3A_549 : i1 to vector<16xi1>
      %reduce_max3A_551 = arith.constant -2147483648 : i32
      %reduce_max3A_552 = vector.broadcast %reduce_max3A_551 : i32 to vector<16xi32>
      %reduce_max3A_553 = arith.xori %all_reduce_ffs3A_548, %reduce_max3A_552 : vector<16xi32>
      %reduce_max3A_554 = tpu.scan <max>, %reduce_max3A_553 masked %reduce_max3A_550 : vector<16xi32>, vector<16xi1> -> vector<16xi32>
      %reduce_max3A_555 = arith.xori %reduce_max3A_554, %reduce_max3A_552 : vector<16xi32>
      %reduce_max3A_556 = vector.extract %reduce_max3A_555[15] : i32 from vector<16xi32>
      %mul3A_557 = arith.constant 16 : i32
      %mul3A_558 = arith.muli %select_n3A_492, %mul3A_557 : i32
      %add3A_559 = arith.constant 15 : i32
      %add3A_560 = arith.addi %mul3A_558, %add3A_559 : i32
      %sub3A_561 = arith.subi %add3A_560, %reduce_max3A_556 : i32
      %eq3A_562 = vector.broadcast %reduce_max3A_556 : i32 to vector<16xi32>
      %eq3A_563 = arith.cmpi eq, %iota3A, %eq3A_562 : vector<16xi32>
      %jit3A_564 = arith.constant 0 : i32
      %broadcast_in_dim3A_565 = vector.broadcast %jit3A_564 : i32 to vector<16xi32>
      %select_n3A_566 = arith.select %eq3A_563, %add3A_545, %broadcast_in_dim3A_565 : vector<16xi1>, vector<16xi32>
      %reduce_sum3A_567 = arith.constant true
      %reduce_sum3A_568 = vector.broadcast %reduce_sum3A_567 : i1 to vector<16xi1>
      %reduce_sum3A_569 = tpu.scan <sum>, %select_n3A_566 masked %reduce_sum3A_568 : vector<16xi32>, vector<16xi1> -> vector<16xi32>
      %reduce_sum3A_570 = vector.extract %reduce_sum3A_569[15] : i32 from vector<16xi32>
      %eq3A_571 = vector.broadcast %reduce_max3A_556 : i32 to vector<16xi32>
      %eq3A_572 = arith.cmpi eq, %iota3A, %eq3A_571 : vector<16xi32>
      %jit3A_573 = arith.constant 0 : i32
      %broadcast_in_dim3A_574 = vector.broadcast %jit3A_573 : i32 to vector<16xi32>
      %select_n3A_575 = arith.select %eq3A_572, %rev3A_540, %broadcast_in_dim3A_574 : vector<16xi1>, vector<16xi32>
      %reduce_sum3A_576 = arith.constant true
      %reduce_sum3A_577 = vector.broadcast %reduce_sum3A_576 : i1 to vector<16xi1>
      %reduce_sum3A_578 = tpu.scan <sum>, %select_n3A_575 masked %reduce_sum3A_577 : vector<16xi32>, vector<16xi1> -> vector<16xi32>
      %reduce_sum3A_579 = vector.extract %reduce_sum3A_578[15] : i32 from vector<16xi32>
      %sub3A_580 = arith.subi %reduce_sum3A_570, %reduce_sum3A_579 : i32
      %sub3A_581 = arith.subi %sub3A_432, %sub3A_580 : i32
      %mul3A_582 = arith.constant 512 : i32
      %mul3A_583 = arith.muli %sub3A_412, %mul3A_582 : i32
      %add3A_584 = arith.addi %mul3A_583, %sub3A_561 : i32
      %eq3A_585 = arith.constant 0 : i32
      %eq3A_586 = vector.broadcast %eq3A_585 : i32 to vector<16xi32>
      %eq3A_587 = arith.cmpi eq, %iota3A, %eq3A_586 : vector<16xi32>
      %jit3A_588 = arith.constant 0 : i32
      %broadcast_in_dim3A_589 = vector.broadcast %add3A_584 : i32 to vector<16xi32>
      %broadcast_in_dim3A_590 = vector.broadcast %jit3A_588 : i32 to vector<16xi32>
      %select_n3A_591 = arith.select %eq3A_587, %broadcast_in_dim3A_589, %broadcast_in_dim3A_590 : vector<16xi1>, vector<16xi32>
      %eq3A_592 = arith.constant 1 : i32
      %eq3A_593 = vector.broadcast %eq3A_592 : i32 to vector<16xi32>
      %eq3A_594 = arith.cmpi eq, %iota3A, %eq3A_593 : vector<16xi32>
      %jit3A_595 = arith.constant 0 : i32
      %broadcast_in_dim3A_596 = vector.broadcast %sub3A_581 : i32 to vector<16xi32>
      %broadcast_in_dim3A_597 = vector.broadcast %jit3A_595 : i32 to vector<16xi32>
      %select_n3A_598 = arith.select %eq3A_594, %broadcast_in_dim3A_596, %broadcast_in_dim3A_597 : vector<16xi1>, vector<16xi32>
      %add3A_599 = arith.addi %select_n3A_591, %select_n3A_598 : vector<16xi32>
      %swap3A_600 = arith.constant 0 : index
      %swap3A_601 = tpu.vector_load %arg13[%swap3A_600] {strides = array<i32>} : memref<16xi32, #tpu.memory_space<vmem>>, vector<16xi32>,
      tpu.vector_store %arg13[%swap3A_600], %add3A_599 {strides = array<i32>} : memref<16xi32, #tpu.memory_space<vmem>>, vector<16xi32>,
      "tpu.region"() ({
        %run_scoped3A = tpu.sem_alloc : memref<!tpu.dma_semaphore, #tpu.memory_space<semaphore_mem>>
        %dma_start3A_602 = arith.constant 0 : i32
        %dma_start3A_603 = tpu.memref_slice %arg4[%arg1, %dma_start3A_602] : memref<4x16xi32, #tpu.memory_space<hbm>> -> memref<1x16xi32, #tpu.memory_space<hbm>>
        %dma_start3A_604 = tpu.memref_squeeze %dma_start3A_603 : memref<1x16xi32, #tpu.memory_space<hbm>> -> memref<16xi32, #tpu.memory_space<hbm>>
        %dma_start3A_605 = arith.constant 0 : i32
        %dma_start3A_606 = tpu.memref_slice %arg4[%arg1, %dma_start3A_605] : memref<4x16xi32, #tpu.memory_space<hbm>> -> memref<1x16xi32, #tpu.memory_space<hbm>>
        %dma_start3A_607 = tpu.memref_squeeze %dma_start3A_606 : memref<1x16xi32, #tpu.memory_space<hbm>> -> memref<16xi32, #tpu.memory_space<hbm>>
        tpu.enqueue_dma source(%arg13 : memref<16xi32, #tpu.memory_space<vmem>>) target(%dma_start3A_607 : memref<16xi32, #tpu.memory_space<hbm>>) target_semaphore(%run_scoped3A : memref<!tpu.dma_semaphore, #tpu.memory_space<semaphore_mem>>)
        %dma_wait3A_608 = arith.constant 0 : i32
        %dma_wait3A_609 = tpu.memref_slice %arg4[%arg1, %dma_wait3A_608] : memref<4x16xi32, #tpu.memory_space<hbm>> -> memref<1x16xi32, #tpu.memory_space<hbm>>
        %dma_wait3A_610 = tpu.memref_squeeze %dma_wait3A_609 : memref<1x16xi32, #tpu.memory_space<hbm>> -> memref<16xi32, #tpu.memory_space<hbm>>
        %dma_wait3A_611 = arith.constant 0 : i32
        %dma_wait3A_612 = tpu.memref_slice %arg4[%arg1, %dma_wait3A_611] : memref<4x16xi32, #tpu.memory_space<hbm>> -> memref<1x16xi32, #tpu.memory_space<hbm>>
        %dma_wait3A_613 = tpu.memref_squeeze %dma_wait3A_612 : memref<1x16xi32, #tpu.memory_space<hbm>> -> memref<16xi32, #tpu.memory_space<hbm>>
        tpu.wait_dma2 semaphore(%run_scoped3A : memref<!tpu.dma_semaphore, #tpu.memory_space<semaphore_mem>>) src(%arg13 : memref<16xi32, #tpu.memory_space<vmem>>) dst(%dma_wait3A_613 : memref<16xi32, #tpu.memory_space<hbm>>)
        tpu.yield
      }) : () -> ()
    } else {
    }
    return
  }
}

module attributes {stable_mosaic.version = 14 : i64} {
  func.func @_tc_body(%arg0: memref<4x8192xi32, #tpu.memory_space<vmem>>, %arg1: memref<4x8192xf32, #tpu.memory_space<vmem>>, %arg2: memref<4x8192xf32, #tpu.memory_space<vmem>>, %arg3: memref<4x16xi32, #tpu.memory_space<vmem>>, %arg4: memref<4x8192xi32, #tpu.memory_space<vmem>>, %arg5: memref<4x8192xi32, #tpu.memory_space<vmem>>) attributes {dimension_semantics = [], scalar_prefetch = 0 : i64, scratch_operands = 0 : i64, tpu.core_type = #tpu.core_type<tc>} {
    %get3A = arith.constant 0 : index
    %get3A_0 = arith.constant 0 : index
    %get3A_1 = vector.load %arg0[%get3A, %get3A_0] : memref<4x8192xi32, #tpu.memory_space<vmem>>, vector<4x8192xi32>
    %get3A_2 = arith.constant 0 : index
    %get3A_3 = arith.constant 0 : index
    %get3A_4 = vector.load %arg1[%get3A_2, %get3A_3] : memref<4x8192xf32, #tpu.memory_space<vmem>>, vector<4x8192xf32>
    %eq3A = arith.constant 0 : i32
    %eq3A_5 = vector.broadcast %eq3A : i32 to vector<4x8192xi32>
    %eq3A_6 = arith.cmpi eq, %get3A_1, %eq3A_5 : vector<4x8192xi32>
    %eq3A_7 = arith.constant 101 : i32
    %eq3A_8 = vector.broadcast %eq3A_7 : i32 to vector<4x8192xi32>
    %eq3A_9 = arith.cmpi eq, %get3A_1, %eq3A_8 : vector<4x8192xi32>
    %or3A = arith.ori %eq3A_6, %eq3A_9 : vector<4x8192xi1>
    %eq3A_10 = arith.constant 102 : i32
    %eq3A_11 = vector.broadcast %eq3A_10 : i32 to vector<4x8192xi32>
    %eq3A_12 = arith.cmpi eq, %get3A_1, %eq3A_11 : vector<4x8192xi32>
    %or3A_13 = arith.ori %or3A, %eq3A_12 : vector<4x8192xi1>
    %not3A = arith.constant dense<true> : vector<4x8192xi1>
    %not3A_14 = arith.xori %or3A_13, %not3A : vector<4x8192xi1>
    %bitcast_convert_type3A = tpu.bitcast %get3A_4 : vector<4x8192xf32> -> vector<4x8192xi32>
    %add3A = arith.constant 1073741824 : i32
    %add3A_15 = vector.broadcast %add3A : i32 to vector<4x8192xi32>
    %add3A_16 = arith.addi %bitcast_convert_type3A, %add3A_15 : vector<4x8192xi32>
    %jit3A = arith.constant 0 : i32
    %broadcast_in_dim3A = vector.broadcast %jit3A : i32 to vector<4x8192xi32>
    %select_n3A = arith.select %not3A_14, %add3A_16, %broadcast_in_dim3A : vector<4x8192xi1>, vector<4x8192xi32>
    %get3A_17 = arith.constant 0 : index
    %get3A_18 = arith.constant 0 : index
    %get3A_19 = vector.load %arg3[%get3A_17, %get3A_18] : memref<4x16xi32, #tpu.memory_space<vmem>>, vector<4x1xi32>
    %get3A_20 = arith.constant 0 : index
    %get3A_21 = arith.constant 1 : index
    %get3A_22 = vector.load %arg3[%get3A_20, %get3A_21] : memref<4x16xi32, #tpu.memory_space<vmem>>, vector<4x1xi32>
    %iota3A = tpu.iota {dimensions = array<i32: 1>} : vector<4x8192xi32>
    %shift_right_logical3A = arith.constant 9 : i32
    %shift_right_logical3A_23 = vector.broadcast %shift_right_logical3A : i32 to vector<4x8192xi32>
    %shift_right_logical3A_24 = arith.shrui %select_n3A, %shift_right_logical3A_23 : vector<4x8192xi32>
    %eq3A_25 = vector.broadcast %get3A_19 : vector<4x1xi32> to vector<4x8192xi32>
    %eq3A_26 = arith.cmpi eq, %shift_right_logical3A_24, %eq3A_25 : vector<4x8192xi32>
    %and3A = arith.constant 511 : i32
    %and3A_27 = vector.broadcast %and3A : i32 to vector<4x8192xi32>
    %and3A_28 = arith.andi %select_n3A, %and3A_27 : vector<4x8192xi32>
    %broadcast_in_dim3A_29 = arith.constant 0 : i32
    %broadcast_in_dim3A_30 = vector.broadcast %broadcast_in_dim3A_29 : i32 to vector<4x1xi32>
    %scan3A = arith.constant 0 : i32
    %scan3A_31 = arith.constant 5 : i32
    %scan3A_32 = arith.addi %scan3A, %scan3A_31 : i32
    %scan3A_33 = arith.constant 1 : i32
    %scan3A_34 = scf.for %scan3A_83 = %scan3A to %scan3A_32 step %scan3A_33 iter_args(%scan3A_84 = %broadcast_in_dim3A_30) -> (vector<4x1xi32>)  : i32 {
      %mul3A_85 = arith.constant 2 : i32
      %mul3A_86 = arith.muli %mul3A_85, %scan3A_83 : i32
      %add3A_87 = arith.constant 2 : i32
      %add3A_88 = arith.addi %mul3A_86, %add3A_87 : i32
      %shift_right_arithmetic3A = arith.constant 1024 : i32
      %shift_right_arithmetic3A_89 = arith.shrsi %shift_right_arithmetic3A, %add3A_88 : i32
      %add3A_90 = vector.broadcast %shift_right_arithmetic3A_89 : i32 to vector<4x1xi32>
      %add3A_91 = arith.addi %scan3A_84, %add3A_90 : vector<4x1xi32>
      %ge3A = vector.broadcast %add3A_91 : vector<4x1xi32> to vector<4x8192xi32>
      %ge3A_92 = arith.cmpi sge, %and3A_28, %ge3A : vector<4x8192xi32>
      %and3A_93 = arith.andi %eq3A_26, %ge3A_92 : vector<4x8192xi1>
      %jit3A_94 = arith.constant 1 : i32
      %jit3A_95 = arith.constant 0 : i32
      %broadcast_in_dim3A_96 = vector.broadcast %jit3A_94 : i32 to vector<4x8192xi32>
      %broadcast_in_dim3A_97 = vector.broadcast %jit3A_95 : i32 to vector<4x8192xi32>
      %select_n3A_98 = arith.select %and3A_93, %broadcast_in_dim3A_96, %broadcast_in_dim3A_97 : vector<4x8192xi1>, vector<4x8192xi32>
      %reduce_sum3A_99 = arith.constant dense<0> : vector<4xi32>
      %reduce_sum3A_100 = vector.multi_reduction <add>, %select_n3A_98, %reduce_sum3A_99 [1] : vector<4x8192xi32> to vector<4xi32>
      %broadcast_in_dim3A_101 = vector.shape_cast %reduce_sum3A_100 : vector<4xi32> to vector<4x1xi32>
      %ge3A_102 = arith.cmpi sge, %broadcast_in_dim3A_101, %get3A_22 : vector<4x1xi32>
      %convert_element_type3A = arith.extui %ge3A_102 : vector<4x1xi1> to vector<4x1xi32>
      %mul3A_103 = arith.constant 2 : i32
      %mul3A_104 = arith.muli %mul3A_103, %shift_right_arithmetic3A_89 : i32
      %add3A_105 = vector.broadcast %mul3A_104 : i32 to vector<4x1xi32>
      %add3A_106 = arith.addi %scan3A_84, %add3A_105 : vector<4x1xi32>
      %ge3A_107 = vector.broadcast %add3A_106 : vector<4x1xi32> to vector<4x8192xi32>
      %ge3A_108 = arith.cmpi sge, %and3A_28, %ge3A_107 : vector<4x8192xi32>
      %and3A_109 = arith.andi %eq3A_26, %ge3A_108 : vector<4x8192xi1>
      %jit3A_110 = arith.constant 1 : i32
      %jit3A_111 = arith.constant 0 : i32
      %broadcast_in_dim3A_112 = vector.broadcast %jit3A_110 : i32 to vector<4x8192xi32>
      %broadcast_in_dim3A_113 = vector.broadcast %jit3A_111 : i32 to vector<4x8192xi32>
      %select_n3A_114 = arith.select %and3A_109, %broadcast_in_dim3A_112, %broadcast_in_dim3A_113 : vector<4x8192xi1>, vector<4x8192xi32>
      %reduce_sum3A_115 = arith.constant dense<0> : vector<4xi32>
      %reduce_sum3A_116 = vector.multi_reduction <add>, %select_n3A_114, %reduce_sum3A_115 [1] : vector<4x8192xi32> to vector<4xi32>
      %broadcast_in_dim3A_117 = vector.shape_cast %reduce_sum3A_116 : vector<4xi32> to vector<4x1xi32>
      %ge3A_118 = arith.cmpi sge, %broadcast_in_dim3A_117, %get3A_22 : vector<4x1xi32>
      %convert_element_type3A_119 = arith.extui %ge3A_118 : vector<4x1xi1> to vector<4x1xi32>
      %mul3A_120 = arith.constant 3 : i32
      %mul3A_121 = arith.muli %mul3A_120, %shift_right_arithmetic3A_89 : i32
      %add3A_122 = vector.broadcast %mul3A_121 : i32 to vector<4x1xi32>
      %add3A_123 = arith.addi %scan3A_84, %add3A_122 : vector<4x1xi32>
      %ge3A_124 = vector.broadcast %add3A_123 : vector<4x1xi32> to vector<4x8192xi32>
      %ge3A_125 = arith.cmpi sge, %and3A_28, %ge3A_124 : vector<4x8192xi32>
      %and3A_126 = arith.andi %eq3A_26, %ge3A_125 : vector<4x8192xi1>
      %jit3A_127 = arith.constant 1 : i32
      %jit3A_128 = arith.constant 0 : i32
      %broadcast_in_dim3A_129 = vector.broadcast %jit3A_127 : i32 to vector<4x8192xi32>
      %broadcast_in_dim3A_130 = vector.broadcast %jit3A_128 : i32 to vector<4x8192xi32>
      %select_n3A_131 = arith.select %and3A_126, %broadcast_in_dim3A_129, %broadcast_in_dim3A_130 : vector<4x8192xi1>, vector<4x8192xi32>
      %reduce_sum3A_132 = arith.constant dense<0> : vector<4xi32>
      %reduce_sum3A_133 = vector.multi_reduction <add>, %select_n3A_131, %reduce_sum3A_132 [1] : vector<4x8192xi32> to vector<4xi32>
      %broadcast_in_dim3A_134 = vector.shape_cast %reduce_sum3A_133 : vector<4xi32> to vector<4x1xi32>
      %ge3A_135 = arith.cmpi sge, %broadcast_in_dim3A_134, %get3A_22 : vector<4x1xi32>
      %convert_element_type3A_136 = arith.extui %ge3A_135 : vector<4x1xi1> to vector<4x1xi32>
      %add3A_137 = arith.addi %convert_element_type3A, %convert_element_type3A_119 : vector<4x1xi32>
      %add3A_138 = arith.addi %add3A_137, %convert_element_type3A_136 : vector<4x1xi32>
      %mul3A_139 = vector.broadcast %shift_right_arithmetic3A_89 : i32 to vector<4x1xi32>
      %mul3A_140 = arith.muli %mul3A_139, %add3A_138 : vector<4x1xi32>
      %add3A_141 = arith.addi %scan3A_84, %mul3A_140 : vector<4x1xi32>
      scf.yield %add3A_141 : vector<4x1xi32>
    }
    %scan3A_35 = arith.constant 5 : i32
    %mul3A = arith.constant 512 : i32
    %mul3A_36 = vector.broadcast %mul3A : i32 to vector<4x1xi32>
    %mul3A_37 = arith.muli %get3A_19, %mul3A_36 : vector<4x1xi32>
    %add3A_38 = arith.addi %mul3A_37, %scan3A_34 : vector<4x1xi32>
    %gt3A = vector.broadcast %scan3A_34 : vector<4x1xi32> to vector<4x8192xi32>
    %gt3A_39 = arith.cmpi sgt, %and3A_28, %gt3A : vector<4x8192xi32>
    %and3A_40 = arith.andi %eq3A_26, %gt3A_39 : vector<4x8192xi1>
    %jit3A_41 = arith.constant 1 : i32
    %jit3A_42 = arith.constant 0 : i32
    %broadcast_in_dim3A_43 = vector.broadcast %jit3A_41 : i32 to vector<4x8192xi32>
    %broadcast_in_dim3A_44 = vector.broadcast %jit3A_42 : i32 to vector<4x8192xi32>
    %select_n3A_45 = arith.select %and3A_40, %broadcast_in_dim3A_43, %broadcast_in_dim3A_44 : vector<4x8192xi1>, vector<4x8192xi32>
    %reduce_sum3A = arith.constant dense<0> : vector<4xi32>
    %reduce_sum3A_46 = vector.multi_reduction <add>, %select_n3A_45, %reduce_sum3A [1] : vector<4x8192xi32> to vector<4xi32>
    %broadcast_in_dim3A_47 = vector.shape_cast %reduce_sum3A_46 : vector<4xi32> to vector<4x1xi32>
    %sub3A = arith.subi %get3A_22, %broadcast_in_dim3A_47 : vector<4x1xi32>
    %eq3A_48 = vector.broadcast %add3A_38 : vector<4x1xi32> to vector<4x8192xi32>
    %eq3A_49 = arith.cmpi eq, %select_n3A, %eq3A_48 : vector<4x8192xi32>
    %broadcast_in_dim3A_50 = arith.constant -1 : i32
    %broadcast_in_dim3A_51 = vector.broadcast %broadcast_in_dim3A_50 : i32 to vector<4x1xi32>
    %scan3A_52 = arith.constant 0 : i32
    %scan3A_53 = arith.constant 7 : i32
    %scan3A_54 = arith.addi %scan3A_52, %scan3A_53 : i32
    %scan3A_55 = arith.constant 1 : i32
    %scan3A_56 = scf.for %scan3A_83 = %scan3A_52 to %scan3A_54 step %scan3A_55 iter_args(%scan3A_84 = %broadcast_in_dim3A_51) -> (vector<4x1xi32>)  : i32 {
      %mul3A_85 = arith.constant 2 : i32
      %mul3A_86 = arith.muli %mul3A_85, %scan3A_83 : i32
      %add3A_87 = arith.constant 2 : i32
      %add3A_88 = arith.addi %mul3A_86, %add3A_87 : i32
      %shift_right_arithmetic3A = arith.constant 16384 : i32
      %shift_right_arithmetic3A_89 = arith.shrsi %shift_right_arithmetic3A, %add3A_88 : i32
      %add3A_90 = vector.broadcast %shift_right_arithmetic3A_89 : i32 to vector<4x1xi32>
      %add3A_91 = arith.addi %scan3A_84, %add3A_90 : vector<4x1xi32>
      %le3A_92 = vector.broadcast %add3A_91 : vector<4x1xi32> to vector<4x8192xi32>
      %le3A_93 = arith.cmpi sle, %iota3A, %le3A_92 : vector<4x8192xi32>
      %and3A_94 = arith.andi %eq3A_49, %le3A_93 : vector<4x8192xi1>
      %jit3A_95 = arith.constant 1 : i32
      %jit3A_96 = arith.constant 0 : i32
      %broadcast_in_dim3A_97 = vector.broadcast %jit3A_95 : i32 to vector<4x8192xi32>
      %broadcast_in_dim3A_98 = vector.broadcast %jit3A_96 : i32 to vector<4x8192xi32>
      %select_n3A_99 = arith.select %and3A_94, %broadcast_in_dim3A_97, %broadcast_in_dim3A_98 : vector<4x8192xi1>, vector<4x8192xi32>
      %reduce_sum3A_100 = arith.constant dense<0> : vector<4xi32>
      %reduce_sum3A_101 = vector.multi_reduction <add>, %select_n3A_99, %reduce_sum3A_100 [1] : vector<4x8192xi32> to vector<4xi32>
      %broadcast_in_dim3A_102 = vector.shape_cast %reduce_sum3A_101 : vector<4xi32> to vector<4x1xi32>
      %lt3A_103 = arith.cmpi slt, %broadcast_in_dim3A_102, %sub3A : vector<4x1xi32>
      %convert_element_type3A = arith.extui %lt3A_103 : vector<4x1xi1> to vector<4x1xi32>
      %mul3A_104 = arith.constant 2 : i32
      %mul3A_105 = arith.muli %mul3A_104, %shift_right_arithmetic3A_89 : i32
      %add3A_106 = vector.broadcast %mul3A_105 : i32 to vector<4x1xi32>
      %add3A_107 = arith.addi %scan3A_84, %add3A_106 : vector<4x1xi32>
      %le3A_108 = vector.broadcast %add3A_107 : vector<4x1xi32> to vector<4x8192xi32>
      %le3A_109 = arith.cmpi sle, %iota3A, %le3A_108 : vector<4x8192xi32>
      %and3A_110 = arith.andi %eq3A_49, %le3A_109 : vector<4x8192xi1>
      %jit3A_111 = arith.constant 1 : i32
      %jit3A_112 = arith.constant 0 : i32
      %broadcast_in_dim3A_113 = vector.broadcast %jit3A_111 : i32 to vector<4x8192xi32>
      %broadcast_in_dim3A_114 = vector.broadcast %jit3A_112 : i32 to vector<4x8192xi32>
      %select_n3A_115 = arith.select %and3A_110, %broadcast_in_dim3A_113, %broadcast_in_dim3A_114 : vector<4x8192xi1>, vector<4x8192xi32>
      %reduce_sum3A_116 = arith.constant dense<0> : vector<4xi32>
      %reduce_sum3A_117 = vector.multi_reduction <add>, %select_n3A_115, %reduce_sum3A_116 [1] : vector<4x8192xi32> to vector<4xi32>
      %broadcast_in_dim3A_118 = vector.shape_cast %reduce_sum3A_117 : vector<4xi32> to vector<4x1xi32>
      %lt3A_119 = arith.cmpi slt, %broadcast_in_dim3A_118, %sub3A : vector<4x1xi32>
      %convert_element_type3A_120 = arith.extui %lt3A_119 : vector<4x1xi1> to vector<4x1xi32>
      %mul3A_121 = arith.constant 3 : i32
      %mul3A_122 = arith.muli %mul3A_121, %shift_right_arithmetic3A_89 : i32
      %add3A_123 = vector.broadcast %mul3A_122 : i32 to vector<4x1xi32>
      %add3A_124 = arith.addi %scan3A_84, %add3A_123 : vector<4x1xi32>
      %le3A_125 = vector.broadcast %add3A_124 : vector<4x1xi32> to vector<4x8192xi32>
      %le3A_126 = arith.cmpi sle, %iota3A, %le3A_125 : vector<4x8192xi32>
      %and3A_127 = arith.andi %eq3A_49, %le3A_126 : vector<4x8192xi1>
      %jit3A_128 = arith.constant 1 : i32
      %jit3A_129 = arith.constant 0 : i32
      %broadcast_in_dim3A_130 = vector.broadcast %jit3A_128 : i32 to vector<4x8192xi32>
      %broadcast_in_dim3A_131 = vector.broadcast %jit3A_129 : i32 to vector<4x8192xi32>
      %select_n3A_132 = arith.select %and3A_127, %broadcast_in_dim3A_130, %broadcast_in_dim3A_131 : vector<4x8192xi1>, vector<4x8192xi32>
      %reduce_sum3A_133 = arith.constant dense<0> : vector<4xi32>
      %reduce_sum3A_134 = vector.multi_reduction <add>, %select_n3A_132, %reduce_sum3A_133 [1] : vector<4x8192xi32> to vector<4xi32>
      %broadcast_in_dim3A_135 = vector.shape_cast %reduce_sum3A_134 : vector<4xi32> to vector<4x1xi32>
      %lt3A_136 = arith.cmpi slt, %broadcast_in_dim3A_135, %sub3A : vector<4x1xi32>
      %convert_element_type3A_137 = arith.extui %lt3A_136 : vector<4x1xi1> to vector<4x1xi32>
      %add3A_138 = arith.addi %convert_element_type3A, %convert_element_type3A_120 : vector<4x1xi32>
      %add3A_139 = arith.addi %add3A_138, %convert_element_type3A_137 : vector<4x1xi32>
      %mul3A_140 = vector.broadcast %shift_right_arithmetic3A_89 : i32 to vector<4x1xi32>
      %mul3A_141 = arith.muli %mul3A_140, %add3A_139 : vector<4x1xi32>
      %add3A_142 = arith.addi %scan3A_84, %mul3A_141 : vector<4x1xi32>
      scf.yield %add3A_142 : vector<4x1xi32>
    }
    %scan3A_57 = arith.constant 7 : i32
    %add3A_58 = arith.constant 1 : i32
    %add3A_59 = vector.broadcast %add3A_58 : i32 to vector<4x1xi32>
    %add3A_60 = arith.addi %scan3A_56, %add3A_59 : vector<4x1xi32>
    %gt3A_61 = vector.broadcast %add3A_38 : vector<4x1xi32> to vector<4x8192xi32>
    %gt3A_62 = arith.cmpi sgt, %select_n3A, %gt3A_61 : vector<4x8192xi32>
    %le3A = vector.broadcast %add3A_60 : vector<4x1xi32> to vector<4x8192xi32>
    %le3A_63 = arith.cmpi sle, %iota3A, %le3A : vector<4x8192xi32>
    %and3A_64 = arith.andi %eq3A_49, %le3A_63 : vector<4x8192xi1>
    %or3A_65 = arith.ori %gt3A_62, %and3A_64 : vector<4x8192xi1>
    %get3A_66 = arith.constant 0 : index
    %get3A_67 = arith.constant 0 : index
    %get3A_68 = vector.load %arg2[%get3A_66, %get3A_67] : memref<4x8192xf32, #tpu.memory_space<vmem>>, vector<4x8192xf32>
    %lt3A = arith.constant 0.899999976 : f32
    %lt3A_69 = vector.broadcast %lt3A : f32 to vector<4x8192xf32>
    %lt3A_70 = arith.cmpf olt, %get3A_68, %lt3A_69 : vector<4x8192xf32>
    %and3A_71 = arith.andi %or3A_65, %lt3A_70 : vector<4x8192xi1>
    %jit3A_72 = arith.constant 103 : i32
    %broadcast_in_dim3A_73 = vector.broadcast %jit3A_72 : i32 to vector<4x8192xi32>
    %select_n3A_74 = arith.select %and3A_71, %broadcast_in_dim3A_73, %get3A_1 : vector<4x8192xi1>, vector<4x8192xi32>
    %swap3A = arith.constant 0 : index
    %swap3A_75 = arith.constant 0 : index
    %swap3A_76 = vector.load %arg4[%swap3A, %swap3A_75] : memref<4x8192xi32, #tpu.memory_space<vmem>>, vector<4x8192xi32>
    tpu.vector_store %arg4[%swap3A, %swap3A_75], %select_n3A_74 {strides = array<i32>} : memref<4x8192xi32, #tpu.memory_space<vmem>>, vector<4x8192xi32>,
    %jit3A_77 = arith.constant 0 : i32
    %broadcast_in_dim3A_78 = vector.broadcast %jit3A_77 : i32 to vector<4x8192xi32>
    %select_n3A_79 = arith.select %or3A_65, %get3A_1, %broadcast_in_dim3A_78 : vector<4x8192xi1>, vector<4x8192xi32>
    %swap3A_80 = arith.constant 0 : index
    %swap3A_81 = arith.constant 0 : index
    %swap3A_82 = vector.load %arg5[%swap3A_80, %swap3A_81] : memref<4x8192xi32, #tpu.memory_space<vmem>>, vector<4x8192xi32>
    tpu.vector_store %arg5[%swap3A_80, %swap3A_81], %select_n3A_79 {strides = array<i32>} : memref<4x8192xi32, #tpu.memory_space<vmem>>, vector<4x8192xi32>,
    return
  }
}

</mosaic_0001>

<sc_bundles>
// kernel: kernel.4.cloned.1.call-start
scs
__scs_entry_jumppad:
0x0: {  	(pc) =	sbr.rel $0x88, $3  }
0x1: {  	(tag) =	ssettag $0x0;
	lr =	simm.s32 $0x1  }
0x2: {  	[smem:$0x3F9E] =	sst lr;
	_ =	strace $0xD0000000  }
0x3: {  	_ = 	snop  }
0x4: {  	_ = 	snop  }
0x5: {  	_ = 	snop  }
0x6: {  	_ = 	snop  }
0x7: {  	_ = 	snop  }
__scs_overlays_trampoline_lowered:
0x8: {  	[smem:$0x3FAD] =	sst s0  }
0x9: {  	[smem:$0x3FAE] =	sst s1  }
0xa: {  	[smem:$0x3FAF] =	sst s2  }
0xb: {  	[smem:$0x3FB0] =	sst s3  }
0xc: {  	[smem:$0x3FB1] =	sst s4  }
0xd: {  	[smem:$0x3FB2] =	sst s5  }
0xe: {  	[smem:$0x3FB3] =	sst s6  }
0xf: {  	[smem:$0x3FB4] =	sst s7  }
0x10: {  	[smem:$0x3FB5] =	sst s8  }
0x11: {  	[smem:$0x3FB6] =	sst s9;
	s0 =	simm.s32 @!p0 $0x0  }
0x12: {  	s1 =	sld [smem:$0x3F9C];
	s0 =	simm.s32 @p0 $0x1  }
0x13: {  	[smem:$0x3FB7] =	sst s0;
	s0 =	simm.s32 @!p1 $0x0  }
0x14: {  	s2 =	sld [smem:$0x3F9B];
	s0 =	simm.s32 @p1 $0x1  }
0x15: {  	[smem:$0x3FB8] =	sst s0;
	s0 =	simm.s32 @!p2 $0x0  }
0x16: {  	s3 =	sld [smem:$0x3FDB];
	s0 =	simm.s32 @p2 $0x1  }
0x17: {  	s4 =	simm.s32 $0x1BF5;
	[smem:$0x3FBA] =	sst s0  }
0x18: {  	s0 =	sld [smem:$0x3F9D];
	_ =	swait.ge [sflag:s4], $0x0  }
0x19: {  	s7 =	sld [smem:$0x3F9E]  }
0x1a: {  	s8 =	sadd.s32 $0xFFFFE003, lr  }
0x1b: {  	s9 =	sadd.s32 $0xFFFFFEF7, lr;
	s5 =	simm.s32 $0xFFFFFFFF;
	p2 =	slt.u32 s8, $0xFFFFF086  }
0x1c: {  	p1 =	slt.u32 s9, $0xF7A;
	s5 =	simm.s32 @!p2 $0x0  }
0x1d: {  	s5 =	simm.s32 @p1 $0x1;
	p0 =	seq.s32 s7, s2  }
0x1e: {  	s7 =	smul.u32 @!p0 $0xF7A, s2;
	p2 =	seq.s32 @!p0 s5, $0x0  }
0x1f: {  	s9 =	smul.u32 $0xF7A, s1;
	s8 =	simm.s32 @!p0 $0x1BF5;
	p2 =	por !p2, p0  }
0x20: {  	[sflag:s8] =	ssyncset.s32 @!p0 $0xFFFFF086;
	s6 =	sadd.s32 @!p0 s3, s7;
	s7 =	simm.s32 @!p0 $0x108  }
0x21: {  	s3 =	sadd.s32 s3, s9;
	s6 =	sadd.s32 @!p0 $0x88, s6;
	s7 =	simm.s32 @p2 $0x1082  }
0x22: {  	[simem:s7], [sflag:s8] =	dma.local @!p0 [hbm:s6], $0xF7A  }
0x23: {  	s9 =	sor.u32 $0xD0000000, s2;
	s6 =	simm.s32 $0x108;
	_ =	swait.ge @!p0 [sflag:s8], $0x0  }
0x24: {  	s3 =	sadd.s32 $0x88, s3;
	s6 =	simm.s32 @!p1 $0x1082;
	[sflag:s4] =	ssyncset.s32 $0xFFFFF086  }
0x25: {  	[simem:s6], [sflag:s4] =	dma.local [hbm:s3], $0xF7A  }
0x26: {  	[smem:$0x3F9E] =	sst s1;
	(tag) =	ssettag s2;
	_ =	strace s9  }
0x27: {  	s1 =	sld [smem:$0x3FAE]  }
0x28: {  	s2 =	sld [smem:$0x3FAF]  }
0x29: {  	s4 =	sld [smem:$0x3FB1]  }
0x2a: {  	p0 =	seq.s32 s5, $0x0;
	s5 =	sld [smem:$0x3FB2]  }
0x2b: {  	s6 =	sld [smem:$0x3FB3]  }
0x2c: {  	s7 =	sld [smem:$0x3FB4]  }
0x2d: {  	s3 =	simm.s32 $0x108;
	s8 =	sld [smem:$0x3FB5]  }
0x2e: {  	s3 =	simm.s32 @!p0 $0x1082;
	s9 =	sld [smem:$0x3FB6]  }
0x2f: {  	lr =	sadd.s32 s0, s3;
	s0 =	sld [smem:$0x3FAD]  }
0x30: {  	s3 =	sld [smem:$0x3FB0]  }
0x31: {  	[smem:$0x3FB9] =	sst s10  }
0x32: {  	s10 =	sld [smem:$0x3FB7];
	_ =	sdelay $0x3  }
0x33: {  	p0 =	seq.s32 s10, $0x1;
	s10 =	sld [smem:$0x3FB9];
	_ =	sdelay $0x3  }
0x34: {  	[smem:$0x3FB9] =	sst s10  }
0x35: {  	s10 =	sld [smem:$0x3FB8];
	_ =	sdelay $0x3  }
0x36: {  	p1 =	seq.s32 s10, $0x1;
	s10 =	sld [smem:$0x3FB9];
	_ =	sdelay $0x3  }
0x37: {  	[smem:$0x3FB9] =	sst s10  }
0x38: {  	s10 =	sld [smem:$0x3FBA]  }
0x39: {  	_ = 	snop;
	(pc) =	sbr.ind lr, $3  }
0x3a: {  	_ = 	snop  }
0x3b: {  	_ = 	snop  }
0x3c: {  	p2 =	seq.s32 s10, $0x1;
	s10 =	sld [smem:$0x3FB9]  }
0x3d: {  	_ =	shalt  }
0x3e: {  	_ =	shalt  }
0x3f: {  	_ =	shalt  }
0x40: {  	_ =	shalt  }
0x41: {  	_ =	shalt  }
0x42: {  	_ =	shalt  }
0x43: {  	_ =	shalt  }
0x44: {  	_ =	shalt  }
0x45: {  	_ =	shalt  }
0x46: {  	_ =	shalt  }
0x47: {  	_ =	shalt  }
0x48: {  	_ =	shalt  }
0x49: {  	_ =	shalt  }
0x4a: {  	_ =	shalt  }
0x4b: {  	_ =	shalt  }
0x4c: {  	_ =	shalt  }
0x4d: {  	_ =	shalt  }
0x4e: {  	_ =	shalt  }
0x4f: {  	_ =	shalt  }
0x50: {  	_ =	shalt  }
0x51: {  	_ =	shalt  }
0x52: {  	_ =	shalt  }
0x53: {  	_ =	shalt  }
0x54: {  	_ =	shalt  }
0x55: {  	_ =	shalt  }
0x56: {  	_ =	shalt  }
0x57: {  	_ =	shalt  }
0x58: {  	_ =	shalt  }
0x59: {  	_ =	shalt  }
0x5a: {  	_ =	shalt  }
0x5b: {  	_ =	shalt  }
0x5c: {  	_ =	shalt  }
0x5d: {  	_ =	shalt  }
0x5e: {  	_ =	shalt  }
0x5f: {  	_ =	shalt  }
0x60: {  	_ =	shalt  }
0x61: {  	_ =	shalt  }
0x62: {  	_ =	shalt  }
0x63: {  	_ =	shalt  }
0x64: {  	_ =	shalt  }
0x65: {  	_ =	shalt  }
0x66: {  	_ =	shalt  }
0x67: {  	_ =	shalt  }
0x68: {  	_ =	shalt  }
0x69: {  	_ =	shalt  }
0x6a: {  	_ =	shalt  }
0x6b: {  	_ =	shalt  }
0x6c: {  	_ =	shalt  }
0x6d: {  	_ =	shalt  }
0x6e: {  	_ =	shalt  }
0x6f: {  	_ =	shalt  }
0x70: {  	_ =	shalt  }
0x71: {  	_ =	shalt  }
0x72: {  	_ =	shalt  }
0x73: {  	_ =	shalt  }
0x74: {  	_ =	shalt  }
0x75: {  	_ =	shalt  }
0x76: {  	_ =	shalt  }
0x77: {  	_ =	shalt  }
0x78: {  	_ =	shalt  }
0x79: {  	_ =	shalt  }
0x7a: {  	_ =	shalt  }
0x7b: {  	_ =	shalt  }
0x7c: {  	_ =	shalt  }
0x7d: {  	_ =	shalt  }
0x7e: {  	_ =	shalt  }
0x7f: {  	_ =	shalt  }
0x80: {  	_ =	shalt  }
0x81: {  	_ =	shalt  }
0x82: {  	_ =	shalt  }
0x83: {  	_ =	shalt  }
0x84: {  	_ =	shalt  }
0x85: {  	_ =	shalt  }
0x86: {  	_ =	shalt  }
0x87: {  	_ =	shalt  }
.Lfunc_end0:
.L_simem_size_0:
called_computation_lowered:
.L_overlay_start_0:
0x88: {  	s0 =	sld [smem:$0x3FD9]  }
0x89: {  	s1 =	sld [smem:$0x3FFE];
	_ =	sdelay $0x3  }
0x8a: {  	s0 =	sadd.s32 s1, s0  }
0x8b: {  	[smem:$0x3FC5] =	sst s0  }
0x8c: {  	_ = 	snop  }
0x8d: {  	s0 =	sld [smem:$0x3FD0];
	_ =	sdelay $0x1  }
0x8e: {  	s14 =	sld [smem:$0x3FC9]  }
0x8f: {  	s3 =	simm.s32 $0xA;
	s4 =	simm.s32 $0x10;
	s2 =	sld [smem:$0x3FC8]  }
0x90: {  	[smem:s4], [sflag:s3] =	dma.local [hbm:s0], $0x1  }
0x91: {  	_ =	swait.eq [sflag:s3], $0x1  }
0x92: {  	[sflag:s3] =	ssyncset.done $0x0  }
0x93: {  	[sflag:s3] =	ssyncadd.s32 $0xFFFFFFFF  }
0x94: {  	s15 =	sld [smem:$0x11];
	(tm) =	ssettm $0x1  }
0x95: {  	s16 =	sld [smem:$0x3FFB];
	_ =	sdelay $0x3  }
0x96: {  	_ =	strace s16  }
0x97: {  	s3 =	sld [smem:$0x3FFC];
	_ =	sdelay $0x3  }
0x98: {  	_ =	strace s3  }
0x99: {  	s3 =	sld [smem:$0x3FFD];
	_ =	sdelay $0x3  }
0x9a: {  	_ =	strace s3  }
0x9b: {  	_ =	strace $0x8FFFFFFF  }
0x9c: {  	s17 =	sld [smem:$0x3FDB];
	_ =	sdelay $0x1  }
0x9d: {  	s18 =	simm.s32 $_scs_section_size  }
0x9e: {  	s5 =	simm.s32 $_size__tile_overlayer_lowered;
	s6 =	simm.s32 $_tile_overlayer_lowered  }
0x9f: {  	s21 =	simm.s32 $0x1BFF;
	s20 =	sshll.u32 s6, $0x1;
	s3 =	sadd.s32 s18, s17  }
0xa0: {  	s7 =	simm.s32 $0x0;
	s19 =	sshll.u32 s5, $0x1;
	s5 =	sadd.s32 s20, s3  }
0xa1: {  	[timem:s7], [sflag:s21] =	dma.local [hbm:s5], s19  }
0xa2: {  	_ =	swait.ge [sflag:s21], s19  }
0xa3: {  	s4 =	ssub.s32 $0x0, s19;
	[sflag:s21] =	ssyncset.done $0x0  }
0xa4: {  	[sflag:s21] =	ssyncadd.s32 s4;
	_ =	sdelay $0x1  }
0xa5: {  	s22 =	simm.s32 $0x1B8B  }
0xa6: {  	_ =	swait.ge [sflag:s22], $0x1  }
0xa7: {  	[sflag:s22] =	ssyncset.done $0x0  }
0xa8: {  	s23 =	simm.s32 $0x1B8E;
	[sflag:s22] =	ssyncadd.s32 $0xFFFFFFFF  }
0xa9: {  	s24 =	simm.s32 $execute0_lowered;
	[smem:$0x3FD2] =	sst s23  }
0xaa: {  	s4 =	sshll.u32 s24, $0x1;
	_ =	strace $0x80000046;
	[dreg:$0x1] =	wrdreg $0xFFFFFFFF  }
0xab: {  	s25 =	simm.s32 $_size_execute0_lowered;
	s3 =	sadd.s32 s3, s4;
	[dreg:$0x0] =	wrdreg $0x0  }
0xac: {  	s4 =	sshll.u32 s25, $0x1;
	[dreg:$0x2] =	wrdreg s3  }
0xad: {  	[dreg:$0x3] =	wrdreg s4  }
0xae: {  	[dreg:$0x4] =	wrdreg $0xC0  }
0xaf: {  	_ =	task [dreg:s7], $0x5FFFF  }
0xb0: {  	[dreg:$0x1] =	wrdreg $0xFFFFFFFF  }
0xb1: {  	[dreg:$0x0] =	wrdreg $0x60  }
0xb2: {  	[dreg:$0x2] =	wrdreg s14  }
0xb3: {  	[dreg:$0x3] =	wrdreg s2  }
0xb4: {  	[dreg:$0x4] =	wrdreg s15  }
0xb5: {  	[dreg:$0x5] =	wrdreg $0x9  }
0xb6: {  	_ =	task.clear_ibuf [dreg:s7], $0x6FFFF;
	_ =	strace $0x90000046  }
0xb7: {  	s26 =	simm.s32 $0x9;
	_ =	strace $0x80000048  }
0xb8: {  	_ =	swait.ge [sflag:s26], $0x1  }
0xb9: {  	[sflag:s26] =	ssyncadd.s32 $0xFFFFFFFF  }
0xba: {  	_ =	strace $0x90000048  }
0xbb: {  	_ =	sfence  }
0xbc: {  	s28 =	sld [smem:$0x0];
	_ =	sdelay $0x1  }
0xbd: {  	s29 =	srdreg.scid  }
0xbe: {  	s30 =	sshll.u32 s29, $0xD;
	s31 =	sshrl.u32 s29, $0x2  }
0xbf: {  	s1 =	sand.u32 $0x1, s29;
	s2 =	sand.u32 $0x4000, s30;
	s0 =	sadd.s32 s31, s28  }
0xc0: {  	s1 =	sor.u32 s2, s1;
	s0 =	sshll.u32 s0, $0x11  }
0xc1: {  	s0 =	sor.u32 s0, s1  }
0xc2: {  	s0 =	sadd.s32 $0x8F2B, s0  }
0xc3: {  	[sflag:s0] =	ssyncadd.remote.s32 $0x1  }
0xc4: {  	_ =	sfence.sel $0xFFFF  }
0xc5: {  	[dreg:$0x0] =	wrdreg $0xFFFFFFFF;
	(pc) =	sbr.abs _section_cstart, $3  }
0xc6: {  	[dreg:$0x1] =	wrdreg $0xFFFFFFFF  }
0xc7: {  	_ =	task.clear_ibuf [dreg:s7], $0x2FFFF;
	_ =	strace $0x9FFFFFFF  }
0xc8: {  	(tm) =	ssettm $0x7FFFFFFF  }
0xc9: {  	_ =	shalt  }
tec
execute0_lowered:
.L_overlay_start_1:
0x0: {  	(tag) =	ssettag $0x1  }
0x1: {  	s5 =	stileid.u32  }
0x2: {  	p0 =	sgt.u32 s5, $0x3  }
.Ltmp0:
0x3: {  	s2 =	rddreg [dreg:$0x0];
	(pc) =	sbr.rel @p0 .LBB2_12-.Ltmp0, $4  }
0x4: {  	s1 =	rddreg [dreg:$0x1]  }
0x5: {  	s0 =	rddreg [dreg:$0x2];
	s3 =	simm.s32 $0x0  }
0x6: {  	[smem:$0x7FF] =	sst s3  }
0x7: {  	s4 =	rddreg [dreg:$0x3];
	_ =	strace $0x80000047  }
0x8: {  	s4 =	sshll.u32 s5, $0x4  }
0x9: {  	s28 =	simm.s32 $0x80;
	s6 =	simm.s32 $0x200;
	s2 =	sadd.s32 s2, s4  }
0xa: {  	[tilespmem:s3], [sflag:$0x1] =	stream.strided.gather [hbm4b:s2+s28], $0x2000, s6, s28, $0x38;
	[tilespmem:$0x8580] =	vst v63  }
0xb: {  	s29 =	simm.s32 $0x2000;
	s30 =	simm.s32 $0x1;
	s1 =	sadd.s32 s1, s4  }
0xc: {  	[tilespmem:s29], [sflag:$0x2] =	stream.strided.gather [hbm4b:s1+s28], $0x2000, s6, s28, $0x38;
	[tilespmem:$0x8580] =	vst v63  }
0xd: {  	_ =	swait.ge [sflag:s30], $0x2000  }
0xe: {  	[sflag:s30] =	ssyncset.done $0x0  }
0xf: {  	s31 =	simm.s32 $0x2;
	[sflag:s30] =	ssyncadd.s32 $0xFFFFE000  }
0x10: {  	_ =	swait.ge [sflag:s31], $0x2000  }
0x11: {  	s0 =	sadd.s32 s0, s4;
	s1 =	simm.s32 $0x200;
	[sflag:s31] =	ssyncset.done $0x0  }
0x12: {  	v0 =	vimm.s32 $0x0;
	[dreg:$0x4] =	wrdreg s0;
	s0 =	simm.s32 $0x0;
	[sflag:s31] =	ssyncadd.s32 $0xFFFFE000  }
.LBB2_2:
0x13: {  	p0 =	sne.s32 s1, $0x7E00;
	[tilespmem:s0+$0x6070] =	vst v0  }
0x14: {  	[tilespmem:s0+$0x6000] =	vst v0  }
0x15: {  	[tilespmem:s0+$0x6010] =	vst v0  }
.Ltmp1:
0x16: {  	[tilespmem:s0+$0x6020] =	vst v0;
	(pc) =	sbr.rel @p0 .LBB2_2-.Ltmp1, $4  }
0x17: {  	[tilespmem:s0+$0x6030] =	vst v0  }
0x18: {  	[tilespmem:s0+$0x6040] =	vst v0  }
0x19: {  	[tilespmem:s0+$0x6050] =	vst v0  }
0x1a: {  	[tilespmem:s0+$0x6060] =	vst v0;
	s0 =	sshra.s32 s1, $0x2;
	s1 =	sadd.s32 $0x200, s1  }
0x1b: {  	[tilespmem:s0+$0x6070] =	vst v0  }
0x1c: {  	[tilespmem:s0+$0x6000] =	vst v0  }
0x1d: {  	[tilespmem:s0+$0x6010] =	vst v0  }
0x1e: {  	[tilespmem:s0+$0x6020] =	vst v0  }
0x1f: {  	[tilespmem:s0+$0x6030] =	vst v0  }
0x20: {  	[tilespmem:s0+$0x6040] =	vst v0  }
0x21: {  	[tilespmem:s0+$0x6050] =	vst v0  }
0x22: {  	[tilespmem:s0+$0x6060] =	vst v0;
	v0 =	vimm.s32 $0x0  }
0x23: {  	[tilespmem:$0x8000] =	vst v0  }
0x24: {  	[tilespmem:$0x8200] =	vst v0  }
0x25: {  	[tilespmem:$0x8010] =	vst v0  }
0x26: {  	[tilespmem:$0x8210] =	vst v0  }
0x27: {  	[tilespmem:$0x8020] =	vst v0  }
0x28: {  	[tilespmem:$0x8220] =	vst v0  }
0x29: {  	[tilespmem:$0x8030] =	vst v0  }
0x2a: {  	[tilespmem:$0x8230] =	vst v0  }
0x2b: {  	[tilespmem:$0x8040] =	vst v0  }
0x2c: {  	[tilespmem:$0x8240] =	vst v0  }
0x2d: {  	[tilespmem:$0x8050] =	vst v0  }
0x2e: {  	[tilespmem:$0x8250] =	vst v0  }
0x2f: {  	[tilespmem:$0x8060] =	vst v0  }
0x30: {  	[tilespmem:$0x8260] =	vst v0  }
0x31: {  	[tilespmem:$0x8070] =	vst v0  }
0x32: {  	[tilespmem:$0x8270] =	vst v0  }
0x33: {  	[tilespmem:$0x8080] =	vst v0  }
0x34: {  	[tilespmem:$0x8280] =	vst v0  }
0x35: {  	[tilespmem:$0x8090] =	vst v0  }
0x36: {  	[tilespmem:$0x8290] =	vst v0  }
0x37: {  	[tilespmem:$0x80A0] =	vst v0  }
0x38: {  	[tilespmem:$0x82A0] =	vst v0  }
0x39: {  	[tilespmem:$0x80B0] =	vst v0  }
0x3a: {  	[tilespmem:$0x82B0] =	vst v0  }
0x3b: {  	[tilespmem:$0x80C0] =	vst v0  }
0x3c: {  	[tilespmem:$0x82C0] =	vst v0  }
0x3d: {  	[tilespmem:$0x80D0] =	vst v0  }
0x3e: {  	[tilespmem:$0x82D0] =	vst v0  }
0x3f: {  	[tilespmem:$0x80E0] =	vst v0  }
0x40: {  	[tilespmem:$0x82E0] =	vst v0  }
0x41: {  	[tilespmem:$0x80F0] =	vst v0  }
0x42: {  	[tilespmem:$0x82F0] =	vst v0  }
0x43: {  	[tilespmem:$0x8100] =	vst v0  }
0x44: {  	[tilespmem:$0x8300] =	vst v0  }
0x45: {  	[tilespmem:$0x8110] =	vst v0  }
0x46: {  	[tilespmem:$0x8310] =	vst v0  }
0x47: {  	[tilespmem:$0x8120] =	vst v0  }
0x48: {  	[tilespmem:$0x8320] =	vst v0  }
0x49: {  	[tilespmem:$0x8130] =	vst v0  }
0x4a: {  	[tilespmem:$0x8330] =	vst v0  }
0x4b: {  	[tilespmem:$0x8140] =	vst v0  }
0x4c: {  	[tilespmem:$0x8340] =	vst v0  }
0x4d: {  	[tilespmem:$0x8150] =	vst v0  }
0x4e: {  	[tilespmem:$0x8350] =	vst v0  }
0x4f: {  	[tilespmem:$0x8160] =	vst v0  }
0x50: {  	[tilespmem:$0x8360] =	vst v0  }
0x51: {  	[tilespmem:$0x8170] =	vst v0  }
0x52: {  	[tilespmem:$0x8370] =	vst v0  }
0x53: {  	[tilespmem:$0x8180] =	vst v0  }
0x54: {  	[tilespmem:$0x8380] =	vst v0  }
0x55: {  	[tilespmem:$0x8190] =	vst v0  }
0x56: {  	[tilespmem:$0x8390] =	vst v0  }
0x57: {  	[tilespmem:$0x81A0] =	vst v0  }
0x58: {  	[tilespmem:$0x83A0] =	vst v0  }
0x59: {  	[tilespmem:$0x81B0] =	vst v0  }
0x5a: {  	[tilespmem:$0x83B0] =	vst v0  }
0x5b: {  	[tilespmem:$0x81C0] =	vst v0  }
0x5c: {  	[tilespmem:$0x83C0] =	vst v0  }
0x5d: {  	[tilespmem:$0x81D0] =	vst v0  }
0x5e: {  	[tilespmem:$0x83D0] =	vst v0  }
0x5f: {  	[tilespmem:$0x81E0] =	vst v0  }
0x60: {  	[tilespmem:$0x83E0] =	vst v0  }
0x61: {  	[tilespmem:$0x81F0] =	vst v0  }
0x62: {  	[tilespmem:$0x83F0] =	vst v0  }
0x63: {  	[tilespmem:$0x8400] =	vst v0  }
0x64: {  	[tilespmem:$0x8410] =	vst v0  }
0x65: {  	[tilespmem:$0x8480] =	vst v0  }
0x66: {  	[tilespmem:$0x8490] =	vst v0  }
0x67: {  	[tilespmem:$0x84A0] =	vst v0  }
0x68: {  	[tilespmem:$0x84B0] =	vst v0  }
0x69: {  	s0 =	simm.s32 $0x0;
	v2 =	vimm.s32 $0x1;
	s1 =	simm.s32 $0x6000;
	s2 =	simm.s32 $0x8000;
	v1 =	vimm.s32 $0x0;
	[tilespmem:$0x84C0] =	vst v0  }
.LBB2_4:
0x6a: {  	s3 =	sshra.s32 s0, $0x2  }
0x6b: {  	v3 =	vld [tilespmem:s3+$0x0];
	_ =	sdelay $0x1  }
0x6c: {  	v4 =	vld [tilespmem:s3+$0x2000];
	_ =	sdelay $0x2  }
0x6d: {  	v5 =	vadd.s32 $0xFFFFFF99, v3  }
0x6e: {  	vm0 =	vne.s32 v3, $0x0;
	vm1 =	vlt.u32 v5, $0xFFFFFFFE  }
0x6f: {  	v3 =	vadd.s32 $0x40000000, v4;
	vm0 =	vmand vm0, vm1  }
0x70: {  	v3 =	vnsel vm0, $0x0, v3  }
0x71: {  	v38 =	vshrl.u32 v3, $0x12  }
0x72: {  	v39 =	vshrl.u32 v3, $0x16;
	_ =	sdelay $0x2  }
0x73: {  	[tilespmem:s3+$0x4000] =	vst v3  }
0x74: {  	[tilespmem:v38+s1+$0x0] =	vst.idx.add.s32.msk $0xffff, v2  }
0x75: {  	[tilespmem:v39+s2+$0x0] =	vst.idx.add.s32.msk $0xffff, v2  }
0x76: {  	v3 =	vld [tilespmem:s3+$0x10];
	_ =	sdelay $0x1  }
0x77: {  	v4 =	vld [tilespmem:s3+$0x2010];
	_ =	sdelay $0x2  }
0x78: {  	v40 =	vadd.s32 $0xFFFFFF99, v3  }
0x79: {  	vm8 =	vne.s32 v3, $0x0;
	vm2 =	vlt.u32 v40, $0xFFFFFFFE  }
0x7a: {  	v3 =	vadd.s32 $0x40000000, v4;
	vm1 =	vmand vm8, vm2  }
0x7b: {  	v3 =	vnsel vm1, $0x0, v3  }
0x7c: {  	v41 =	vshrl.u32 v3, $0x12  }
0x7d: {  	v42 =	vshrl.u32 v3, $0x16;
	_ =	sdelay $0x2  }
0x7e: {  	[tilespmem:s3+$0x4010] =	vst v3  }
0x7f: {  	[tilespmem:v41+s1+$0x0] =	vst.idx.add.s32.msk $0xffff, v2  }
0x80: {  	[tilespmem:v42+s2+$0x0] =	vst.idx.add.s32.msk $0xffff, v2  }
0x81: {  	v3 =	vld [tilespmem:s3+$0x20];
	_ =	sdelay $0x1  }
0x82: {  	v4 =	vld [tilespmem:s3+$0x2020];
	_ =	sdelay $0x2  }
0x83: {  	v43 =	vadd.s32 $0xFFFFFF99, v3  }
0x84: {  	vm9 =	vne.s32 v3, $0x0;
	vm3 =	vlt.u32 v43, $0xFFFFFFFE  }
0x85: {  	v3 =	vadd.s32 $0x40000000, v4;
	vm2 =	vmand vm9, vm3  }
0x86: {  	v3 =	vnsel vm2, $0x0, v3  }
0x87: {  	v44 =	vshrl.u32 v3, $0x12  }
0x88: {  	v45 =	vshrl.u32 v3, $0x16;
	_ =	sdelay $0x2  }
0x89: {  	[tilespmem:s3+$0x4020] =	vst v3  }
0x8a: {  	[tilespmem:v44+s1+$0x0] =	vst.idx.add.s32.msk $0xffff, v2  }
0x8b: {  	[tilespmem:v45+s2+$0x0] =	vst.idx.add.s32.msk $0xffff, v2  }
0x8c: {  	v3 =	vld [tilespmem:s3+$0x30];
	_ =	sdelay $0x1  }
0x8d: {  	v4 =	vld [tilespmem:s3+$0x2030];
	_ =	sdelay $0x2  }
0x8e: {  	v46 =	vadd.s32 $0xFFFFFF99, v3  }
0x8f: {  	vm10 =	vne.s32 v3, $0x0;
	vm4 =	vlt.u32 v46, $0xFFFFFFFE  }
0x90: {  	v3 =	vadd.s32 $0x40000000, v4;
	vm3 =	vmand vm10, vm4  }
0x91: {  	v3 =	vnsel vm3, $0x0, v3  }
0x92: {  	v47 =	vshrl.u32 v3, $0x12  }
0x93: {  	v48 =	vshrl.u32 v3, $0x16;
	_ =	sdelay $0x2  }
0x94: {  	[tilespmem:s3+$0x4030] =	vst v3  }
0x95: {  	[tilespmem:v47+s1+$0x0] =	vst.idx.add.s32.msk $0xffff, v2  }
0x96: {  	[tilespmem:v48+s2+$0x0] =	vst.idx.add.s32.msk $0xffff, v2  }
0x97: {  	v3 =	vld [tilespmem:s3+$0x40];
	_ =	sdelay $0x1  }
0x98: {  	v4 =	vld [tilespmem:s3+$0x2040];
	_ =	sdelay $0x2  }
0x99: {  	v49 =	vadd.s32 $0xFFFFFF99, v3  }
0x9a: {  	vm11 =	vne.s32 v3, $0x0;
	vm5 =	vlt.u32 v49, $0xFFFFFFFE  }
0x9b: {  	v3 =	vadd.s32 $0x40000000, v4;
	vm4 =	vmand vm11, vm5  }
0x9c: {  	v3 =	vnsel vm4, $0x0, v3  }
0x9d: {  	v50 =	vshrl.u32 v3, $0x12  }
0x9e: {  	v51 =	vshrl.u32 v3, $0x16;
	_ =	sdelay $0x2  }
0x9f: {  	[tilespmem:s3+$0x4040] =	vst v3  }
0xa0: {  	[tilespmem:v50+s1+$0x0] =	vst.idx.add.s32.msk $0xffff, v2  }
0xa1: {  	[tilespmem:v51+s2+$0x0] =	vst.idx.add.s32.msk $0xffff, v2  }
0xa2: {  	v3 =	vld [tilespmem:s3+$0x50];
	_ =	sdelay $0x1  }
0xa3: {  	v4 =	vld [tilespmem:s3+$0x2050];
	_ =	sdelay $0x2  }
0xa4: {  	v52 =	vadd.s32 $0xFFFFFF99, v3  }
0xa5: {  	vm12 =	vne.s32 v3, $0x0;
	vm6 =	vlt.u32 v52, $0xFFFFFFFE  }
0xa6: {  	v3 =	vadd.s32 $0x40000000, v4;
	vm5 =	vmand vm12, vm6  }
0xa7: {  	v3 =	vnsel vm5, $0x0, v3  }
0xa8: {  	v53 =	vshrl.u32 v3, $0x12  }
0xa9: {  	v54 =	vshrl.u32 v3, $0x16;
	_ =	sdelay $0x2  }
0xaa: {  	[tilespmem:s3+$0x4050] =	vst v3  }
0xab: {  	[tilespmem:v53+s1+$0x0] =	vst.idx.add.s32.msk $0xffff, v2  }
0xac: {  	[tilespmem:v54+s2+$0x0] =	vst.idx.add.s32.msk $0xffff, v2  }
0xad: {  	v3 =	vld [tilespmem:s3+$0x60];
	_ =	sdelay $0x1  }
0xae: {  	v4 =	vld [tilespmem:s3+$0x2060];
	_ =	sdelay $0x2  }
0xaf: {  	v55 =	vadd.s32 $0xFFFFFF99, v3  }
0xb0: {  	vm13 =	vne.s32 v3, $0x0;
	vm7 =	vlt.u32 v55, $0xFFFFFFFE  }
0xb1: {  	v3 =	vadd.s32 $0x40000000, v4;
	vm6 =	vmand vm13, vm7  }
0xb2: {  	v3 =	vnsel vm6, $0x0, v3  }
0xb3: {  	v56 =	vshrl.u32 v3, $0x12  }
0xb4: {  	v57 =	vshrl.u32 v3, $0x16;
	_ =	sdelay $0x2  }
0xb5: {  	[tilespmem:s3+$0x4060] =	vst v3  }
0xb6: {  	[tilespmem:v56+s1+$0x0] =	vst.idx.add.s32.msk $0xffff, v2  }
0xb7: {  	[tilespmem:v57+s2+$0x0] =	vst.idx.add.s32.msk $0xffff, v2  }
0xb8: {  	v3 =	vld [tilespmem:s3+$0x70];
	_ =	sdelay $0x1  }
0xb9: {  	v4 =	vld [tilespmem:s3+$0x2070];
	_ =	sdelay $0x2  }
0xba: {  	v58 =	vadd.s32 $0xFFFFFF99, v3  }
0xbb: {  	vm14 =	vne.s32 v3, $0x0;
	vm8 =	vlt.u32 v58, $0xFFFFFFFE  }
0xbc: {  	v3 =	vsel vm0, $0x1, v0;
	v4 =	vadd.s32 $0x40000000, v4;
	vm15 =	vmand vm14, vm8  }
0xbd: {  	v59 =	vsel vm1, $0x1, v0;
	v1 =	vadd.s32 v3, v1;
	v3 =	vnsel vm15, $0x0, v4  }
0xbe: {  	v60 =	vsel vm2, $0x1, v0;
	v1 =	vadd.s32 v59, v1;
	v61 =	vshrl.u32 v3, $0x12  }
0xbf: {  	p0 =	sne.s32 s0, $0x7E00;
	v6 =	vsel vm3, $0x1, v0;
	v1 =	vadd.s32 v60, v1;
	v62 =	vshrl.u32 v3, $0x16  }
.Ltmp2:
0xc0: {  	v7 =	vsel vm4, $0x1, v0;
	v1 =	vadd.s32 v6, v1;
	(pc) =	sbr.rel @p0 .LBB2_4-.Ltmp2, $4  }
0xc1: {  	v63 =	vsel vm5, $0x1, v0;
	v1 =	vadd.s32 v7, v1  }
0xc2: {  	[tilespmem:s3+$0x4070] =	vst v3;
	v3 =	vsel vm6, $0x1, v0;
	v1 =	vadd.s32 v63, v1  }
0xc3: {  	v1 =	vadd.s32 v3, v1;
	v3 =	vsel vm15, $0x1, v0;
	[tilespmem:v61+s1+$0x0] =	vst.idx.add.s32.msk $0xffff, v2  }
0xc4: {  	s0 =	sadd.s32 $0x200, s0;
	v1 =	vadd.s32 v3, v1;
	[tilespmem:v62+s2+$0x0] =	vst.idx.add.s32.msk $0xffff, v2  }
0xc5: {  	v0 =	vlaneseq.u32  }
0xc6: {  	v0 =	vmul.u32 $0xFFFFFFFF, v0  }
0xc7: {  	s0 =	simm.s32 $0x0  }
0xc8: {  	s1 =	simm.s32 $0x4030;
	v2 =	vimm.s32 $0x1;
	s2 =	simm.s32 $0x8480;
	s3 =	simm.s32 $0x0;
	v0 =	vadd.s32 $0x4CD, v0  }
.LBB2_6:
0xc9: {  	v3 =	vld [tilespmem:s1+$0xFFFFFFD0];
	_ =	sdelay $0x3  }
0xca: {  	v4 =	vmov s3  }
0xcb: {  	vm1 =	vlt.u32 v4, v0;
	vm0 =	vgt.s32 v3, $0x3FFFFFFF  }
0xcc: {  	vm0 =	vmand vm1, vm0  }
0xcd: {  	v3 =	vmov s0;
	_ =	sdelay $0x4  }
0xce: {  	[tilespmem:v3+s2+$0x0] =	vst.idx.add.s32.msk vm0, v2  }
0xcf: {  	v3 =	vld [tilespmem:s1+$0xFFFFFFE0];
	_ =	sdelay $0x2  }
0xd0: {  	s4 =	sadd.s32 $0x10, s3  }
0xd1: {  	v58 =	vmov s4  }
0xd2: {  	vm5 =	vlt.u32 v58, v0;
	vm4 =	vgt.s32 v3, $0x3FFFFFFF  }
0xd3: {  	s20 =	sadd.s32 $0x1, s0;
	vm0 =	vmand vm5, vm4  }
0xd4: {  	v3 =	vmov s20;
	_ =	sdelay $0x4  }
0xd5: {  	[tilespmem:v3+s2+$0x0] =	vst.idx.add.s32.msk vm0, v2  }
0xd6: {  	v3 =	vld [tilespmem:s1+$0xFFFFFFF0];
	_ =	sdelay $0x2  }
0xd7: {  	s21 =	sadd.s32 $0x20, s3  }
0xd8: {  	v59 =	vmov s21  }
0xd9: {  	vm7 =	vlt.u32 v59, v0;
	vm6 =	vgt.s32 v3, $0x3FFFFFFF  }
0xda: {  	s22 =	sadd.s32 $0x2, s0;
	vm0 =	vmand vm7, vm6  }
0xdb: {  	v3 =	vmov s22;
	_ =	sdelay $0x4  }
0xdc: {  	[tilespmem:v3+s2+$0x0] =	vst.idx.add.s32.msk vm0, v2  }
0xdd: {  	v3 =	vld [tilespmem:s1+$0x0];
	_ =	sdelay $0x2  }
0xde: {  	s23 =	sadd.s32 $0x30, s3  }
0xdf: {  	v60 =	vmov s23  }
0xe0: {  	vm9 =	vlt.u32 v60, v0;
	vm8 =	vgt.s32 v3, $0x3FFFFFFF  }
0xe1: {  	s24 =	sadd.s32 $0x3, s0;
	vm0 =	vmand vm9, vm8  }
0xe2: {  	v3 =	vmov s24;
	_ =	sdelay $0x4  }
0xe3: {  	[tilespmem:v3+s2+$0x0] =	vst.idx.add.s32.msk vm0, v2  }
0xe4: {  	v3 =	vld [tilespmem:s1+$0x10];
	_ =	sdelay $0x2  }
0xe5: {  	s25 =	sadd.s32 $0x40, s3  }
0xe6: {  	v61 =	vmov s25  }
0xe7: {  	vm11 =	vlt.u32 v61, v0;
	vm10 =	vgt.s32 v3, $0x3FFFFFFF  }
0xe8: {  	s26 =	sadd.s32 $0x4, s0;
	vm0 =	vmand vm11, vm10  }
0xe9: {  	v3 =	vmov s26;
	_ =	sdelay $0x4  }
0xea: {  	[tilespmem:v3+s2+$0x0] =	vst.idx.add.s32.msk vm0, v2  }
0xeb: {  	v3 =	vld [tilespmem:s1+$0x20];
	_ =	sdelay $0x2  }
0xec: {  	s28 =	sadd.s32 $0x50, s3  }
0xed: {  	v62 =	vmov s28  }
0xee: {  	vm13 =	vlt.u32 v62, v0;
	vm12 =	vgt.s32 v3, $0x3FFFFFFF  }
0xef: {  	s29 =	sadd.s32 $0x5, s0;
	vm0 =	vmand vm13, vm12  }
0xf0: {  	v3 =	vmov s29;
	_ =	sdelay $0x4  }
0xf1: {  	[tilespmem:v3+s2+$0x0] =	vst.idx.add.s32.msk vm0, v2  }
0xf2: {  	v3 =	vld [tilespmem:s1+$0x30];
	_ =	sdelay $0x2  }
0xf3: {  	s30 =	sadd.s32 $0x60, s3  }
0xf4: {  	v63 =	vmov s30  }
0xf5: {  	vm15 =	vlt.u32 v63, v0;
	vm14 =	vgt.s32 v3, $0x3FFFFFFF  }
0xf6: {  	s31 =	sadd.s32 $0x6, s0;
	vm0 =	vmand vm15, vm14  }
0xf7: {  	p0 =	sne.s32 s3, $0x460;
	v3 =	vmov s31  }
.Ltmp3:
0xf8: {  	_ = 	snop;
	(pc) =	sbr.rel @p0 .LBB2_6-.Ltmp3, $2  }
0xf9: {  	_ =	sdelay $0x2  }
0xfa: {  	s3 =	sadd.s32 $0x70, s3;
	s0 =	sadd.s32 $0x7, s0;
	s1 =	sadd.s32 $0x70, s1;
	[tilespmem:v3+s2+$0x0] =	vst.idx.add.s32.msk vm0, v2  }
0xfb: {  	(xrf0) =	vadd.scan.msk.s32 $0xffff, v1;
	_ =	sdelay $0x5  }
0xfc: {  	v0, _, _ =	vpop (xrf0)  }
0xfd: {  	(v2sf) =	vpush v0, $0xF;
	_ =	sdelay $0xe  }
0xfe: {  	s0 =	spop (v2sf)  }
0xff: {  	s0 =	scvt.s32.f32 s0  }
0x100: {  	v2 =	vld [tilespmem:$0x8480]  }
0x101: {  	s0 =	smul.f32 $1.500000060e-01, s0;
	_ =	sdelay $0x1  }
0x102: {  	s1 =	scvt.f32.s32 s0;
	_ =	sdelay $0x1  }
0x103: {  	(xrf0) =	vadd.scan.msk.s32 $0xffff, v2;
	s2 =	scvt.s32.f32 s1;
	_ =	sdelay $0x1  }
0x104: {  	p0 =	sgt.f32 s0, s2  }
0x105: {  	s0 =	simm.s32 $0x1  }
0x106: {  	s0 =	simm.s32 @!p0 $0x0  }
0x107: {  	s0 =	sadd.s32 s1, s0  }
0x108: {  	v3, _, _ =	vpop (xrf0);
	s0 =	scvt.s32.f32 s0  }
0x109: {  	v0 =	vcvt.s32.f32 v3  }
0x10a: {  	v1 =	vmov s0  }
0x10b: {  	vm0 =	vlt.f32 v1, v0  }
0x10c: {  	v0 =	vmctz.xlane vm0;
	_ =	sdelay $0x1  }
0x10d: {  	v0 =	vxor.u32 $0x80000000, v0  }
0x10e: {  	(xrf0) =	vmax.scan.msk.u32 $0xffff, v0;
	_ =	sdelay $0x5  }
0x10f: {  	v0, _, _ =	vpop (xrf0)  }
0x110: {  	(v2sf) =	vpush v0, $0xF;
	_ =	sdelay $0xe  }
0x111: {  	s18 =	spop (v2sf)  }
0x112: {  	s4 =	sxor.u32 $0x80000000, s18  }
0x113: {  	v5 =	vld [tilespmem:$0x8490];
	v0 =	vlaneseq.u32;
	v4 =	vmov s4  }
0x114: {  	vm0 =	veq.s32 v4, v0  }
0x115: {  	v4 =	vnsel vm0, $0x0, v3  }
0x116: {  	v2 =	vnsel vm0, $0x0, v2;
	(xrf0) =	vadd.scan.msk.s32 $0xffff, v4  }
0x117: {  	(xrf0) =	vadd.scan.msk.s32 $0xffff, v2  }
0x118: {  	(xrf0) =	vadd.scan.msk.s32 $0xffff, v5;
	_ =	sdelay $0x3  }
0x119: {  	v2, _, _ =	vpop (xrf0)  }
0x11a: {  	v6 =	vbroadcast v3, $0xF;
	v4, _, _ =	vpop (xrf0)  }
0x11b: {  	v7, _, _ =	vpop (xrf0)  }
0x11c: {  	v6 =	vadd.s32 v6, v7  }
0x11d: {  	v8 =	vcvt.s32.f32 v6;
	_ =	sdelay $0x1  }
0x11e: {  	vm0 =	vlt.f32 v1, v8  }
0x11f: {  	v8 =	vmctz.xlane vm0;
	_ =	sdelay $0x1  }
0x120: {  	v8 =	vxor.u32 $0x80000000, v8  }
0x121: {  	(xrf0) =	vmax.scan.msk.u32 $0xffff, v8;
	_ =	sdelay $0x3  }
0x122: {  	(v2sf) =	vpush v2, $0xF  }
0x123: {  	(v2sf) =	vpush v4, $0xF  }
0x124: {  	(v2sf) =	vpush v3, $0xF;
	v2, _, _ =	vpop (xrf0)  }
0x125: {  	(v2sf) =	vpush v2, $0xF;
	_ =	sdelay $0xb  }
0x126: {  	s19 =	spop (v2sf)  }
0x127: {  	s20 =	spop (v2sf)  }
0x128: {  	s5 =	spop (v2sf)  }
0x129: {  	s7 =	spop (v2sf)  }
0x12a: {  	s8 =	sxor.u32 $0x80000000, s7  }
0x12b: {  	v2 =	vmov s8  }
0x12c: {  	vm0 =	veq.s32 v2, v0  }
0x12d: {  	v2 =	vnsel vm0, $0x0, v6  }
0x12e: {  	(xrf0) =	vadd.scan.msk.s32 $0xffff, v2;
	v2 =	vnsel vm0, $0x0, v5  }
0x12f: {  	(xrf0) =	vadd.scan.msk.s32 $0xffff, v2;
	_ =	sdelay $0x4  }
0x130: {  	v2, _, _ =	vpop (xrf0)  }
0x131: {  	(v2sf) =	vpush v2, $0xF;
	v2, _, _ =	vpop (xrf0)  }
0x132: {  	(v2sf) =	vpush v2, $0xF  }
0x133: {  	(v2sf) =	vpush v7, $0xF;
	_ =	sdelay $0x4  }
0x134: {  	v2 =	vld [tilespmem:$0x84A0];
	_ =	sdelay $0x4  }
0x135: {  	(xrf0) =	vadd.scan.msk.s32 $0xffff, v2;
	_ =	sdelay $0x2  }
0x136: {  	s21 =	spop (v2sf)  }
0x137: {  	s3 =	spop (v2sf)  }
0x138: {  	s6 =	spop (v2sf)  }
0x139: {  	v3, _, _ =	vpop (xrf0);
	s10 =	sadd.s32 s5, s6  }
0x13a: {  	v4 =	vadd.s32 s10, v3  }
0x13b: {  	v5 =	vcvt.s32.f32 v4;
	_ =	sdelay $0x1  }
0x13c: {  	vm0 =	vlt.f32 v1, v5  }
0x13d: {  	v5 =	vmctz.xlane vm0;
	_ =	sdelay $0x1  }
0x13e: {  	v5 =	vxor.u32 $0x80000000, v5  }
0x13f: {  	(xrf0) =	vmax.scan.msk.u32 $0xffff, v5;
	_ =	sdelay $0x5  }
0x140: {  	v5, _, _ =	vpop (xrf0)  }
0x141: {  	(v2sf) =	vpush v5, $0xF;
	_ =	sdelay $0xe  }
0x142: {  	s9 =	spop (v2sf)  }
0x143: {  	s11 =	sxor.u32 $0x80000000, s9  }
0x144: {  	v5 =	vmov s11  }
0x145: {  	vm0 =	veq.s32 v5, v0  }
0x146: {  	v4 =	vnsel vm0, $0x0, v4  }
0x147: {  	v2 =	vnsel vm0, $0x0, v2;
	(xrf0) =	vadd.scan.msk.s32 $0xffff, v4  }
0x148: {  	(xrf0) =	vadd.scan.msk.s32 $0xffff, v2;
	_ =	sdelay $0x4  }
0x149: {  	v2, _, _ =	vpop (xrf0)  }
0x14a: {  	(v2sf) =	vpush v2, $0xF;
	v2, _, _ =	vpop (xrf0)  }
0x14b: {  	(v2sf) =	vpush v2, $0xF  }
0x14c: {  	(v2sf) =	vpush v3, $0xF;
	_ =	sdelay $0x4  }
0x14d: {  	v2 =	vld [tilespmem:$0x84B0];
	_ =	sdelay $0x4  }
0x14e: {  	(xrf0) =	vadd.scan.msk.s32 $0xffff, v2;
	_ =	sdelay $0x2  }
0x14f: {  	s22 =	spop (v2sf)  }
0x150: {  	s23 =	spop (v2sf)  }
0x151: {  	s12 =	spop (v2sf)  }
0x152: {  	v3, _, _ =	vpop (xrf0);
	s13 =	sadd.s32 s10, s12  }
0x153: {  	v4 =	vadd.s32 s13, v3  }
0x154: {  	v5 =	vcvt.s32.f32 v4;
	_ =	sdelay $0x1  }
0x155: {  	vm0 =	vlt.f32 v1, v5  }
0x156: {  	v5 =	vmctz.xlane vm0;
	_ =	sdelay $0x1  }
0x157: {  	v5 =	vxor.u32 $0x80000000, v5  }
0x158: {  	(xrf0) =	vmax.scan.msk.u32 $0xffff, v5;
	_ =	sdelay $0x5  }
0x159: {  	v5, _, _ =	vpop (xrf0)  }
0x15a: {  	(v2sf) =	vpush v5, $0xF;
	_ =	sdelay $0xe  }
0x15b: {  	s14 =	spop (v2sf)  }
0x15c: {  	s15 =	sxor.u32 $0x80000000, s14  }
0x15d: {  	v5 =	vmov s15  }
0x15e: {  	vm0 =	veq.s32 v5, v0  }
0x15f: {  	v4 =	vnsel vm0, $0x0, v4  }
0x160: {  	v2 =	vnsel vm0, $0x0, v2;
	(xrf0) =	vadd.scan.msk.s32 $0xffff, v4  }
0x161: {  	(xrf0) =	vadd.scan.msk.s32 $0xffff, v2;
	_ =	sdelay $0x4  }
0x162: {  	v2, _, _ =	vpop (xrf0)  }
0x163: {  	(v2sf) =	vpush v2, $0xF;
	v2, _, _ =	vpop (xrf0)  }
0x164: {  	(v2sf) =	vpush v2, $0xF  }
0x165: {  	(v2sf) =	vpush v3, $0xF;
	_ =	sdelay $0x4  }
0x166: {  	v2 =	vld [tilespmem:$0x84C0];
	_ =	sdelay $0x4  }
0x167: {  	(xrf0) =	vadd.scan.msk.s32 $0xffff, v2;
	_ =	sdelay $0x2  }
0x168: {  	s24 =	spop (v2sf)  }
0x169: {  	s25 =	spop (v2sf)  }
0x16a: {  	s16 =	spop (v2sf)  }
0x16b: {  	v3, _, _ =	vpop (xrf0);
	s13 =	sadd.s32 s13, s16  }
0x16c: {  	v3 =	vadd.s32 s13, v3  }
0x16d: {  	v4 =	vcvt.s32.f32 v3;
	_ =	sdelay $0x1  }
0x16e: {  	vm0 =	vlt.f32 v1, v4  }
0x16f: {  	v4 =	vmctz.xlane vm0;
	_ =	sdelay $0x1  }
0x170: {  	v4 =	vxor.u32 $0x80000000, v4  }
0x171: {  	(xrf0) =	vmax.scan.msk.u32 $0xffff, v4;
	_ =	sdelay $0x5  }
0x172: {  	v4, _, _ =	vpop (xrf0)  }
0x173: {  	(v2sf) =	vpush v4, $0xF;
	_ =	sdelay $0xd  }
0x174: {  	s7 =	sadd.s32 $0x80000010, s7;
	p0 =	slt.s32 s8, $0x10  }
0x175: {  	p1 =	sgt.s32 s4, $0xF;
	s7 =	simm.s32 @!p0 $0x200;
	s26 =	spop (v2sf)  }
0x176: {  	s4 =	smov.u32 @p1 s7;
	s28 =	sxor.u32 $0x80000000, s26  }
0x177: {  	p2 =	seq.s32 s4, $0x200;
	p3 =	slt.s32 s11, $0x10;
	v4 =	vmov s28  }
0x178: {  	p2 =	por !p3, !p2;
	vm0 =	veq.s32 v4, v0  }
0x179: {  	s9 =	sadd.s32 $0x80000020, s9;
	p2 =	por !p2, !p2;
	v3 =	vnsel vm0, $0x0, v3  }
0x17a: {  	s4 =	smov.u32 @p2 s9;
	v2 =	vnsel vm0, $0x0, v2;
	(xrf0) =	vadd.scan.msk.s32 $0xffff, v3  }
0x17b: {  	p5 =	seq.s32 s4, $0x200;
	p4 =	slt.s32 s15, $0x10;
	(xrf0) =	vadd.scan.msk.s32 $0xffff, v2  }
0x17c: {  	p3 =	por !p4, !p5  }
0x17d: {  	s9 =	sadd.s32 $0x80000030, s14;
	p3 =	por !p3, !p3  }
0x17e: {  	s4 =	smov.u32 @p3 s9  }
0x17f: {  	p6 =	seq.s32 s4, $0x200;
	p5 =	slt.s32 s28, $0x10  }
0x180: {  	p4 =	por !p5, !p6;
	v2, _, _ =	vpop (xrf0)  }
0x181: {  	s7 =	sadd.s32 $0x80000040, s26;
	p4 =	por !p4, !p4;
	(v2sf) =	vpush v2, $0xF;
	v2, _, _ =	vpop (xrf0)  }
0x182: {  	s4 =	smov.u32 @p4 s7;
	(v2sf) =	vpush v2, $0xF  }
0x183: {  	p5 =	slt.s32 s4, $0x4C;
	s7 =	smov.u32 s4  }
0x184: {  	s7 =	simm.s32 @!p5 $0x4C  }
0x185: {  	s7 =	sshll.u32 s7, $0x4  }
0x186: {  	v2 =	vld [tilespmem:s7+$0x4000];
	_ =	sdelay $0x4  }
0x187: {  	vm0 =	vgt.s32 v2, $0x3FFFFFFF;
	v2 =	vimm.s32 $0x0  }
0x188: {  	v2 =	vsel vm0, $0x1, v2  }
0x189: {  	(xrf0) =	vadd.scan.msk.s32 $0xffff, v2  }
0x18a: {  	s2 =	ssub.s32 s21, s3  }
0x18b: {  	s0 =	ssub.s32 s19, s20;
	s2 =	simm.s32 @!p0 $0x0  }
0x18c: {  	s0 =	smov.u32 @p1 s2;
	s1 =	ssub.s32 s22, s23;
	s29 =	spop (v2sf)  }
0x18d: {  	s0 =	smov.u32 @p2 s1;
	s1 =	ssub.s32 s24, s25;
	s30 =	spop (v2sf)  }
0x18e: {  	s0 =	smov.u32 @p3 s1;
	s1 =	ssub.s32 s29, s30  }
0x18f: {  	v2, _, _ =	vpop (xrf0);
	s0 =	smov.u32 @p4 s1  }
0x190: {  	v3 =	vmul.u32 $0xFFFFFFFF, v0;
	v2 =	vadd.s32 s0, v2  }
0x191: {  	v2 =	vcvt.s32.f32 v2  }
0x192: {  	v5 =	vadd.s32 $0x4CD, v3;
	v4 =	vmov s7  }
0x193: {  	vm1 =	vlt.s32 v4, v5;
	vm0 =	vlt.f32 v1, v2  }
0x194: {  	vm0 =	vmand vm1, vm0  }
0x195: {  	v1 =	vmctz.xlane vm0;
	_ =	sdelay $0x1  }
0x196: {  	v1 =	vxor.u32 $0x80000000, v1  }
0x197: {  	(xrf0) =	vmax.scan.msk.u32 $0xffff, v1;
	_ =	sdelay $0x5  }
0x198: {  	v1, _, _ =	vpop (xrf0)  }
0x199: {  	s31 =	simm.s32 $0x81F0;
	(v2sf) =	vpush v1, $0xF  }
0x19a: {  	v1 =	vld [tilespmem:s31+$0x0];
	_ =	sdelay $0x4  }
0x19b: {  	(xrf0) =	vadd.scan.msk.s32 $0xffff, v1;
	_ =	sdelay $0x4  }
0x19c: {  	v2 =	vadd.s32 $0xF, v3  }
0x19d: {  	v5 =	vperm.xlane v1, v2;
	v1, _, _ =	vpop (xrf0)  }
0x19e: {  	s1 =	simm.s32 $0x81E0;
	(v2sf) =	vpush v1, $0xF  }
0x19f: {  	v3 =	vld [tilespmem:s1+$0x0]  }
0x1a0: {  	(xrf0) =	vadd.scan.msk.s32 $0xffff, v5;
	s2 =	spop (v2sf)  }
0x1a1: {  	s0 =	sxor.u32 $0x80000000, s2  }
0x1a2: {  	s1 =	sadd.s32 s0, s7  }
0x1a3: {  	p0 =	slt.s32 s1, $0x4CD  }
0x1a4: {  	p1 =	slt.s32 s4, $0x200;
	(xrf0) =	vadd.scan.msk.s32 $0xffff, v3;
	s1 =	simm.s32 @!p0 $0x4CD  }
0x1a5: {  	p0 =	slt.s32 s0, $0x10;
	s1 =	simm.s32 @!p1 $0x4CD  }
0x1a6: {  	s4 =	simm.s32 $0x0;
	v8 =	vperm.xlane v3, v2;
	v7, _, _ =	vpop (xrf0);
	s1 =	simm.s32 @!p0 $0x4CD  }
0x1a7: {  	s3 =	simm.s32 $0x81D0;
	v4 =	vadd.s32 s4, v7;
	v1 =	vmov s1  }
0x1a8: {  	v6 =	vld [tilespmem:s3+$0x0];
	(xrf0) =	vadd.scan.msk.s32 $0xffff, v8;
	vm0 =	vge.s32 v4, v1  }
0x1a9: {  	v4 =	vmctz.xlane vm0  }
0x1aa: {  	v3, _, _ =	vpop (xrf0)  }
0x1ab: {  	(v2sf) =	vpush v3, $0xF;
	v3 =	vxor.u32 $0x80000000, v4  }
0x1ac: {  	(xrf0) =	vmax.scan.msk.u32 $0xffff, v3  }
0x1ad: {  	s5 =	spop (v2sf);
	(xrf0) =	vadd.scan.msk.s32 $0xffff, v6  }
0x1ae: {  	v9, _, _ =	vpop (xrf0);
	s9 =	sadd.s32 $0x0, s5  }
0x1af: {  	v3 =	vadd.s32 s9, v9;
	_ =	sdelay $0x2  }
0x1b0: {  	vm0 =	vge.s32 v3, v1;
	v3, _, _ =	vpop (xrf0)  }
0x1b1: {  	v10 =	vperm.xlane v6, v2;
	v4, _, _ =	vpop (xrf0);
	(v2sf) =	vpush v3, $0xF  }
0x1b2: {  	v6 =	vmctz.xlane vm0;
	(v2sf) =	vpush v4, $0xF  }
0x1b3: {  	(xrf0) =	vadd.scan.msk.s32 $0xffff, v10  }
0x1b4: {  	s6 =	simm.s32 $0x81C0;
	v3 =	vxor.u32 $0x80000000, v6  }
0x1b5: {  	(xrf0) =	vmax.scan.msk.u32 $0xffff, v3;
	v3 =	vld [tilespmem:s6+$0x0];
	_ =	sdelay $0x2  }
0x1b6: {  	s7 =	spop (v2sf)  }
0x1b7: {  	v12, _, _ =	vpop (xrf0);
	s6 =	sadd.s32 s9, s7  }
0x1b8: {  	s8 =	simm.s32 $0x81B0;
	v4 =	vadd.s32 s6, v12;
	v6 =	vperm.xlane v3, v2  }
0x1b9: {  	v13 =	vld [tilespmem:s8+$0x0];
	vm0 =	vge.s32 v4, v1;
	(xrf0) =	vadd.scan.msk.s32 $0xffff, v3;
	v3, _, _ =	vpop (xrf0)  }
0x1ba: {  	v4 =	vmctz.xlane vm0;
	(v2sf) =	vpush v3, $0xF;
	(xrf0) =	vadd.scan.msk.s32 $0xffff, v6;
	_ =	sdelay $0x1  }
0x1bb: {  	v3 =	vxor.u32 $0x80000000, v4  }
0x1bc: {  	(xrf0) =	vmax.scan.msk.u32 $0xffff, v3  }
0x1bd: {  	(xrf0) =	vadd.scan.msk.s32 $0xffff, v13;
	s10 =	spop (v2sf)  }
0x1be: {  	v3, _, _ =	vpop (xrf0);
	s12 =	spop (v2sf)  }
0x1bf: {  	v11, _, _ =	vpop (xrf0);
	s7 =	sadd.s32 s6, s12  }
0x1c0: {  	(v2sf) =	vpush v3, $0xF;
	v14 =	vadd.s32 s7, v11  }
0x1c1: {  	s13 =	sxor.u32 $0x80000000, s10  }
0x1c2: {  	v4 =	vperm.xlane v13, v2;
	v13, _, _ =	vpop (xrf0);
	v3 =	vmov s13  }
0x1c3: {  	(v2sf) =	vpush v13, $0xF;
	vm0 =	veq.s32 v3, v0;
	vm1 =	vge.s32 v14, v1;
	v14, _, _ =	vpop (xrf0)  }
0x1c4: {  	v7 =	vnsel vm0, $0x0, v7;
	(v2sf) =	vpush v14, $0xF  }
0x1c5: {  	s14 =	simm.s32 $0x81A0;
	v15 =	vmctz.xlane vm1;
	(xrf0) =	vadd.scan.msk.s32 $0xffff, v7  }
0x1c6: {  	v3 =	vld [tilespmem:s14+$0x0];
	v5 =	vnsel vm0, $0x0, v5;
	(xrf0) =	vadd.scan.msk.s32 $0xffff, v4  }
0x1c7: {  	v7 =	vxor.u32 $0x80000000, v15;
	(xrf0) =	vadd.scan.msk.s32 $0xffff, v5  }
0x1c8: {  	(xrf0) =	vmax.scan.msk.u32 $0xffff, v7;
	s15 =	spop (v2sf)  }
0x1c9: {  	s18 =	sxor.u32 $0x80000000, s15  }
0x1ca: {  	v13 =	vmov s18  }
0x1cb: {  	(xrf0) =	vadd.scan.msk.s32 $0xffff, v3;
	v5, _, _ =	vpop (xrf0);
	vm0 =	veq.s32 v13, v0  }
0x1cc: {  	v3 =	vperm.xlane v3, v2;
	v7, _, _ =	vpop (xrf0);
	v9 =	vnsel vm0, $0x0, v9  }
0x1cd: {  	v13, _, _ =	vpop (xrf0);
	(xrf0) =	vadd.scan.msk.s32 $0xffff, v9  }
0x1ce: {  	(v2sf) =	vpush v5, $0xF;
	v5, _, _ =	vpop (xrf0);
	(xrf0) =	vadd.scan.msk.s32 $0xffff, v3  }
0x1cf: {  	s20 =	spop (v2sf)  }
0x1d0: {  	s8 =	sadd.s32 s7, s20  }
0x1d1: {  	s21 =	simm.s32 $0x8190;
	v8 =	vnsel vm0, $0x0, v8;
	v14, _, _ =	vpop (xrf0);
	(v2sf) =	vpush v5, $0xF;
	v5 =	vadd.s32 s8, v7  }
0x1d2: {  	s19 =	simm.s32 $0x800001BF;
	s11 =	simm.s32 $0x8000018F;
	v9 =	vld [tilespmem:s21+$0x0];
	(v2sf) =	vpush v14, $0xF;
	vm1 =	vge.s32 v5, v1;
	s22 =	spop (v2sf)  }
0x1d3: {  	p3 =	por $0x1, $0x1;
	s0 =	ssub.s32 $0x800001FF, s10;
	(v2sf) =	vpush v13, $0xF;
	v5 =	vmctz.xlane vm1;
	v13, _, _ =	vpop (xrf0);
	s23 =	spop (v2sf)  }
0x1d4: {  	p4 =	slt.s32 s13, $0x10;
	(xrf0) =	vadd.scan.msk.s32 $0xffff, v8;
	s17 =	sxor.u32 $0x80000000, s22;
	v8, _, _ =	vpop (xrf0);
	s10 =	sadd.s32 s8, s23  }
0x1d5: {  	s24 =	simm.s32 $0x8180;
	s16 =	simm.s32 $0x8000017F;
	p0 =	por !p3, !p4;
	v14 =	vmov s17;
	v5 =	vxor.u32 $0x80000000, v5;
	v15 =	vadd.s32 s10, v8  }
0x1d6: {  	[dreg:$0x5] =	wrdreg s1;
	s12 =	simm.s32 $0x0;
	p0 =	por !p0, !p0;
	vm0 =	veq.s32 v14, v0;
	(xrf0) =	vmax.scan.msk.u32 $0xffff, v5;
	vm1 =	vge.s32 v15, v1  }
0x1d7: {  	s1 =	simm.s32 $0x8000014F;
	s5 =	simm.s32 $0x0;
	s12 =	simm.s32 @p0 $0x1;
	v5 =	vperm.xlane v9, v2;
	(xrf0) =	vadd.scan.msk.s32 $0xffff, v9;
	v9 =	vnsel vm0, $0x0, v12;
	v12 =	vmctz.xlane vm1  }
0x1d8: {  	s13 =	simm.s32 $0x8000019F;
	p5 =	seq.s32 s12, $0x0;
	p6 =	slt.s32 s18, $0x10;
	(xrf0) =	vadd.scan.msk.s32 $0xffff, v9;
	v9 =	vnsel vm0, $0x0, v10  }
0x1d9: {  	s14 =	simm.s32 $0x800001AF;
	p0 =	por p0, p0;
	p1 =	por !p5, !p6;
	v10 =	vxor.u32 $0x80000000, v12  }
0x1da: {  	s5 =	smov.u32 @p0 s0;
	p0 =	por p0, p0;
	p1 =	por !p1, !p1;
	(v2sf) =	vpush v13, $0xF;
	(xrf0) =	vadd.scan.msk.s32 $0xffff, v5  }
0x1db: {  	s0 =	ssub.s32 $0x800001EF, s15;
	s15 =	simm.s32 $0x8000016F;
	s12 =	simm.s32 @p1 $0x1;
	v14 =	vld [tilespmem:s24+$0x0];
	(xrf0) =	vadd.scan.msk.s32 $0xffff, v9;
	v9, _, _ =	vpop (xrf0)  }
0x1dc: {  	s18 =	simm.s32 $0x8000015F;
	p3 =	seq.s32 s12, $0x0;
	p4 =	slt.s32 s17, $0x10;
	(xrf0) =	vmax.scan.msk.u32 $0xffff, v10;
	v10, _, _ =	vpop (xrf0)  }
0x1dd: {  	p1 =	por p1, p1;
	p2 =	por !p3, !p4;
	s25 =	spop (v2sf);
	v12, _, _ =	vpop (xrf0);
	(v2sf) =	vpush v10, $0xF  }
0x1de: {  	s5 =	smov.u32 @p1 s0;
	p1 =	por p1, p1;
	p3 =	por !p2, !p2;
	(v2sf) =	vpush v12, $0xF  }
0x1df: {  	s0 =	ssub.s32 $0x800001DF, s22;
	p2 =	por p0, p0;
	p0 =	por p3, p3  }
0x1e0: {  	s12 =	simm.s32 @p3 $0x1;
	s5 =	smov.u32 @p0 s0;
	s28 =	spop (v2sf);
	(xrf0) =	vadd.scan.msk.s32 $0xffff, v14;
	v12, _, _ =	vpop (xrf0);
	(v2sf) =	vpush v9, $0xF  }
0x1e1: {  	p5 =	seq.s32 s12, $0x0;
	s29 =	spop (v2sf);
	s30 =	sxor.u32 $0x80000000, s28;
	(v2sf) =	vpush v12, $0xF  }
0x1e2: {  	s0 =	simm.s32 $0x8170;
	s17 =	sadd.s32 s10, s29;
	p6 =	slt.s32 s30, $0x10;
	v10, _, _ =	vpop (xrf0);
	v9 =	vmov s30  }
0x1e3: {  	s26 =	sadd.s32 $0x0, s25;
	s31 =	spop (v2sf);
	p3 =	por !p5, !p6;
	v15 =	vadd.s32 s17, v10;
	vm0 =	veq.s32 v9, v0;
	v13, _, _ =	vpop (xrf0)  }
0x1e4: {  	s21 =	ssub.s32 $0x800001CF, s28;
	s26 =	ssub.s32 s26, s31;
	p3 =	por !p3, !p3;
	v12 =	vld [tilespmem:s0+$0x0];
	v9 =	vperm.xlane v14, v2;
	vm1 =	vge.s32 v15, v1;
	v14, _, _ =	vpop (xrf0);
	v11 =	vnsel vm0, $0x0, v11  }
.LBB2_8:
0x1e5: {  	p4 =	sne.s32 s1, $0x8000000F;
	s12 =	simm.s32 @p3 $0x1;
	s4 =	smov.u32 @p2 s26  }
0x1e6: {  	v15, _, _ =	vpop (xrf0);
	v16 =	vmctz.xlane vm1;
	(v2sf) =	vpush v14, $0xF;
	v14 =	vnsel vm0, $0x0, v6;
	(xrf0) =	vadd.scan.msk.s32 $0xffff, v11;
	s2 =	smov.u32 s19;
	s19 =	smov.u32 s14;
	s14 =	smov.u32 s13  }
0x1e7: {  	v11 =	vmovc v7;
	v7 =	vmovc v8;
	v8 =	vmov v10;
	v6 =	vmov v4;
	v4 =	vmov v3;
	p2 =	por p1, p1;
	p1 =	por p0, p0;
	p0 =	por p3, p3  }
0x1e8: {  	v3 =	vmovc v5;
	s13 =	smov.u32 s11;
	s11 =	smov.u32 s16;
	(xrf0) =	vadd.scan.msk.s32 $0xffff, v9;
	(v2sf) =	vpush v15, $0xF;
	s5 =	smov.u32 @p0 s21;
	v5 =	vmov v9  }
0x1e9: {  	s16 =	smov.u32 s15;
	s15 =	smov.u32 s18;
	v9 =	vxor.u32 $0x80000000, v16;
	(xrf0) =	vadd.scan.msk.s32 $0xffff, v14;
	s3 =	spop (v2sf)  }
0x1ea: {  	(xrf0) =	vmax.scan.msk.u32 $0xffff, v9;
	(v2sf) =	vpush v13, $0xF;
	s3 =	sadd.s32 s9, s3;
	s9 =	smov.u32 s6;
	s6 =	smov.u32 s7  }
0x1eb: {  	s7 =	smov.u32 s8;
	s8 =	smov.u32 s10;
	s10 =	smov.u32 s17;
	(xrf0) =	vadd.scan.msk.s32 $0xffff, v12  }
.Ltmp4:
0x1ec: {  	s18 =	smov.u32 s1;
	s20 =	spop (v2sf);
	(pc) =	sbr.rel @p4 .LBB2_8-.Ltmp4, $4  }
0x1ed: {  	s22 =	spop (v2sf);
	s23 =	sxor.u32 $0x80000000, s20;
	s21 =	ssub.s32 s2, s20;
	v9, _, _ =	vpop (xrf0)  }
0x1ee: {  	p3 =	seq.s32 s12, $0x0;
	v10, _, _ =	vpop (xrf0);
	s17 =	sadd.s32 s17, s22;
	p5 =	slt.s32 s23, $0x10;
	v15 =	vmov s23;
	(v2sf) =	vpush v9, $0xF  }
0x1ef: {  	s0 =	sadd.s32 $0xFFFFFFF0, s0;
	v16 =	vadd.s32 s17, v10;
	p3 =	por !p3, !p5;
	vm0 =	veq.s32 v15, v0;
	v13, _, _ =	vpop (xrf0);
	s2 =	spop (v2sf)  }
0x1f0: {  	s1 =	sadd.s32 $0xFFFFFFF0, s1;
	v9 =	vperm.xlane v12, v2;
	v12 =	vld [tilespmem:s0+$0x0];
	vm1 =	vge.s32 v16, v1;
	v14, _, _ =	vpop (xrf0);
	p3 =	por !p3, !p3;
	v11 =	vnsel vm0, $0x0, v11;
	s26 =	ssub.s32 s3, s2  }
0x1f1: {  	v15 =	vmctz.xlane vm1;
	(xrf0) =	vadd.scan.msk.s32 $0xffff, v11  }
0x1f2: {  	v6 =	vnsel vm0, $0x0, v6;
	(xrf0) =	vadd.scan.msk.s32 $0xffff, v9  }
0x1f3: {  	v35 =	vxor.u32 $0x80000000, v15;
	(xrf0) =	vadd.scan.msk.s32 $0xffff, v6  }
0x1f4: {  	(xrf0) =	vmax.scan.msk.u32 $0xffff, v35;
	_ =	sdelay $0x1  }
0x1f5: {  	s1 =	spop (v2sf);
	v36, _, _ =	vpop (xrf0);
	(v2sf) =	vpush v14, $0xF  }
0x1f6: {  	s28 =	spop (v2sf);
	v37, _, _ =	vpop (xrf0)  }
0x1f7: {  	[dreg:$0xb] =	wrdreg s1;
	(v2sf) =	vpush v36, $0xF;
	s1 =	sxor.u32 $0x80000000, s28;
	s2 =	spop (v2sf);
	v38, _, _ =	vpop (xrf0)  }
0x1f8: {  	v43 =	vperm.xlane v12, v2;
	(v2sf) =	vpush v13, $0xF;
	v39 =	vmov s1;
	s2 =	sadd.s32 s17, s2;
	v41, _, _ =	vpop (xrf0)  }
0x1f9: {  	s0 =	sadd.s32 $0xFFFFFFF0, s0;
	(v2sf) =	vpush v37, $0xF;
	vm4 =	veq.s32 v39, v0;
	v40 =	vadd.s32 s2, v38;
	v44, _, _ =	vpop (xrf0)  }
0x1fa: {  	v42 =	vld [tilespmem:s0+$0x0];
	(xrf0) =	vadd.scan.msk.s32 $0xffff, v12;
	v7 =	vnsel vm4, $0x0, v7;
	vm5 =	vge.s32 v40, v1;
	(v2sf) =	vpush v44, $0xF  }
0x1fb: {  	(xrf0) =	vadd.scan.msk.s32 $0xffff, v7;
	v14 =	vmctz.xlane vm5  }
0x1fc: {  	v4 =	vnsel vm4, $0x0, v4;
	(xrf0) =	vadd.scan.msk.s32 $0xffff, v43  }
0x1fd: {  	(xrf0) =	vadd.scan.msk.s32 $0xffff, v4;
	v45 =	vxor.u32 $0x80000000, v14  }
0x1fe: {  	(xrf0) =	vmax.scan.msk.u32 $0xffff, v45  }
0x1ff: {  	(xrf0) =	vadd.scan.msk.s32 $0xffff, v42  }
0x200: {  	v4, _, _ =	vpop (xrf0)  }
0x201: {  	v46, _, _ =	vpop (xrf0)  }
0x202: {  	s25 =	spop (v2sf);
	(v2sf) =	vpush v4, $0xF;
	v4, _, _ =	vpop (xrf0)  }
0x203: {  	s3 =	spop (v2sf);
	(v2sf) =	vpush v41, $0xF;
	v47, _, _ =	vpop (xrf0)  }
0x204: {  	s23 =	spop (v2sf);
	(v2sf) =	vpush v46, $0xF;
	v48, _, _ =	vpop (xrf0)  }
0x205: {  	[dreg:$0xc] =	wrdreg s3;
	s3 =	sxor.u32 $0x80000000, s23;
	v49, _, _ =	vpop (xrf0);
	(v2sf) =	vpush v48, $0xF  }
0x206: {  	v50 =	vmov s3;
	s22 =	spop (v2sf);
	(v2sf) =	vpush v49, $0xF  }
0x207: {  	vm6 =	veq.s32 v50, v0;
	s20 =	sadd.s32 s2, s22;
	s31 =	spop (v2sf)  }
0x208: {  	s0 =	sadd.s32 $0xFFFFFFF0, s0;
	v53 =	vperm.xlane v42, v2;
	v8 =	vnsel vm6, $0x0, v8;
	v51 =	vadd.s32 s20, v4;
	s22 =	spop (v2sf)  }
0x209: {  	v52 =	vld [tilespmem:s0+$0x0];
	(xrf0) =	vadd.scan.msk.s32 $0xffff, v8;
	vm7 =	vge.s32 v51, v1;
	s30 =	spop (v2sf)  }
0x20a: {  	v3 =	vnsel vm6, $0x0, v3;
	(xrf0) =	vadd.scan.msk.s32 $0xffff, v53;
	[dreg:$0xd] =	wrdreg s31;
	v13 =	vmctz.xlane vm7;
	s31 =	sxor.u32 $0x80000000, s30  }
0x20b: {  	(xrf0) =	vadd.scan.msk.s32 $0xffff, v3;
	v3 =	vmov s31  }
0x20c: {  	v54 =	vxor.u32 $0x80000000, v13;
	vm8 =	veq.s32 v3, v0  }
0x20d: {  	(xrf0) =	vmax.scan.msk.u32 $0xffff, v54;
	v3 =	vnsel vm8, $0x0, v10  }
0x20e: {  	v2 =	vperm.xlane v52, v2;
	(xrf0) =	vadd.scan.msk.s32 $0xffff, v52  }
0x20f: {  	(xrf0) =	vadd.scan.msk.s32 $0xffff, v3  }
0x210: {  	v3, _, _ =	vpop (xrf0);
	(xrf0) =	vadd.scan.msk.s32 $0xffff, v2  }
0x211: {  	s24 =	spop (v2sf);
	v55, _, _ =	vpop (xrf0)  }
0x212: {  	[dreg:$0x7] =	wrdreg s20;
	s29 =	spop (v2sf);
	v56, _, _ =	vpop (xrf0)  }
0x213: {  	[dreg:$0xa] =	wrdreg s22;
	s22 =	sadd.s32 s20, s24;
	s20 =	spop (v2sf);
	v57, _, _ =	vpop (xrf0)  }
0x214: {  	[dreg:$0x9] =	wrdreg s20;
	v58 =	vadd.s32 s22, v55;
	s20 =	spop (v2sf);
	v59, _, _ =	vpop (xrf0)  }
0x215: {  	vm9 =	vge.s32 v58, v1;
	s24 =	spop (v2sf);
	v60, _, _ =	vpop (xrf0)  }
0x216: {  	(v2sf) =	vpush v47, $0xF;
	[dreg:$0xe] =	wrdreg s29;
	v5 =	vnsel vm8, $0x0, v5;
	v16 =	vmctz.xlane vm9;
	s29 =	sxor.u32 $0x80000000, s20;
	s24 =	sadd.s32 s22, s24;
	v17, _, _ =	vpop (xrf0)  }
0x217: {  	(v2sf) =	vpush v3, $0xF;
	v18 =	vmov s29;
	v19 =	vadd.s32 s24, v17  }
0x218: {  	s12 =	simm.s32 @p3 $0x1;
	(xrf0) =	vadd.scan.msk.s32 $0xffff, v5;
	vm10 =	veq.s32 v18, v0;
	v5 =	vxor.u32 $0x80000000, v16;
	vm11 =	vge.s32 v19, v1  }
0x219: {  	p5 =	seq.s32 s12, $0x0;
	p4 =	slt.s32 s1, $0x10;
	(v2sf) =	vpush v57, $0xF;
	(xrf0) =	vmax.scan.msk.u32 $0xffff, v5;
	v5 =	vnsel vm10, $0x0, v38;
	v61 =	vmctz.xlane vm11  }
0x21a: {  	p4 =	por !p5, !p4;
	v62 =	vnsel vm10, $0x0, v9;
	(xrf0) =	vadd.scan.msk.s32 $0xffff, v5  }
0x21b: {  	p6 =	por !p4, !p4;
	(v2sf) =	vpush v59, $0xF;
	(xrf0) =	vadd.scan.msk.s32 $0xffff, v62;
	v3 =	vxor.u32 $0x80000000, v61  }
0x21c: {  	s12 =	simm.s32 @p6 $0x1;
	(v2sf) =	vpush v56, $0xF;
	(xrf0) =	vmax.scan.msk.u32 $0xffff, v3  }
0x21d: {  	s4 =	smov.u32 @p2 s26;
	p5 =	seq.s32 s12, $0x0;
	p4 =	slt.s32 s3, $0x10;
	(v2sf) =	vpush v60, $0xF  }
0x21e: {  	p3 =	por p3, p3;
	p1 =	por p1, p1;
	p4 =	por !p5, !p4;
	v3, _, _ =	vpop (xrf0)  }
0x21f: {  	p0 =	por p0, p0;
	s0 =	simm.s32 @!p3 $0x0;
	p4 =	por !p4, !p4;
	v5, _, _ =	vpop (xrf0)  }
0x220: {  	s5 =	smov.u32 @p3 s21;
	s0 =	simm.s32 @p3 $0x1;
	s12 =	simm.s32 @p4 $0x1;
	(v2sf) =	vpush v5, $0xF;
	v5, _, _ =	vpop (xrf0)  }
0x221: {  	[smem:$0x7FB] =	sst s0;
	p2 =	seq.s32 s12, $0x0;
	p5 =	slt.s32 s31, $0x10;
	(v2sf) =	vpush v3, $0xF;
	v3, _, _ =	vpop (xrf0)  }
0x222: {  	p0 =	por p0, p0;
	s31 =	rddreg [dreg:$0xb];
	p2 =	por !p2, !p5;
	(v2sf) =	vpush v5, $0xF;
	v5, _, _ =	vpop (xrf0)  }
0x223: {  	[dreg:$0x6] =	wrdreg s2;
	s9 =	sadd.s32 s9, s31;
	p2 =	por !p2, !p2;
	(v2sf) =	vpush v5, $0xF  }
0x224: {  	s2 =	ssub.s32 s19, s28;
	s9 =	ssub.s32 s9, s25;
	s12 =	simm.s32 @p2 $0x1  }
0x225: {  	s0 =	simm.s32 @!p2 $0x0;
	s4 =	smov.u32 @p1 s9;
	p3 =	seq.s32 s12, $0x0  }
0x226: {  	p5 =	slt.s32 s29, $0x10;
	[dreg:$0x8] =	wrdreg s24;
	s24 =	spop (v2sf)  }
0x227: {  	s0 =	simm.s32 @p2 $0x1;
	p2 =	por !p3, !p5;
	s26 =	spop (v2sf)  }
0x228: {  	s9 =	rddreg [dreg:$0xc];
	p5 =	por !p2, !p2;
	s3 =	spop (v2sf)  }
0x229: {  	[smem:$0x7FA] =	sst s0;
	s12 =	simm.s32 @p5 $0x1;
	s1 =	sxor.u32 $0x80000000, s3  }
0x22a: {  	p2 =	seq.s32 s12, $0x0;
	s0 =	spop (v2sf);
	p3 =	slt.s32 s1, $0x10  }
0x22b: {  	s21 =	spop (v2sf);
	p2 =	por !p2, !p3;
	p3 =	por p6, p6  }
0x22c: {  	p5 =	por p5, p5;
	s29 =	spop (v2sf);
	s5 =	smov.u32 @p3 s2  }
0x22d: {  	s2 =	sadd.s32 s6, s9;
	s6 =	ssub.s32 s14, s23;
	s23 =	rddreg [dreg:$0xd]  }
0x22e: {  	v5 =	vmov s1;
	s1 =	simm.s32 @!p3 $0x0;
	p6 =	por !p2, !p2;
	s9 =	sld [smem:$0x7FA]  }
0x22f: {  	s14 =	rddreg [dreg:$0x9];
	s17 =	sadd.s32 s17, s29;
	s31 =	spop (v2sf)  }
0x230: {  	s1 =	simm.s32 @p3 $0x1;
	s12 =	simm.s32 @p6 $0x1;
	s19 =	spop (v2sf)  }
0x231: {  	vm12 =	veq.s32 v5, v0;
	[smem:$0x7FC] =	sst s1;
	s0 =	sxor.u32 $0x80000000, s31;
	s28 =	spop (v2sf)  }
0x232: {  	v4 =	vnsel vm12, $0x0, v4;
	p3 =	seq.s32 s12, $0x0;
	v5 =	vmov s0;
	p2 =	slt.s32 s0, $0x10;
	s25 =	spop (v2sf)  }
0x233: {  	v6 =	vnsel vm12, $0x0, v43;
	(xrf0) =	vadd.scan.msk.s32 $0xffff, v4;
	s0 =	ssub.s32 s2, s23;
	s2 =	ssub.s32 s13, s30;
	vm13 =	veq.s32 v5, v0;
	s1 =	sxor.u32 $0x80000000, s25  }
0x234: {  	(xrf0) =	vadd.scan.msk.s32 $0xffff, v6;
	s13 =	sld [smem:$0x7FC];
	s4 =	smov.u32 @p0 s0;
	p0 =	por p4, p4;
	v4 =	vnsel vm13, $0x0, v55;
	v5 =	vmov s1  }
0x235: {  	p1 =	por !p3, !p2;
	p3 =	seq.s32 s9, $0x1;
	v63 =	vnsel vm13, $0x0, v53;
	s0 =	simm.s32 @!p0 $0x0;
	(xrf0) =	vadd.scan.msk.s32 $0xffff, v4;
	vm14 =	veq.s32 v5, v0  }
0x236: {  	p4 =	por !p1, !p1;
	s5 =	smov.u32 @p0 s6;
	s6 =	rddreg [dreg:$0xa];
	(xrf0) =	vadd.scan.msk.s32 $0xffff, v63;
	v0 =	vnsel vm14, $0x0, v17  }
0x237: {  	s0 =	simm.s32 @p0 $0x1;
	s12 =	simm.s32 @p4 $0x1;
	p2 =	slt.s32 s1, $0x10;
	v2 =	vnsel vm14, $0x0, v2;
	(xrf0) =	vadd.scan.msk.s32 $0xffff, v0  }
0x238: {  	p0 =	por p3, p3;
	s1 =	ssub.s32 s11, s20;
	p3 =	por p6, p6;
	(xrf0) =	vadd.scan.msk.s32 $0xffff, v2  }
0x239: {  	(v2sf) =	vpush v3, $0xF;
	p4 =	por p4, p4;
	[smem:$0x7FD] =	sst s0;
	s0 =	sadd.s32 s7, s6;
	v0, _, _ =	vpop (xrf0)  }
0x23a: {  	p1 =	seq.s32 s12, $0x0;
	s7 =	rddreg [dreg:$0xe];
	s5 =	smov.u32 @p0 s2;
	(v2sf) =	vpush v0, $0xF;
	v0, _, _ =	vpop (xrf0)  }
0x23b: {  	s12 =	sld [smem:$0x7FB];
	p0 =	por p0, p0;
	s0 =	ssub.s32 s0, s7;
	(v2sf) =	vpush v0, $0xF;
	v0, _, _ =	vpop (xrf0)  }
0x23c: {  	p1 =	por !p1, !p2;
	s5 =	smov.u32 @p5 s1;
	s1 =	ssub.s32 s16, s3;
	(v2sf) =	vpush v0, $0xF;
	v0, _, _ =	vpop (xrf0)  }
0x23d: {  	s16 =	sadd.s32 s10, s26;
	p0 =	por p0, p0;
	s5 =	smov.u32 @p3 s1;
	(v2sf) =	vpush v0, $0xF;
	v0, _, _ =	vpop (xrf0)  }
0x23e: {  	s1 =	ssub.s32 s15, s31;
	p1 =	por !p1, !p1;
	p6 =	seq.s32 s12, $0x1;
	(v2sf) =	vpush v0, $0xF;
	v0, _, _ =	vpop (xrf0)  }
0x23f: {  	s15 =	sld [smem:$0x7FD];
	s5 =	smov.u32 @p4 s1;
	p2 =	por p6, p6;
	(v2sf) =	vpush v0, $0xF  }
0x240: {  	s1 =	ssub.s32 s18, s25;
	p6 =	por p2, p2;
	p2 =	por p1, p1  }
0x241: {  	p3 =	por p3, p3;
	s18 =	rddreg [dreg:$0x6];
	s5 =	smov.u32 @p2 s1  }
0x242: {  	s4 =	smov.u32 @p6 s0;
	p6 =	seq.s32 s13, $0x1;
	s1 =	sshll.u32 s5, $0x4  }
0x243: {  	s0 =	sadd.s32 s8, s14;
	p1 =	por p6, p6;
	p6 =	seq.s32 s15, $0x1;
	v0 =	vld [tilespmem:s1+$0x6000]  }
0x244: {  	v2 =	vlaneseq.u32;
	s0 =	ssub.s32 s0, s24;
	p1 =	por p1, p1;
	p6 =	por p6, p6  }
0x245: {  	v2 =	vmul.u32 $0xFFFFFFFF, v2;
	s4 =	smov.u32 @p1 s0;
	p1 =	por p6, p6;
	s0 =	ssub.s32 s16, s21  }
0x246: {  	p6 =	por p5, p5;
	s21 =	rddreg [dreg:$0x7];
	p5 =	por p4, p4  }
0x247: {  	v2 =	vadd.s32 $0xF, v2;
	s4 =	smov.u32 @p1 s0;
	s0 =	ssub.s32 s17, s19;
	s1 =	sadd.s32 s18, s28  }
0x248: {  	s19 =	spop (v2sf);
	s28 =	rddreg [dreg:$0x8];
	s4 =	smov.u32 @p0 s0;
	v0 =	vperm.xlane v0, v2  }
0x249: {  	p0 =	por p6, p6;
	s0 =	ssub.s32 s1, s19;
	s20 =	spop (v2sf)  }
0x24a: {  	s4 =	smov.u32 @p0 s0;
	(xrf0) =	vadd.scan.msk.s32 $0xffff, v0;
	s0 =	sadd.s32 s21, s20;
	s23 =	spop (v2sf)  }
0x24b: {  	p0 =	por p3, p3;
	s0 =	ssub.s32 s0, s23;
	s24 =	spop (v2sf)  }
0x24c: {  	p6 =	por p2, p2;
	s4 =	smov.u32 @p0 s0;
	s25 =	spop (v2sf)  }
0x24d: {  	p0 =	por p5, p5;
	s1 =	sadd.s32 s22, s24;
	s26 =	spop (v2sf)  }
0x24e: {  	s0 =	ssub.s32 s1, s25;
	s1 =	sadd.s32 s28, s26;
	s29 =	spop (v2sf)  }
0x24f: {  	s4 =	smov.u32 @p0 s0;
	p0 =	por p6, p6;
	s0 =	ssub.s32 s1, s29  }
0x250: {  	v2, _, _ =	vpop (xrf0);
	s4 =	smov.u32 @p0 s0  }
0x251: {  	v2 =	vadd.s32 s4, v2  }
0x252: {  	vm15 =	vge.s32 v2, v1  }
0x253: {  	v1 =	vmctz.xlane vm15;
	_ =	sdelay $0x1  }
0x254: {  	v1 =	vxor.u32 $0x80000000, v1  }
0x255: {  	(xrf0) =	vmax.scan.msk.u32 $0xffff, v1;
	_ =	sdelay $0x5  }
0x256: {  	v1, _, _ =	vpop (xrf0)  }
0x257: {  	(v2sf) =	vpush v1, $0xF;
	_ =	sdelay $0xe  }
0x258: {  	s30 =	spop (v2sf)  }
0x259: {  	s31 =	sshllo.u32 s5, $0x4;
	s0 =	sxor.u32 $0x80000000, s30  }
0x25a: {  	s4 =	ssub.s32 s31, s0  }
0x25b: {  	v3 =	vimm.s32 $0x1;
	s2 =	simm.s32 $0x8200;
	s3 =	simm.s32 $0x8400;
	s1 =	simm.s32 $0x0;
	v1 =	vmov s4  }
.LBB2_10:
0x25c: {  	s5 =	sshra.s32 s1, $0x2  }
0x25d: {  	v4 =	vld [tilespmem:s5+$0x4000];
	_ =	sdelay $0x4  }
0x25e: {  	v5 =	vshrl.u32 v4, $0x12  }
0x25f: {  	vm0 =	veq.s32 v5, v1;
	v5 =	vshrl.u32 v4, $0x9  }
0x260: {  	v4 =	vshrl.u32 v4, $0xD;
	v5 =	vand.u32 $0x1FF, v5  }
0x261: {  	v4 =	vand.u32 $0x1F, v4;
	_ =	sdelay $0x3  }
0x262: {  	[tilespmem:v5+s2+$0x0] =	vst.idx.add.s32.msk vm0, v3  }
0x263: {  	[tilespmem:v4+s3+$0x0] =	vst.idx.add.s32.msk vm0, v3  }
0x264: {  	v4 =	vld [tilespmem:s5+$0x4010];
	_ =	sdelay $0x4  }
0x265: {  	v5 =	vshrl.u32 v4, $0x12  }
0x266: {  	vm9 =	veq.s32 v5, v1;
	v5 =	vshrl.u32 v4, $0x9  }
0x267: {  	v4 =	vshrl.u32 v4, $0xD;
	v5 =	vand.u32 $0x1FF, v5  }
0x268: {  	v4 =	vand.u32 $0x1F, v4;
	_ =	sdelay $0x3  }
0x269: {  	[tilespmem:v5+s2+$0x0] =	vst.idx.add.s32.msk vm9, v3  }
0x26a: {  	[tilespmem:v4+s3+$0x0] =	vst.idx.add.s32.msk vm9, v3  }
0x26b: {  	v4 =	vld [tilespmem:s5+$0x4020];
	_ =	sdelay $0x4  }
0x26c: {  	v5 =	vshrl.u32 v4, $0x12  }
0x26d: {  	vm10 =	veq.s32 v5, v1;
	v5 =	vshrl.u32 v4, $0x9  }
0x26e: {  	v4 =	vshrl.u32 v4, $0xD;
	v5 =	vand.u32 $0x1FF, v5  }
0x26f: {  	v4 =	vand.u32 $0x1F, v4;
	_ =	sdelay $0x3  }
0x270: {  	[tilespmem:v5+s2+$0x0] =	vst.idx.add.s32.msk vm10, v3  }
0x271: {  	[tilespmem:v4+s3+$0x0] =	vst.idx.add.s32.msk vm10, v3  }
0x272: {  	v4 =	vld [tilespmem:s5+$0x4030];
	_ =	sdelay $0x4  }
0x273: {  	v5 =	vshrl.u32 v4, $0x12  }
0x274: {  	vm11 =	veq.s32 v5, v1;
	v5 =	vshrl.u32 v4, $0x9  }
0x275: {  	v4 =	vshrl.u32 v4, $0xD;
	v5 =	vand.u32 $0x1FF, v5  }
0x276: {  	v4 =	vand.u32 $0x1F, v4;
	_ =	sdelay $0x3  }
0x277: {  	[tilespmem:v5+s2+$0x0] =	vst.idx.add.s32.msk vm11, v3  }
0x278: {  	[tilespmem:v4+s3+$0x0] =	vst.idx.add.s32.msk vm11, v3  }
0x279: {  	v4 =	vld [tilespmem:s5+$0x4040];
	_ =	sdelay $0x4  }
0x27a: {  	v5 =	vshrl.u32 v4, $0x12  }
0x27b: {  	vm12 =	veq.s32 v5, v1;
	v5 =	vshrl.u32 v4, $0x9  }
0x27c: {  	v4 =	vshrl.u32 v4, $0xD;
	v5 =	vand.u32 $0x1FF, v5  }
0x27d: {  	v4 =	vand.u32 $0x1F, v4;
	_ =	sdelay $0x3  }
0x27e: {  	[tilespmem:v5+s2+$0x0] =	vst.idx.add.s32.msk vm12, v3  }
0x27f: {  	[tilespmem:v4+s3+$0x0] =	vst.idx.add.s32.msk vm12, v3  }
0x280: {  	v4 =	vld [tilespmem:s5+$0x4050];
	_ =	sdelay $0x4  }
0x281: {  	v5 =	vshrl.u32 v4, $0x12  }
0x282: {  	vm13 =	veq.s32 v5, v1;
	v5 =	vshrl.u32 v4, $0x9  }
0x283: {  	v4 =	vshrl.u32 v4, $0xD;
	v5 =	vand.u32 $0x1FF, v5  }
0x284: {  	v4 =	vand.u32 $0x1F, v4;
	_ =	sdelay $0x3  }
0x285: {  	[tilespmem:v5+s2+$0x0] =	vst.idx.add.s32.msk vm13, v3  }
0x286: {  	[tilespmem:v4+s3+$0x0] =	vst.idx.add.s32.msk vm13, v3  }
0x287: {  	v4 =	vld [tilespmem:s5+$0x4060];
	_ =	sdelay $0x4  }
0x288: {  	v5 =	vshrl.u32 v4, $0x12  }
0x289: {  	vm14 =	veq.s32 v5, v1;
	v5 =	vshrl.u32 v4, $0x9  }
0x28a: {  	v4 =	vshrl.u32 v4, $0xD;
	v5 =	vand.u32 $0x1FF, v5  }
0x28b: {  	v4 =	vand.u32 $0x1F, v4;
	_ =	sdelay $0x3  }
0x28c: {  	[tilespmem:v5+s2+$0x0] =	vst.idx.add.s32.msk vm14, v3  }
0x28d: {  	[tilespmem:v4+s3+$0x0] =	vst.idx.add.s32.msk vm14, v3  }
0x28e: {  	v4 =	vld [tilespmem:s5+$0x4070];
	_ =	sdelay $0x4  }
0x28f: {  	v5 =	vshrl.u32 v4, $0x12  }
0x290: {  	vm15 =	veq.s32 v5, v1;
	v5 =	vshrl.u32 v4, $0x9  }
0x291: {  	v4 =	vshrl.u32 v4, $0xD;
	v5 =	vand.u32 $0x1FF, v5  }
0x292: {  	p0 =	sne.s32 s1, $0x7E00;
	v4 =	vand.u32 $0x1F, v4  }
.Ltmp5:
0x293: {  	_ = 	snop;
	(pc) =	sbr.rel @p0 .LBB2_10-.Ltmp5, $3  }
0x294: {  	_ =	sdelay $0x1  }
0x295: {  	[tilespmem:v5+s2+$0x0] =	vst.idx.add.s32.msk vm15, v3  }
0x296: {  	s1 =	sadd.s32 $0x200, s1;
	[tilespmem:v4+s3+$0x0] =	vst.idx.add.s32.msk vm15, v3  }
0x297: {  	v1 =	vmov s0;
	v3 =	vlaneseq.u32  }
0x298: {  	vm0 =	veq.s32 v1, v3  }
0x299: {  	v1 =	vnsel vm0, $0x0, v2  }
0x29a: {  	v0 =	vnsel vm0, $0x0, v0;
	(xrf0) =	vadd.scan.msk.s32 $0xffff, v1  }
0x29b: {  	(xrf0) =	vadd.scan.msk.s32 $0xffff, v0;
	_ =	sdelay $0x4  }
0x29c: {  	v39, _, _ =	vpop (xrf0)  }
0x29d: {  	(v2sf) =	vpush v39, $0xF;
	v40, _, _ =	vpop (xrf0)  }
0x29e: {  	(v2sf) =	vpush v40, $0xF;
	_ =	sdelay $0x3  }
0x29f: {  	v41 =	vld [tilespmem:$0x8410];
	_ =	sdelay $0x1  }
0x2a0: {  	v42 =	vmul.u32 $0xFFFFFFFF, v3;
	_ =	sdelay $0x1  }
0x2a1: {  	v1 =	vadd.s32 $0xF, v42  }
0x2a2: {  	v43 =	vperm.xlane v41, v1;
	_ =	sdelay $0x1  }
0x2a3: {  	(xrf0) =	vadd.scan.msk.s32 $0xffff, v43;
	_ =	sdelay $0x2  }
0x2a4: {  	s20 =	spop (v2sf)  }
0x2a5: {  	s1 =	spop (v2sf)  }
0x2a6: {  	v4 =	vld [tilespmem:$0x8400];
	s21 =	rddreg [dreg:$0x5];
	s0 =	ssub.s32 s1, s20  }
0x2a7: {  	v5, _, _ =	vpop (xrf0);
	s0 =	sadd.s32 s21, s0  }
0x2a8: {  	vm9 =	vge.s32 v5, s0  }
0x2a9: {  	v6 =	vmctz.xlane vm9;
	_ =	sdelay $0x1  }
0x2aa: {  	v4 =	vperm.xlane v4, v1;
	v6 =	vxor.u32 $0x80000000, v6  }
0x2ab: {  	(xrf0) =	vmax.scan.msk.u32 $0xffff, v6  }
0x2ac: {  	(xrf0) =	vadd.scan.msk.s32 $0xffff, v4  }
0x2ad: {  	(xrf0) =	vadd.scan.msk.s32 $0xffff, v41;
	_ =	sdelay $0x3  }
0x2ae: {  	v44, _, _ =	vpop (xrf0)  }
0x2af: {  	v45, _, _ =	vpop (xrf0)  }
0x2b0: {  	v7, _, _ =	vpop (xrf0)  }
0x2b1: {  	v7 =	vbroadcast v7, $0xF;
	_ =	sdelay $0x1  }
0x2b2: {  	v6 =	vadd.s32 v7, v45  }
0x2b3: {  	vm10 =	vge.s32 v6, s0  }
0x2b4: {  	v46 =	vmctz.xlane vm10;
	_ =	sdelay $0x1  }
0x2b5: {  	v7 =	vxor.u32 $0x80000000, v46  }
0x2b6: {  	(xrf0) =	vmax.scan.msk.u32 $0xffff, v7;
	_ =	sdelay $0x5  }
0x2b7: {  	(v2sf) =	vpush v44, $0xF;
	v47, _, _ =	vpop (xrf0)  }
0x2b8: {  	(v2sf) =	vpush v47, $0xF;
	_ =	sdelay $0xd  }
0x2b9: {  	s22 =	spop (v2sf)  }
0x2ba: {  	s2 =	sxor.u32 $0x80000000, s22;
	s3 =	spop (v2sf)  }
0x2bb: {  	v48 =	vmov s2;
	s5 =	sxor.u32 $0x80000000, s3  }
0x2bc: {  	vm11 =	veq.s32 v48, v3;
	v49 =	vmov s5  }
0x2bd: {  	v5 =	vnsel vm11, $0x0, v5;
	vm1 =	veq.s32 v49, v3  }
0x2be: {  	(xrf0) =	vadd.scan.msk.s32 $0xffff, v5;
	v0 =	vnsel vm1, $0x0, v6  }
0x2bf: {  	v50 =	vnsel vm11, $0x0, v43;
	(xrf0) =	vadd.scan.msk.s32 $0xffff, v0  }
0x2c0: {  	v51 =	vnsel vm1, $0x0, v4;
	(xrf0) =	vadd.scan.msk.s32 $0xffff, v50  }
0x2c1: {  	(xrf0) =	vadd.scan.msk.s32 $0xffff, v51;
	_ =	sdelay $0x2  }
0x2c2: {  	v52, _, _ =	vpop (xrf0)  }
0x2c3: {  	(v2sf) =	vpush v52, $0xF;
	v53, _, _ =	vpop (xrf0)  }
0x2c4: {  	(v2sf) =	vpush v53, $0xF;
	v54, _, _ =	vpop (xrf0)  }
0x2c5: {  	(v2sf) =	vpush v54, $0xF;
	v55, _, _ =	vpop (xrf0)  }
0x2c6: {  	(v2sf) =	vpush v55, $0xF  }
0x2c7: {  	s1 =	ssub.s32 $0x1F, s22;
	p0 =	slt.s32 s2, $0x10;
	s2 =	ssub.s32 $0xF, s3  }
0x2c8: {  	s2 =	smov.u32 @p0 s1  }
0x2c9: {  	s1 =	sshll.u32 s2, $0x4  }
0x2ca: {  	v56 =	vld [tilespmem:s1+$0x8200];
	_ =	sdelay $0x4  }
0x2cb: {  	v0 =	vperm.xlane v56, v1;
	_ =	sdelay $0x1  }
0x2cc: {  	(xrf0) =	vadd.scan.msk.s32 $0xffff, v0  }
0x2cd: {  	s2 =	spop (v2sf)  }
0x2ce: {  	s3 =	spop (v2sf)  }
0x2cf: {  	s5 =	spop (v2sf)  }
0x2d0: {  	s6 =	spop (v2sf)  }
0x2d1: {  	s3 =	smov.u32 @p0 s2;
	s6 =	smov.u32 @p0 s5  }
0x2d2: {  	v57, _, _ =	vpop (xrf0);
	s2 =	ssub.s32 s3, s6  }
0x2d3: {  	v1 =	vadd.s32 s2, v57  }
0x2d4: {  	vm12 =	vge.s32 v1, s0  }
0x2d5: {  	v58 =	vmctz.xlane vm12;
	_ =	sdelay $0x1  }
0x2d6: {  	v2 =	vxor.u32 $0x80000000, v58  }
0x2d7: {  	(xrf0) =	vmax.scan.msk.u32 $0xffff, v2;
	_ =	sdelay $0x5  }
0x2d8: {  	v2, _, _ =	vpop (xrf0)  }
0x2d9: {  	(v2sf) =	vpush v2, $0xF;
	_ =	sdelay $0xe  }
0x2da: {  	s23 =	spop (v2sf)  }
0x2db: {  	s2 =	sxor.u32 $0x80000000, s23  }
0x2dc: {  	v59 =	vmov s2  }
0x2dd: {  	vm13 =	veq.s32 v59, v3  }
0x2de: {  	v1 =	vnsel vm13, $0x0, v1  }
0x2df: {  	v0 =	vnsel vm13, $0x0, v0;
	(xrf0) =	vadd.scan.msk.s32 $0xffff, v1  }
0x2e0: {  	(xrf0) =	vadd.scan.msk.s32 $0xffff, v0;
	_ =	sdelay $0x4  }
0x2e1: {  	v60, _, _ =	vpop (xrf0)  }
0x2e2: {  	(v2sf) =	vpush v60, $0xF;
	v61, _, _ =	vpop (xrf0)  }
0x2e3: {  	(v2sf) =	vpush v61, $0xF;
	_ =	sdelay $0xd  }
0x2e4: {  	s24 =	sshll.u32 s4, $0x9;
	s25 =	spop (v2sf)  }
0x2e5: {  	s1 =	sadd.s32 s24, s1;
	s26 =	spop (v2sf)  }
0x2e6: {  	s1 =	sor.u32 $0xF, s1;
	s0 =	sadd.s32 s0, s26  }
0x2e7: {  	vm14 =	vcmask $0x300;
	s1 =	ssub.s32 s1, s2;
	s0 =	ssub.s32 s0, s25  }
0x2e8: {  	vm15 =	vcmask $0x704;
	v62 =	vmov s1;
	v63 =	vmov s0  }
0x2e9: {  	v0 =	vnsel vm14, $0x0, v62;
	v1 =	vnsel vm15, $0x0, v63  }
0x2ea: {  	s28 =	simm.s32 $0x0;
	v0 =	vadd.s32 v0, v1  }
0x2eb: {  	s29 =	simm.s32 $0x8500;
	s30 =	rddreg [dreg:$0x4];
	s31 =	simm.s32 $0x3;
	[tilespmem:$0x8500] =	vst v0  }
0x2ec: {  	[hbm4b:s30+s28] =	stream.linear.scatter [tilespmem:s29], [sflag:$0x3], $0x80, $0x38;
	[tilespmem:$0x8580] =	vst v63  }
0x2ed: {  	_ =	swait.ge [sflag:s31], $0x80  }
0x2ee: {  	[sflag:s31] =	ssyncset.done $0x0  }
0x2ef: {  	[sflag:s31] =	ssyncadd.s32 $0xFFFFFF80  }
0x2f0: {  	s5 =	stileid.u32;
	s4 =	rddreg [dreg:$0x3]  }
.LBB2_12:
0x2f1: {  	_ =	sfence.sel $0x180000  }
0x2f2: {  	[bflag:$0x0] =	sbarrier.arrive $0xFFFF  }
0x2f3: {  	p0 =	sne.s32 s5, $0x0;
	_ =	strace $0x90000047  }
0x2f4: {  	s0 =	sadd.s32 @!p0 $0x100000, s4;
	[bflag:$0x2] =	sbarrier.arrive $0xFFFF  }
0x2f5: {  	[sflag:s0] =	ssyncadd.tile.s32 @!p0 $0x1;
	_ =	shalt  }
.Lfunc_end2:
_tile_overlayer_lowered:
.L_overlay_start_2:
0x2f6: {  	(tag) =	ssettag $0x2  }
0x2f7: {  	s0 =	rddreg [dreg:$0x0];
	s2 =	stileid.u32  }
0x2f8: {  	s1 =	rddreg [dreg:$0x1];
	p0 =	sne.s32 s2, $0x0  }
0x2f9: {  	s3 =	rddreg [dreg:$0x2];
	[bflag:$0x3] =	sbarrier.arrive $0xFFFF;
	s2 =	simm.s32 @!p0 $0x1C03  }
0x2fa: {  	[timem:s3], [sflag:s2] =	dma.local @!p0 [hbm:s0], s1  }
0x2fb: {  	s0 =	simm.s32 @!p0 $0x3  }
0x2fc: {  	_ =	swait.ge @!p0 [sflag:s0], s1  }
0x2fd: {  	s1 =	ssub.s32 @!p0 $0x0, s1;
	[sflag:s0] =	ssyncset.done @!p0 $0x0  }
0x2fe: {  	[sflag:s0] =	ssyncadd.s32 @!p0 s1  }
0x2ff: {  	[bflag:$0x3] =	sbarrier.arrive $0xFFFF  }
0x300: {  	_ =	shalt  }

</sc_bundles>
